<compile_context>
chip_gen: v7x
topology: tpu7x:2x2x1
jax: 0.10.2.dev20260603
libtpu: 0.0.44.dev20260713+nightly
codegen_flags: <defaults>
</compile_context>

<pallas_src>
import functools

import jax
import jax.numpy as jnp
from jax import lax
from jax.experimental import pallas as pl
from jax.experimental.pallas import tpu as pltpu
from jax.experimental.pallas import tpu_sc as plsc

N_ENT = 10000
N_EDGE = 160000
N_REL = 400
D = 128
NQ = 40000
ALPHA = 0.8
HALF = N_EDGE // 2

NC = 2
NS = 16
K = 128
NROWS = 10112
ROWS_PER_TILE = NROWS // NS
ZROWS = 158
DUMMY = N_ENT

HALFP = 81920
E_PER_TILE = HALFP // NS
ECH_TILE = E_PER_TILE // K
ECHUNKS = HALF // K
NQP = 40960
QCHUNKS = NQP // K

_mesh = plsc.VectorSubcoreMesh(core_axis_name="c", subcore_axis_name="s")


@functools.partial(
    pl.kernel,
    out_type=jax.ShapeDtypeStruct((NC, NROWS, D), jnp.float32),
    mesh=_mesh,
    scratch_types=[
        pltpu.VMEM_SHARED((NROWS, D), jnp.float32),
        pltpu.VMEM((8, K), jnp.int32),
        pltpu.VMEM((K, D), jnp.float32),
        pltpu.SemaphoreType.DMA,
    ],
)
def _cnt_kernel(dst2_hbm, z128_hbm, ones_hbm, c_hbm, cnt, didx, ones, sem):
    c = lax.axis_index("c")
    s = lax.axis_index("s")
    r0 = s * ROWS_PER_TILE
    for j in range(ROWS_PER_TILE // ZROWS):
        pltpu.sync_copy(z128_hbm, cnt.at[pl.ds(r0 + j * ZROWS, ZROWS)])
    pltpu.sync_copy(ones_hbm, ones)
    row0 = (c * NS + s) * ECH_TILE
    plsc.subcore_barrier()

    @pl.loop(0, ECH_TILE // 8)
    def _(g):
        pltpu.sync_copy(dst2_hbm.at[pl.ds(row0 + g * 8, 8)], didx)
        ds_ = [pltpu.async_copy(ones, cnt.at[didx.at[u]], sem, add=True)
               for u in range(8)]
        for d in ds_:
            d.wait()

    plsc.subcore_barrier()
    pltpu.sync_copy(cnt.at[pl.ds(r0, ROWS_PER_TILE)],
                    c_hbm.at[c, pl.ds(r0, ROWS_PER_TILE)])


@functools.partial(
    pl.kernel,
    out_type=jax.ShapeDtypeStruct((NC, NROWS, D), jnp.float32),
    mesh=_mesh,
    scratch_types=[
        pltpu.VMEM_SHARED((NROWS, D), jnp.float32),
        pltpu.VMEM_SHARED((N_REL, D), jnp.float32),
        pltpu.VMEM((K, D), jnp.float32),
        pltpu.VMEM((K, D), jnp.float32),
        pltpu.VMEM((3, K), jnp.int32),
        pltpu.SemaphoreType.DMA,
        pltpu.SemaphoreType.DMA,
    ],
)
def _edge_kernel(x_hbm, rneg_hbm, eidx_hbm, qidx_hbm, z128_hbm,
                 a_hbm, acc, rtab, xbuf, rbuf, ibuf, semx, semr):
    c = lax.axis_index("c")
    s = lax.axis_index("s")

    r0 = s * ROWS_PER_TILE
    for j in range(ROWS_PER_TILE // ZROWS):
        pltpu.sync_copy(z128_hbm, acc.at[pl.ds(r0 + j * ZROWS, ZROWS)])

    @pl.when(s == 0)
    def _():
        pltpu.sync_copy(rneg_hbm, rtab)

    plsc.subcore_barrier()

    @pl.loop(s, ECHUNKS, step=NS)
    def _(j):
        pltpu.sync_copy(eidx_hbm.at[:, pl.ds(c * HALF + j * K, K)], ibuf)
        gx = pltpu.async_copy(x_hbm.at[ibuf.at[0]], xbuf, semx)
        gr = pltpu.async_copy(rtab.at[ibuf.at[1]], rbuf, semr)
        gx.wait()
        sx = pltpu.async_copy(xbuf, acc.at[ibuf.at[2]], semx, add=True)
        gr.wait()
        sr = pltpu.async_copy(rbuf, acc.at[ibuf.at[2]], semr, add=True)
        sx.wait()
        sr.wait()

    @pl.loop(s, QCHUNKS, step=NS)
    def _(j):
        pltpu.sync_copy(qidx_hbm.at[c, :, pl.ds(j * K, K)], ibuf)
        gr = pltpu.async_copy(rtab.at[ibuf.at[0]], rbuf, semr)
        gx = pltpu.async_copy(x_hbm.at[ibuf.at[1]], xbuf, semx)
        gr.wait()
        gx.wait()

        @plsc.parallel_loop(0, K * D, step=16, unroll=8)
        def _(t):
            i = t // D
            k = t - i * D
            xbuf[i, pl.ds(k, 16)] = (
                xbuf[i, pl.ds(k, 16)] * rbuf[i, pl.ds(k, 16)]) * 0.25

        pltpu.sync_copy(xbuf, acc.at[ibuf.at[2]], add=True)

    plsc.subcore_barrier()
    pltpu.sync_copy(acc.at[pl.ds(r0, ROWS_PER_TILE)],
                    a_hbm.at[c, pl.ds(r0, ROWS_PER_TILE)])


NGX = 7168
GCHUNKS = NGX // K


@functools.partial(
    pl.kernel,
    out_type=(jax.ShapeDtypeStruct((NGX, D), jnp.float32),
              jax.ShapeDtypeStruct((NGX, D), jnp.float32)),
    mesh=_mesh,
    scratch_types=[
        pltpu.VMEM((K,), jnp.int32),
        pltpu.VMEM((K, D), jnp.float32),
    ],
)
def _gather_kernel(x_hbm, r_hbm, ix_hbm, ir_hbm, ox_hbm, or_hbm, ibuf, gbuf):
    c = lax.axis_index("c")
    s = lax.axis_index("s")
    w = s * NC + c

    @pl.loop(w, GCHUNKS, step=NC * NS)
    def _(j):
        pltpu.sync_copy(ix_hbm.at[pl.ds(j * K, K)], ibuf)
        pltpu.sync_copy(x_hbm.at[ibuf], gbuf)
        pltpu.sync_copy(gbuf, ox_hbm.at[pl.ds(j * K, K)])

    @pl.loop(w, GCHUNKS, step=NC * NS)
    def _(j):
        pltpu.sync_copy(ir_hbm.at[pl.ds(j * K, K)], ibuf)
        pltpu.sync_copy(r_hbm.at[ibuf], gbuf)
        pltpu.sync_copy(gbuf, or_hbm.at[pl.ds(j * K, K)])


def _tc_prep_body(r_ref, wr1_ref, wr2_ref,
                  rneg1_ref, rneg2_ref, rfin_ref):
    r = r_ref[...]
    rneg1_ref[...] = (-ALPHA) * r
    r2 = jnp.dot(r, wr1_ref[...], preferred_element_type=jnp.float32)
    rneg2_ref[...] = (-ALPHA) * r2
    rfin_ref[...] = jnp.dot(r2, wr2_ref[...], preferred_element_type=jnp.float32)


def _tc_prep(r, wr1, wr2):
    sds = jax.ShapeDtypeStruct((N_REL, D), jnp.float32)
    return pl.pallas_call(
        _tc_prep_body,
        out_shape=(sds,) * 3,
    )(r, wr1, wr2)


def _tc_dense_body(a_ref, c_ref, x_ref,
                   win_ref, wout_ref, wloop_ref, lr_ref, b_ref, out_ref):
    norm_in = 1.0 / jnp.maximum(c_ref[0, :N_ENT, 0:1], 1.0)
    norm_out = 1.0 / jnp.maximum(c_ref[1, :N_ENT, 0:1], 1.0)
    x = x_ref[...]
    t = jnp.dot(a_ref[0, :N_ENT, :] * norm_in, win_ref[...],
                preferred_element_type=jnp.float32)
    t += jnp.dot(a_ref[1, :N_ENT, :] * norm_out, wout_ref[...],
                 preferred_element_type=jnp.float32)
    t += jnp.dot(x - lr_ref[...], wloop_ref[...],
                 preferred_element_type=jnp.float32)
    out_ref[...] = jnp.tanh(t * (1.0 / 3.0) + b_ref[...])


def _tc_dense(a, cnt, x, w_in, w_out, w_loop, loop_rel, b):
    return pl.pallas_call(
        _tc_dense_body,
        out_shape=jax.ShapeDtypeStruct((N_ENT, D), jnp.float32),
    )(a, cnt, x, w_in, w_out, w_loop, loop_rel, b.reshape(1, D))


def kernel(prop_type, ent_ix, rel_ix, quals_ix, ent_embs, rel_embs,
           edge_index, edge_type, quals,
           w_in1, w_out1, w_loop1, w_rel1, w_in2, w_out2, w_loop2, w_rel2,
           loop_rel1, loop_rel2, b1, b2):
    i32 = jnp.int32
    src = edge_index[0].astype(i32)
    dst = edge_index[1].astype(i32)
    et = edge_type.astype(i32)
    pe = HALFP - HALF
    zpe = jnp.zeros((pe,), i32)
    dpe = jnp.full((pe,), DUMMY, i32)
    eidx = jnp.stack([src, et, dst])
    dst2 = jnp.concatenate(
        [dst[:HALF], dpe, dst[HALF:], dpe]).reshape(-1, K)

    eid = quals[2].astype(i32)
    qd = dst[eid]
    pad = NQP - NQ
    qd_in = jnp.concatenate(
        [jnp.where(eid < HALF, qd, DUMMY), jnp.full((pad,), DUMMY, i32)])
    qd_out = jnp.concatenate(
        [jnp.where(eid >= HALF, qd, DUMMY), jnp.full((pad,), DUMMY, i32)])
    qrel = jnp.concatenate([quals[0].astype(i32), jnp.zeros((pad,), i32)])
    qent = jnp.concatenate([quals[1].astype(i32), jnp.zeros((pad,), i32)])
    qidx = jnp.stack([jnp.stack([qrel, qent, qd_in]),
                      jnp.stack([qrel, qent, qd_out])])

    z128 = jnp.zeros((ZROWS, D), jnp.float32)
    ones128 = jnp.ones((K, D), jnp.float32)

    rneg1, rneg2, rfin = _tc_prep(rel_embs, w_rel1, w_rel2)

    c1 = _cnt_kernel(dst2, z128, ones128)

    a1 = _edge_kernel(ent_embs, rneg1, eidx, qidx, z128)
    x2 = _tc_dense(a1, c1, ent_embs, w_in1, w_out1, w_loop1, loop_rel1, b1)

    a2 = _edge_kernel(x2, rneg2, eidx, qidx, z128)
    x3 = _tc_dense(a2, c1, x2, w_in2, w_out2, w_loop2, loop_rel2, b2)

    idx_x = jnp.concatenate(
        [ent_ix.astype(i32), quals_ix[:, 1::2].reshape(-1).astype(i32)])
    idx_r = jnp.concatenate(
        [rel_ix.astype(i32), quals_ix[:, 0::2].reshape(-1).astype(i32)])
    gx, gr = _gather_kernel(x3, rfin, idx_x, idx_r)

    B = ent_ix.shape[0]
    sub_emb = gx[:B]
    qual_obj_emb = gx[B:].reshape(B, -1, D)
    rel_emb = gr[:B]
    qual_rel_emb = gr[B:].reshape(B, -1, D)
    return (sub_emb, rel_emb, qual_obj_emb, qual_rel_emb, x3, rfin)

# --- scband reference (transcript-rebuilt; emitter-appended) ---
"""Pipeline reference for scband-hyp-rel-encoder-44667659878559 (READ-ONLY COPY).

The authoritative reference and input builder live on the scoring server;
editing this copy changes nothing except your own understanding.
"""

import jax, jax.numpy as jnp
import numpy as np

N_ENT = 10000
N_EDGE = 160000
N_REL = 400
D = 128
NQ = 40000
B = 1024
QP = 6
ALPHA = 0.8


def setup_inputs(seed: int = 0):
    key = jax.random.key(seed)
    ks = jax.random.split(key, 24)
    inp = {}
    inp['prop_type'] = 1
    inp['ent_ix'] = jax.random.randint(ks[0], (B,), 0, N_ENT)
    inp['rel_ix'] = jax.random.randint(ks[1], (B,), 0, N_REL)
    inp['quals_ix'] = jax.random.randint(ks[2], (B, 2 * QP), 0, N_REL)
    inp['ent_embs'] = jax.random.normal(ks[3], (N_ENT, D), dtype=jnp.float32)
    inp['rel_embs'] = jax.random.normal(ks[4], (N_REL, D), dtype=jnp.float32)
    inp['edge_index'] = jax.random.randint(ks[5], (2, N_EDGE), 0, N_ENT)
    inp['edge_type'] = jax.random.randint(ks[6], (N_EDGE,), 0, N_REL)
    q_rel = jax.random.randint(ks[7], (NQ,), 0, N_REL)
    q_ent = jax.random.randint(ks[8], (NQ,), 0, N_ENT)
    q_eid = jax.random.randint(ks[9], (NQ,), 0, N_EDGE)
    inp['quals'] = jnp.stack([q_rel, q_ent, q_eid], axis=0)
    names = ['w_in1', 'w_out1', 'w_loop1', 'w_rel1', 'w_in2', 'w_out2', 'w_loop2', 'w_rel2']
    for i, nm in enumerate(names):
        inp[nm] = jax.random.normal(ks[10 + i], (D, D), dtype=jnp.float32) / np.sqrt(D)
    inp['loop_rel1'] = jax.random.normal(ks[18], (1, D), dtype=jnp.float32)
    inp['loop_rel2'] = jax.random.normal(ks[19], (1, D), dtype=jnp.float32)
    inp['b1'] = jnp.zeros((D,), dtype=jnp.float32)
    inp['b2'] = jnp.zeros((D,), dtype=jnp.float32)
    return inp


def _compgcn_conv(x, rel_embed, edge_index, edge_type, quals, w_in, w_out, w_loop, w_rel, loop_rel, bias):
    # CompGCN/StarE-style conv with qualifier-aware relation embeddings.
    n = x.shape[0]
    e = edge_index.shape[1]
    half = e // 2
    # qualifier embedding: comp(rel_q, ent_q) scatter-added onto the relation of each edge
    q_emb = rel_embed[quals[0]] * x[quals[1]]
    rel_pe = rel_embed[edge_type]
    qual_agg = jnp.zeros_like(rel_pe).at[quals[2]].add(q_emb)
    rel_pe = ALPHA * rel_pe + (1.0 - ALPHA) * qual_agg
    src = edge_index[0]
    dst = edge_index[1]
    # subtraction composition, separate in/out direction weights
    msg_in = (x[src[:half]] - rel_pe[:half]) @ w_in
    msg_out = (x[src[half:]] - rel_pe[half:]) @ w_out
    ones = jnp.ones((half,), dtype=x.dtype)
    deg_in = jax.ops.segment_sum(ones, dst[:half], num_segments=n)
    deg_out = jax.ops.segment_sum(ones, dst[half:], num_segments=n)
    norm_in = 1.0 / jnp.maximum(deg_in, 1.0)
    norm_out = 1.0 / jnp.maximum(deg_out, 1.0)
    agg_in = jax.ops.segment_sum(msg_in, dst[:half], num_segments=n) * norm_in[:, None]
    agg_out = jax.ops.segment_sum(msg_out, dst[half:], num_segments=n) * norm_out[:, None]
    loop_msg = (x - loop_rel) @ w_loop
    out = (agg_in + agg_out + loop_msg) / 3.0 + bias
    return jnp.tanh(out), rel_embed @ w_rel


def reference(prop_type, ent_ix, rel_ix, quals_ix, ent_embs, rel_embs, edge_index, edge_type, quals,
              w_in1, w_out1, w_loop1, w_rel1, w_in2, w_out2, w_loop2, w_rel2,
              loop_rel1, loop_rel2, b1, b2):
    x, r = _compgcn_conv(ent_embs, rel_embs, edge_index, edge_type, quals,
                         w_in1, w_out1, w_loop1, w_rel1, loop_rel1, b1)
    # dropout omitted (eval mode)
    x, r = _compgcn_conv(x, r, edge_index, edge_type, quals,
                         w_in2, w_out2, w_loop2, w_rel2, loop_rel2, b2)
    sub_emb = x[ent_ix]
    rel_emb = r[rel_ix]
    quals_ents = quals_ix[:, 1::2].reshape(-1)
    quals_rels = quals_ix[:, 0::2].reshape(-1)
    qual_obj_emb = x[quals_ents].reshape(sub_emb.shape[0], -1, sub_emb.shape[1])
    qual_rel_emb = r[quals_rels].reshape(rel_emb.shape[0], -1, rel_emb.shape[1])
    return (sub_emb, rel_emb, qual_obj_emb, qual_rel_emb, x, r)

if __name__ == "__main__":
    import jax
    _d = setup_inputs()
    print(jax.jit(kernel)(*tuple(_d.values())))

</pallas_src>

<mosaic_0001>
#map = affine_map<(d0, d1) -> (0, 0)>
#map1 = affine_map<(d0, d1) -> (0, 0, 0)>
module attributes {stable_mosaic.version = 14 : i64} {
  func.func @_edge_kernel(%arg0: i32, %arg1: i32, %arg2: memref<10000x128xf32, #tpu.memory_space<hbm>>, %arg3: memref<400x128xf32, #tpu.memory_space<hbm>>, %arg4: memref<3x160000xi32, #tpu.memory_space<hbm>>, %arg5: memref<2x3x40960xi32, #tpu.memory_space<hbm>>, %arg6: memref<158x128xf32, #tpu.memory_space<hbm>>, %arg7: memref<2x10112x128xf32, #tpu.memory_space<hbm>>, %arg8: memref<10112x128xf32, #tpu.memory_space<vmem_shared>>, %arg9: memref<400x128xf32, #tpu.memory_space<vmem_shared>>, %arg10: memref<128x128xf32, #tpu.memory_space<vmem>>, %arg11: memref<128x128xf32, #tpu.memory_space<vmem>>, %arg12: memref<3x128xi32, #tpu.memory_space<vmem>>, %arg13: memref<!tpu.dma_semaphore, #tpu.memory_space<semaphore_mem>>, %arg14: memref<!tpu.dma_semaphore, #tpu.memory_space<semaphore_mem>>) attributes {dimension_semantics = [#tpu.dimension_semantics<core_parallel>, #tpu.dimension_semantics<subcore_parallel>], iteration_bounds = array<i64: 2, 16>, scalar_prefetch = 0 : i64, scratch_operands = 7 : i64, tpu.core_type = #tpu.core_type<sc_vector_subcore>, window_params = [{transform_indices = #map}, {transform_indices = #map}, {transform_indices = #map}, {transform_indices = #map1}, {transform_indices = #map}, {transform_indices = #map1}]} {
    %mul3A = arith.constant 632 : i32
    %mul3A_0 = arith.muli %arg1, %mul3A : i32
    %add3A = arith.constant 0 : i32
    %add3A_1 = arith.addi %mul3A_0, %add3A : i32
    "tpu.region"() ({
      %run_scoped3A = tpu.sem_alloc : memref<!tpu.dma_semaphore, #tpu.memory_space<semaphore_mem>>
      %dma_start3A = arith.constant 0 : i32
      %dma_start3A_44 = tpu.memref_slice %arg8[%add3A_1, %dma_start3A] : memref<10112x128xf32, #tpu.memory_space<vmem_shared>> -> memref<158x128xf32, #tpu.memory_space<vmem_shared>>
      tpu.enqueue_dma source(%arg6 : memref<158x128xf32, #tpu.memory_space<hbm>>) target(%dma_start3A_44 : memref<158x128xf32, #tpu.memory_space<vmem_shared>>) target_semaphore(%run_scoped3A : memref<!tpu.dma_semaphore, #tpu.memory_space<semaphore_mem>>)
      %dma_wait3A = arith.constant 0 : i32
      %dma_wait3A_45 = tpu.memref_slice %arg8[%add3A_1, %dma_wait3A] : memref<10112x128xf32, #tpu.memory_space<vmem_shared>> -> memref<158x128xf32, #tpu.memory_space<vmem_shared>>
      tpu.wait_dma2 semaphore(%run_scoped3A : memref<!tpu.dma_semaphore, #tpu.memory_space<semaphore_mem>>) src(%arg6 : memref<158x128xf32, #tpu.memory_space<hbm>>) dst(%dma_wait3A_45 : memref<158x128xf32, #tpu.memory_space<vmem_shared>>)
      tpu.yield
    }) : () -> ()
    %add3A_2 = arith.constant 158 : i32
    %add3A_3 = arith.addi %mul3A_0, %add3A_2 : i32
    "tpu.region"() ({
      %run_scoped3A = tpu.sem_alloc : memref<!tpu.dma_semaphore, #tpu.memory_space<semaphore_mem>>
      %dma_start3A = arith.constant 0 : i32
      %dma_start3A_44 = tpu.memref_slice %arg8[%add3A_3, %dma_start3A] : memref<10112x128xf32, #tpu.memory_space<vmem_shared>> -> memref<158x128xf32, #tpu.memory_space<vmem_shared>>
      tpu.enqueue_dma source(%arg6 : memref<158x128xf32, #tpu.memory_space<hbm>>) target(%dma_start3A_44 : memref<158x128xf32, #tpu.memory_space<vmem_shared>>) target_semaphore(%run_scoped3A : memref<!tpu.dma_semaphore, #tpu.memory_space<semaphore_mem>>)
      %dma_wait3A = arith.constant 0 : i32
      %dma_wait3A_45 = tpu.memref_slice %arg8[%add3A_3, %dma_wait3A] : memref<10112x128xf32, #tpu.memory_space<vmem_shared>> -> memref<158x128xf32, #tpu.memory_space<vmem_shared>>
      tpu.wait_dma2 semaphore(%run_scoped3A : memref<!tpu.dma_semaphore, #tpu.memory_space<semaphore_mem>>) src(%arg6 : memref<158x128xf32, #tpu.memory_space<hbm>>) dst(%dma_wait3A_45 : memref<158x128xf32, #tpu.memory_space<vmem_shared>>)
      tpu.yield
    }) : () -> ()
    %add3A_4 = arith.constant 316 : i32
    %add3A_5 = arith.addi %mul3A_0, %add3A_4 : i32
    "tpu.region"() ({
      %run_scoped3A = tpu.sem_alloc : memref<!tpu.dma_semaphore, #tpu.memory_space<semaphore_mem>>
      %dma_start3A = arith.constant 0 : i32
      %dma_start3A_44 = tpu.memref_slice %arg8[%add3A_5, %dma_start3A] : memref<10112x128xf32, #tpu.memory_space<vmem_shared>> -> memref<158x128xf32, #tpu.memory_space<vmem_shared>>
      tpu.enqueue_dma source(%arg6 : memref<158x128xf32, #tpu.memory_space<hbm>>) target(%dma_start3A_44 : memref<158x128xf32, #tpu.memory_space<vmem_shared>>) target_semaphore(%run_scoped3A : memref<!tpu.dma_semaphore, #tpu.memory_space<semaphore_mem>>)
      %dma_wait3A = arith.constant 0 : i32
      %dma_wait3A_45 = tpu.memref_slice %arg8[%add3A_5, %dma_wait3A] : memref<10112x128xf32, #tpu.memory_space<vmem_shared>> -> memref<158x128xf32, #tpu.memory_space<vmem_shared>>
      tpu.wait_dma2 semaphore(%run_scoped3A : memref<!tpu.dma_semaphore, #tpu.memory_space<semaphore_mem>>) src(%arg6 : memref<158x128xf32, #tpu.memory_space<hbm>>) dst(%dma_wait3A_45 : memref<158x128xf32, #tpu.memory_space<vmem_shared>>)
      tpu.yield
    }) : () -> ()
    %add3A_6 = arith.constant 474 : i32
    %add3A_7 = arith.addi %mul3A_0, %add3A_6 : i32
    "tpu.region"() ({
      %run_scoped3A = tpu.sem_alloc : memref<!tpu.dma_semaphore, #tpu.memory_space<semaphore_mem>>
      %dma_start3A = arith.constant 0 : i32
      %dma_start3A_44 = tpu.memref_slice %arg8[%add3A_7, %dma_start3A] : memref<10112x128xf32, #tpu.memory_space<vmem_shared>> -> memref<158x128xf32, #tpu.memory_space<vmem_shared>>
      tpu.enqueue_dma source(%arg6 : memref<158x128xf32, #tpu.memory_space<hbm>>) target(%dma_start3A_44 : memref<158x128xf32, #tpu.memory_space<vmem_shared>>) target_semaphore(%run_scoped3A : memref<!tpu.dma_semaphore, #tpu.memory_space<semaphore_mem>>)
      %dma_wait3A = arith.constant 0 : i32
      %dma_wait3A_45 = tpu.memref_slice %arg8[%add3A_7, %dma_wait3A] : memref<10112x128xf32, #tpu.memory_space<vmem_shared>> -> memref<158x128xf32, #tpu.memory_space<vmem_shared>>
      tpu.wait_dma2 semaphore(%run_scoped3A : memref<!tpu.dma_semaphore, #tpu.memory_space<semaphore_mem>>) src(%arg6 : memref<158x128xf32, #tpu.memory_space<hbm>>) dst(%dma_wait3A_45 : memref<158x128xf32, #tpu.memory_space<vmem_shared>>)
      tpu.yield
    }) : () -> ()
    %eq3A = arith.constant 0 : i32
    %eq3A_8 = arith.cmpi eq, %arg1, %eq3A : i32
    %convert_element_type3A = arith.extui %eq3A_8 : i1 to i32
    %cond3A = arith.constant 0 : i32
    %cond3A_9 = arith.cmpi ne, %convert_element_type3A, %cond3A : i32
    scf.if %cond3A_9 {
      "tpu.region"() ({
        %run_scoped3A = tpu.sem_alloc : memref<!tpu.dma_semaphore, #tpu.memory_space<semaphore_mem>>
        tpu.enqueue_dma source(%arg3 : memref<400x128xf32, #tpu.memory_space<hbm>>) target(%arg9 : memref<400x128xf32, #tpu.memory_space<vmem_shared>>) target_semaphore(%run_scoped3A : memref<!tpu.dma_semaphore, #tpu.memory_space<semaphore_mem>>)
        tpu.wait_dma2 semaphore(%run_scoped3A : memref<!tpu.dma_semaphore, #tpu.memory_space<semaphore_mem>>) src(%arg3 : memref<400x128xf32, #tpu.memory_space<hbm>>) dst(%arg9 : memref<400x128xf32, #tpu.memory_space<vmem_shared>>)
        tpu.yield
      }) : () -> ()
    } else {
    }
    %barrier3A = arith.constant 0 : index
    tpu.barrier barrier_id(%barrier3A)
    %sub3A = arith.constant 625 : i32
    %sub3A_10 = arith.subi %sub3A, %arg1 : i32
    %sub3A_11 = arith.constant 16 : i32
    %sub3A_12 = arith.constant 1 : i32
    %sub3A_13 = arith.subi %sub3A_11, %sub3A_12 : i32
    %add3A_14 = arith.addi %sub3A_10, %sub3A_13 : i32
    %div3A = arith.constant 16 : i32
    %div3A_15 = arith.divsi %add3A_14, %div3A : i32
    %while3A = arith.constant 16 : i32
    %while3A_16 = arith.constant 0 : i32
    %while3A_17 = arith.subi %div3A_15, %while3A_16 : i32
    %while3A_18 = arith.addi %while3A_16, %while3A_17 : i32
    %while3A_19 = arith.constant 1 : i32
    %while3A_20 = arith.divsi %while3A_17, %while3A_19 : i32
    %while3A_21 = arith.muli %while3A_20, %while3A_19 : i32
    %while3A_22 = arith.addi %while3A_16, %while3A_21 : i32
    %while3A_23 = arith.constant 1 : i32
    scf.for %while3A_44 = %while3A_16 to %while3A_22 step %while3A_23  : i32 {
      %mul3A_45 = arith.muli %while3A_44, %while3A : i32
      %add3A_46 = arith.addi %arg1, %mul3A_45 : i32
      %mul3A_47 = arith.constant 80000 : i32
      %mul3A_48 = arith.muli %arg0, %mul3A_47 : i32
      %mul3A_49 = arith.constant 128 : i32
      %mul3A_50 = arith.muli %add3A_46, %mul3A_49 : i32
      %add3A_51 = arith.addi %mul3A_48, %mul3A_50 : i32
      "tpu.region"() ({
        %run_scoped3A = tpu.sem_alloc : memref<!tpu.dma_semaphore, #tpu.memory_space<semaphore_mem>>
        %dma_start3A_106 = arith.constant 0 : i32
        %dma_start3A_107 = tpu.memref_slice %arg4[%dma_start3A_106, %add3A_51] : memref<3x160000xi32, #tpu.memory_space<hbm>> -> memref<3x128xi32, #tpu.memory_space<hbm>>
        %dma_start3A_108 = arith.constant 0 : i32
        %dma_start3A_109 = tpu.memref_slice %arg4[%dma_start3A_108, %add3A_51] : memref<3x160000xi32, #tpu.memory_space<hbm>> -> memref<3x128xi32, #tpu.memory_space<hbm>>
        tpu.enqueue_dma source(%dma_start3A_109 : memref<3x128xi32, #tpu.memory_space<hbm>>) target(%arg12 : memref<3x128xi32, #tpu.memory_space<vmem>>) target_semaphore(%run_scoped3A : memref<!tpu.dma_semaphore, #tpu.memory_space<semaphore_mem>>)
        %dma_wait3A_110 = arith.constant 0 : i32
        %dma_wait3A_111 = tpu.memref_slice %arg4[%dma_wait3A_110, %add3A_51] : memref<3x160000xi32, #tpu.memory_space<hbm>> -> memref<3x128xi32, #tpu.memory_space<hbm>>
        %dma_wait3A_112 = arith.constant 0 : i32
        %dma_wait3A_113 = tpu.memref_slice %arg4[%dma_wait3A_112, %add3A_51] : memref<3x160000xi32, #tpu.memory_space<hbm>> -> memref<3x128xi32, #tpu.memory_space<hbm>>
        tpu.wait_dma2 semaphore(%run_scoped3A : memref<!tpu.dma_semaphore, #tpu.memory_space<semaphore_mem>>) src(%dma_wait3A_113 : memref<3x128xi32, #tpu.memory_space<hbm>>) dst(%arg12 : memref<3x128xi32, #tpu.memory_space<vmem>>)
        tpu.yield
      }) : () -> ()
      %dma_start3A = arith.constant 0 : i32
      %dma_start3A_52 = arith.constant 0 : i32
      %dma_start3A_53 = tpu.memref_slice %arg12[%dma_start3A, %dma_start3A_52] : memref<3x128xi32, #tpu.memory_space<vmem>> -> memref<1x128xi32, #tpu.memory_space<vmem>>
      %dma_start3A_54 = tpu.memref_squeeze %dma_start3A_53 : memref<1x128xi32, #tpu.memory_space<vmem>> -> memref<128xi32, #tpu.memory_space<vmem>>
      %dma_start3A_55 = arith.constant 0 : i32
      %dma_start3A_56 = arith.constant 0 : i32
      %dma_start3A_57 = tpu.memref_slice %arg2[%dma_start3A_55, %dma_start3A_56] : memref<10000x128xf32, #tpu.memory_space<hbm>> -> memref<10000x128xf32, #tpu.memory_space<hbm>>
      tpu.enqueue_indirect_dma source(%dma_start3A_57 : memref<10000x128xf32, #tpu.memory_space<hbm>>) target(%arg10 : memref<128x128xf32, #tpu.memory_space<vmem>>) offsets(%dma_start3A_54 : memref<128xi32, #tpu.memory_space<vmem>>) semaphore(%arg13 : memref<!tpu.dma_semaphore, #tpu.memory_space<semaphore_mem>>)
      %dma_start3A_58 = arith.constant 1 : i32
      %dma_start3A_59 = arith.constant 0 : i32
      %dma_start3A_60 = tpu.memref_slice %arg12[%dma_start3A_58, %dma_start3A_59] : memref<3x128xi32, #tpu.memory_space<vmem>> -> memref<1x128xi32, #tpu.memory_space<vmem>>
      %dma_start3A_61 = tpu.memref_squeeze %dma_start3A_60 : memref<1x128xi32, #tpu.memory_space<vmem>> -> memref<128xi32, #tpu.memory_space<vmem>>
      %dma_start3A_62 = arith.constant 0 : i32
      %dma_start3A_63 = arith.constant 0 : i32
      %dma_start3A_64 = tpu.memref_slice %arg9[%dma_start3A_62, %dma_start3A_63] : memref<400x128xf32, #tpu.memory_space<vmem_shared>> -> memref<400x128xf32, #tpu.memory_space<vmem_shared>>
      tpu.enqueue_indirect_dma source(%dma_start3A_64 : memref<400x128xf32, #tpu.memory_space<vmem_shared>>) target(%arg11 : memref<128x128xf32, #tpu.memory_space<vmem>>) offsets(%dma_start3A_61 : memref<128xi32, #tpu.memory_space<vmem>>) semaphore(%arg14 : memref<!tpu.dma_semaphore, #tpu.memory_space<semaphore_mem>>)
      %dma_wait3A = arith.constant 0 : i32
      %dma_wait3A_65 = arith.constant 0 : i32
      %dma_wait3A_66 = tpu.memref_slice %arg12[%dma_wait3A, %dma_wait3A_65] : memref<3x128xi32, #tpu.memory_space<vmem>> -> memref<1x128xi32, #tpu.memory_space<vmem>>
      %dma_wait3A_67 = tpu.memref_squeeze %dma_wait3A_66 : memref<1x128xi32, #tpu.memory_space<vmem>> -> memref<128xi32, #tpu.memory_space<vmem>>
      %dma_wait3A_68 = arith.constant 0 : i32
      %dma_wait3A_69 = arith.constant 0 : i32
      %dma_wait3A_70 = tpu.memref_slice %arg2[%dma_wait3A_68, %dma_wait3A_69] : memref<10000x128xf32, #tpu.memory_space<hbm>> -> memref<10000x128xf32, #tpu.memory_space<hbm>>
      tpu.wait_indirect_dma semaphore(%arg13 : memref<!tpu.dma_semaphore, #tpu.memory_space<semaphore_mem>>) src(%dma_wait3A_70 : memref<10000x128xf32, #tpu.memory_space<hbm>>) dst(%arg10 : memref<128x128xf32, #tpu.memory_space<vmem>>)
      %dma_start3A_71 = arith.constant 2 : i32
      %dma_start3A_72 = arith.constant 0 : i32
      %dma_start3A_73 = tpu.memref_slice %arg12[%dma_start3A_71, %dma_start3A_72] : memref<3x128xi32, #tpu.memory_space<vmem>> -> memref<1x128xi32, #tpu.memory_space<vmem>>
      %dma_start3A_74 = tpu.memref_squeeze %dma_start3A_73 : memref<1x128xi32, #tpu.memory_space<vmem>> -> memref<128xi32, #tpu.memory_space<vmem>>
      %dma_start3A_75 = arith.constant 0 : i32
      %dma_start3A_76 = arith.constant 0 : i32
      %dma_start3A_77 = tpu.memref_slice %arg8[%dma_start3A_75, %dma_start3A_76] : memref<10112x128xf32, #tpu.memory_space<vmem_shared>> -> memref<10112x128xf32, #tpu.memory_space<vmem_shared>>
      tpu.enqueue_indirect_dma source(%arg10 : memref<128x128xf32, #tpu.memory_space<vmem>>) target(%dma_start3A_77 : memref<10112x128xf32, #tpu.memory_space<vmem_shared>>) offsets(%dma_start3A_74 : memref<128xi32, #tpu.memory_space<vmem>>) semaphore(%arg13 : memref<!tpu.dma_semaphore, #tpu.memory_space<semaphore_mem>>) {add = true}
      %dma_wait3A_78 = arith.constant 1 : i32
      %dma_wait3A_79 = arith.constant 0 : i32
      %dma_wait3A_80 = tpu.memref_slice %arg12[%dma_wait3A_78, %dma_wait3A_79] : memref<3x128xi32, #tpu.memory_space<vmem>> -> memref<1x128xi32, #tpu.memory_space<vmem>>
      %dma_wait3A_81 = tpu.memref_squeeze %dma_wait3A_80 : memref<1x128xi32, #tpu.memory_space<vmem>> -> memref<128xi32, #tpu.memory_space<vmem>>
      %dma_wait3A_82 = arith.constant 0 : i32
      %dma_wait3A_83 = arith.constant 0 : i32
      %dma_wait3A_84 = tpu.memref_slice %arg9[%dma_wait3A_82, %dma_wait3A_83] : memref<400x128xf32, #tpu.memory_space<vmem_shared>> -> memref<400x128xf32, #tpu.memory_space<vmem_shared>>
      tpu.wait_indirect_dma semaphore(%arg14 : memref<!tpu.dma_semaphore, #tpu.memory_space<semaphore_mem>>) src(%dma_wait3A_84 : memref<400x128xf32, #tpu.memory_space<vmem_shared>>) dst(%arg11 : memref<128x128xf32, #tpu.memory_space<vmem>>)
      %dma_start3A_85 = arith.constant 2 : i32
      %dma_start3A_86 = arith.constant 0 : i32
      %dma_start3A_87 = tpu.memref_slice %arg12[%dma_start3A_85, %dma_start3A_86] : memref<3x128xi32, #tpu.memory_space<vmem>> -> memref<1x128xi32, #tpu.memory_space<vmem>>
      %dma_start3A_88 = tpu.memref_squeeze %dma_start3A_87 : memref<1x128xi32, #tpu.memory_space<vmem>> -> memref<128xi32, #tpu.memory_space<vmem>>
      %dma_start3A_89 = arith.constant 0 : i32
      %dma_start3A_90 = arith.constant 0 : i32
      %dma_start3A_91 = tpu.memref_slice %arg8[%dma_start3A_89, %dma_start3A_90] : memref<10112x128xf32, #tpu.memory_space<vmem_shared>> -> memref<10112x128xf32, #tpu.memory_space<vmem_shared>>
      tpu.enqueue_indirect_dma source(%arg11 : memref<128x128xf32, #tpu.memory_space<vmem>>) target(%dma_start3A_91 : memref<10112x128xf32, #tpu.memory_space<vmem_shared>>) offsets(%dma_start3A_88 : memref<128xi32, #tpu.memory_space<vmem>>) semaphore(%arg14 : memref<!tpu.dma_semaphore, #tpu.memory_space<semaphore_mem>>) {add = true}
      %dma_wait3A_92 = arith.constant 2 : i32
      %dma_wait3A_93 = arith.constant 0 : i32
      %dma_wait3A_94 = tpu.memref_slice %arg12[%dma_wait3A_92, %dma_wait3A_93] : memref<3x128xi32, #tpu.memory_space<vmem>> -> memref<1x128xi32, #tpu.memory_space<vmem>>
      %dma_wait3A_95 = tpu.memref_squeeze %dma_wait3A_94 : memref<1x128xi32, #tpu.memory_space<vmem>> -> memref<128xi32, #tpu.memory_space<vmem>>
      %dma_wait3A_96 = arith.constant 0 : i32
      %dma_wait3A_97 = arith.constant 0 : i32
      %dma_wait3A_98 = tpu.memref_slice %arg8[%dma_wait3A_96, %dma_wait3A_97] : memref<10112x128xf32, #tpu.memory_space<vmem_shared>> -> memref<10112x128xf32, #tpu.memory_space<vmem_shared>>
      tpu.wait_indirect_dma semaphore(%arg13 : memref<!tpu.dma_semaphore, #tpu.memory_space<semaphore_mem>>) src(%arg10 : memref<128x128xf32, #tpu.memory_space<vmem>>) dst(%dma_wait3A_98 : memref<10112x128xf32, #tpu.memory_space<vmem_shared>>)
      %dma_wait3A_99 = arith.constant 2 : i32
      %dma_wait3A_100 = arith.constant 0 : i32
      %dma_wait3A_101 = tpu.memref_slice %arg12[%dma_wait3A_99, %dma_wait3A_100] : memref<3x128xi32, #tpu.memory_space<vmem>> -> memref<1x128xi32, #tpu.memory_space<vmem>>
      %dma_wait3A_102 = tpu.memref_squeeze %dma_wait3A_101 : memref<1x128xi32, #tpu.memory_space<vmem>> -> memref<128xi32, #tpu.memory_space<vmem>>
      %dma_wait3A_103 = arith.constant 0 : i32
      %dma_wait3A_104 = arith.constant 0 : i32
      %dma_wait3A_105 = tpu.memref_slice %arg8[%dma_wait3A_103, %dma_wait3A_104] : memref<10112x128xf32, #tpu.memory_space<vmem_shared>> -> memref<10112x128xf32, #tpu.memory_space<vmem_shared>>
      tpu.wait_indirect_dma semaphore(%arg14 : memref<!tpu.dma_semaphore, #tpu.memory_space<semaphore_mem>>) src(%arg11 : memref<128x128xf32, #tpu.memory_space<vmem>>) dst(%dma_wait3A_105 : memref<10112x128xf32, #tpu.memory_space<vmem_shared>>)
    }
    %while3A_24 = arith.constant 1 : i32
    scf.for %while3A_44 = %while3A_22 to %while3A_18 step %while3A_24  : i32 {
      %mul3A_45 = arith.muli %while3A_44, %while3A : i32
      %add3A_46 = arith.addi %arg1, %mul3A_45 : i32
      %mul3A_47 = arith.constant 80000 : i32
      %mul3A_48 = arith.muli %arg0, %mul3A_47 : i32
      %mul3A_49 = arith.constant 128 : i32
      %mul3A_50 = arith.muli %add3A_46, %mul3A_49 : i32
      %add3A_51 = arith.addi %mul3A_48, %mul3A_50 : i32
      "tpu.region"() ({
        %run_scoped3A = tpu.sem_alloc : memref<!tpu.dma_semaphore, #tpu.memory_space<semaphore_mem>>
        %dma_start3A_106 = arith.constant 0 : i32
        %dma_start3A_107 = tpu.memref_slice %arg4[%dma_start3A_106, %add3A_51] : memref<3x160000xi32, #tpu.memory_space<hbm>> -> memref<3x128xi32, #tpu.memory_space<hbm>>
        %dma_start3A_108 = arith.constant 0 : i32
        %dma_start3A_109 = tpu.memref_slice %arg4[%dma_start3A_108, %add3A_51] : memref<3x160000xi32, #tpu.memory_space<hbm>> -> memref<3x128xi32, #tpu.memory_space<hbm>>
        tpu.enqueue_dma source(%dma_start3A_109 : memref<3x128xi32, #tpu.memory_space<hbm>>) target(%arg12 : memref<3x128xi32, #tpu.memory_space<vmem>>) target_semaphore(%run_scoped3A : memref<!tpu.dma_semaphore, #tpu.memory_space<semaphore_mem>>)
        %dma_wait3A_110 = arith.constant 0 : i32
        %dma_wait3A_111 = tpu.memref_slice %arg4[%dma_wait3A_110, %add3A_51] : memref<3x160000xi32, #tpu.memory_space<hbm>> -> memref<3x128xi32, #tpu.memory_space<hbm>>
        %dma_wait3A_112 = arith.constant 0 : i32
        %dma_wait3A_113 = tpu.memref_slice %arg4[%dma_wait3A_112, %add3A_51] : memref<3x160000xi32, #tpu.memory_space<hbm>> -> memref<3x128xi32, #tpu.memory_space<hbm>>
        tpu.wait_dma2 semaphore(%run_scoped3A : memref<!tpu.dma_semaphore, #tpu.memory_space<semaphore_mem>>) src(%dma_wait3A_113 : memref<3x128xi32, #tpu.memory_space<hbm>>) dst(%arg12 : memref<3x128xi32, #tpu.memory_space<vmem>>)
        tpu.yield
      }) : () -> ()
      %dma_start3A = arith.constant 0 : i32
      %dma_start3A_52 = arith.constant 0 : i32
      %dma_start3A_53 = tpu.memref_slice %arg12[%dma_start3A, %dma_start3A_52] : memref<3x128xi32, #tpu.memory_space<vmem>> -> memref<1x128xi32, #tpu.memory_space<vmem>>
      %dma_start3A_54 = tpu.memref_squeeze %dma_start3A_53 : memref<1x128xi32, #tpu.memory_space<vmem>> -> memref<128xi32, #tpu.memory_space<vmem>>
      %dma_start3A_55 = arith.constant 0 : i32
      %dma_start3A_56 = arith.constant 0 : i32
      %dma_start3A_57 = tpu.memref_slice %arg2[%dma_start3A_55, %dma_start3A_56] : memref<10000x128xf32, #tpu.memory_space<hbm>> -> memref<10000x128xf32, #tpu.memory_space<hbm>>
      tpu.enqueue_indirect_dma source(%dma_start3A_57 : memref<10000x128xf32, #tpu.memory_space<hbm>>) target(%arg10 : memref<128x128xf32, #tpu.memory_space<vmem>>) offsets(%dma_start3A_54 : memref<128xi32, #tpu.memory_space<vmem>>) semaphore(%arg13 : memref<!tpu.dma_semaphore, #tpu.memory_space<semaphore_mem>>)
      %dma_start3A_58 = arith.constant 1 : i32
      %dma_start3A_59 = arith.constant 0 : i32
      %dma_start3A_60 = tpu.memref_slice %arg12[%dma_start3A_58, %dma_start3A_59] : memref<3x128xi32, #tpu.memory_space<vmem>> -> memref<1x128xi32, #tpu.memory_space<vmem>>
      %dma_start3A_61 = tpu.memref_squeeze %dma_start3A_60 : memref<1x128xi32, #tpu.memory_space<vmem>> -> memref<128xi32, #tpu.memory_space<vmem>>
      %dma_start3A_62 = arith.constant 0 : i32
      %dma_start3A_63 = arith.constant 0 : i32
      %dma_start3A_64 = tpu.memref_slice %arg9[%dma_start3A_62, %dma_start3A_63] : memref<400x128xf32, #tpu.memory_space<vmem_shared>> -> memref<400x128xf32, #tpu.memory_space<vmem_shared>>
      tpu.enqueue_indirect_dma source(%dma_start3A_64 : memref<400x128xf32, #tpu.memory_space<vmem_shared>>) target(%arg11 : memref<128x128xf32, #tpu.memory_space<vmem>>) offsets(%dma_start3A_61 : memref<128xi32, #tpu.memory_space<vmem>>) semaphore(%arg14 : memref<!tpu.dma_semaphore, #tpu.memory_space<semaphore_mem>>)
      %dma_wait3A = arith.constant 0 : i32
      %dma_wait3A_65 = arith.constant 0 : i32
      %dma_wait3A_66 = tpu.memref_slice %arg12[%dma_wait3A, %dma_wait3A_65] : memref<3x128xi32, #tpu.memory_space<vmem>> -> memref<1x128xi32, #tpu.memory_space<vmem>>
      %dma_wait3A_67 = tpu.memref_squeeze %dma_wait3A_66 : memref<1x128xi32, #tpu.memory_space<vmem>> -> memref<128xi32, #tpu.memory_space<vmem>>
      %dma_wait3A_68 = arith.constant 0 : i32
      %dma_wait3A_69 = arith.constant 0 : i32
      %dma_wait3A_70 = tpu.memref_slice %arg2[%dma_wait3A_68, %dma_wait3A_69] : memref<10000x128xf32, #tpu.memory_space<hbm>> -> memref<10000x128xf32, #tpu.memory_space<hbm>>
      tpu.wait_indirect_dma semaphore(%arg13 : memref<!tpu.dma_semaphore, #tpu.memory_space<semaphore_mem>>) src(%dma_wait3A_70 : memref<10000x128xf32, #tpu.memory_space<hbm>>) dst(%arg10 : memref<128x128xf32, #tpu.memory_space<vmem>>)
      %dma_start3A_71 = arith.constant 2 : i32
      %dma_start3A_72 = arith.constant 0 : i32
      %dma_start3A_73 = tpu.memref_slice %arg12[%dma_start3A_71, %dma_start3A_72] : memref<3x128xi32, #tpu.memory_space<vmem>> -> memref<1x128xi32, #tpu.memory_space<vmem>>
      %dma_start3A_74 = tpu.memref_squeeze %dma_start3A_73 : memref<1x128xi32, #tpu.memory_space<vmem>> -> memref<128xi32, #tpu.memory_space<vmem>>
      %dma_start3A_75 = arith.constant 0 : i32
      %dma_start3A_76 = arith.constant 0 : i32
      %dma_start3A_77 = tpu.memref_slice %arg8[%dma_start3A_75, %dma_start3A_76] : memref<10112x128xf32, #tpu.memory_space<vmem_shared>> -> memref<10112x128xf32, #tpu.memory_space<vmem_shared>>
      tpu.enqueue_indirect_dma source(%arg10 : memref<128x128xf32, #tpu.memory_space<vmem>>) target(%dma_start3A_77 : memref<10112x128xf32, #tpu.memory_space<vmem_shared>>) offsets(%dma_start3A_74 : memref<128xi32, #tpu.memory_space<vmem>>) semaphore(%arg13 : memref<!tpu.dma_semaphore, #tpu.memory_space<semaphore_mem>>) {add = true}
      %dma_wait3A_78 = arith.constant 1 : i32
      %dma_wait3A_79 = arith.constant 0 : i32
      %dma_wait3A_80 = tpu.memref_slice %arg12[%dma_wait3A_78, %dma_wait3A_79] : memref<3x128xi32, #tpu.memory_space<vmem>> -> memref<1x128xi32, #tpu.memory_space<vmem>>
      %dma_wait3A_81 = tpu.memref_squeeze %dma_wait3A_80 : memref<1x128xi32, #tpu.memory_space<vmem>> -> memref<128xi32, #tpu.memory_space<vmem>>
      %dma_wait3A_82 = arith.constant 0 : i32
      %dma_wait3A_83 = arith.constant 0 : i32
      %dma_wait3A_84 = tpu.memref_slice %arg9[%dma_wait3A_82, %dma_wait3A_83] : memref<400x128xf32, #tpu.memory_space<vmem_shared>> -> memref<400x128xf32, #tpu.memory_space<vmem_shared>>
      tpu.wait_indirect_dma semaphore(%arg14 : memref<!tpu.dma_semaphore, #tpu.memory_space<semaphore_mem>>) src(%dma_wait3A_84 : memref<400x128xf32, #tpu.memory_space<vmem_shared>>) dst(%arg11 : memref<128x128xf32, #tpu.memory_space<vmem>>)
      %dma_start3A_85 = arith.constant 2 : i32
      %dma_start3A_86 = arith.constant 0 : i32
      %dma_start3A_87 = tpu.memref_slice %arg12[%dma_start3A_85, %dma_start3A_86] : memref<3x128xi32, #tpu.memory_space<vmem>> -> memref<1x128xi32, #tpu.memory_space<vmem>>
      %dma_start3A_88 = tpu.memref_squeeze %dma_start3A_87 : memref<1x128xi32, #tpu.memory_space<vmem>> -> memref<128xi32, #tpu.memory_space<vmem>>
      %dma_start3A_89 = arith.constant 0 : i32
      %dma_start3A_90 = arith.constant 0 : i32
      %dma_start3A_91 = tpu.memref_slice %arg8[%dma_start3A_89, %dma_start3A_90] : memref<10112x128xf32, #tpu.memory_space<vmem_shared>> -> memref<10112x128xf32, #tpu.memory_space<vmem_shared>>
      tpu.enqueue_indirect_dma source(%arg11 : memref<128x128xf32, #tpu.memory_space<vmem>>) target(%dma_start3A_91 : memref<10112x128xf32, #tpu.memory_space<vmem_shared>>) offsets(%dma_start3A_88 : memref<128xi32, #tpu.memory_space<vmem>>) semaphore(%arg14 : memref<!tpu.dma_semaphore, #tpu.memory_space<semaphore_mem>>) {add = true}
      %dma_wait3A_92 = arith.constant 2 : i32
      %dma_wait3A_93 = arith.constant 0 : i32
      %dma_wait3A_94 = tpu.memref_slice %arg12[%dma_wait3A_92, %dma_wait3A_93] : memref<3x128xi32, #tpu.memory_space<vmem>> -> memref<1x128xi32, #tpu.memory_space<vmem>>
      %dma_wait3A_95 = tpu.memref_squeeze %dma_wait3A_94 : memref<1x128xi32, #tpu.memory_space<vmem>> -> memref<128xi32, #tpu.memory_space<vmem>>
      %dma_wait3A_96 = arith.constant 0 : i32
      %dma_wait3A_97 = arith.constant 0 : i32
      %dma_wait3A_98 = tpu.memref_slice %arg8[%dma_wait3A_96, %dma_wait3A_97] : memref<10112x128xf32, #tpu.memory_space<vmem_shared>> -> memref<10112x128xf32, #tpu.memory_space<vmem_shared>>
      tpu.wait_indirect_dma semaphore(%arg13 : memref<!tpu.dma_semaphore, #tpu.memory_space<semaphore_mem>>) src(%arg10 : memref<128x128xf32, #tpu.memory_space<vmem>>) dst(%dma_wait3A_98 : memref<10112x128xf32, #tpu.memory_space<vmem_shared>>)
      %dma_wait3A_99 = arith.constant 2 : i32
      %dma_wait3A_100 = arith.constant 0 : i32
      %dma_wait3A_101 = tpu.memref_slice %arg12[%dma_wait3A_99, %dma_wait3A_100] : memref<3x128xi32, #tpu.memory_space<vmem>> -> memref<1x128xi32, #tpu.memory_space<vmem>>
      %dma_wait3A_102 = tpu.memref_squeeze %dma_wait3A_101 : memref<1x128xi32, #tpu.memory_space<vmem>> -> memref<128xi32, #tpu.memory_space<vmem>>
      %dma_wait3A_103 = arith.constant 0 : i32
      %dma_wait3A_104 = arith.constant 0 : i32
      %dma_wait3A_105 = tpu.memref_slice %arg8[%dma_wait3A_103, %dma_wait3A_104] : memref<10112x128xf32, #tpu.memory_space<vmem_shared>> -> memref<10112x128xf32, #tpu.memory_space<vmem_shared>>
      tpu.wait_indirect_dma semaphore(%arg14 : memref<!tpu.dma_semaphore, #tpu.memory_space<semaphore_mem>>) src(%arg11 : memref<128x128xf32, #tpu.memory_space<vmem>>) dst(%dma_wait3A_105 : memref<10112x128xf32, #tpu.memory_space<vmem_shared>>)
    }
    %sub3A_25 = arith.constant 320 : i32
    %sub3A_26 = arith.subi %sub3A_25, %arg1 : i32
    %sub3A_27 = arith.constant 16 : i32
    %sub3A_28 = arith.constant 1 : i32
    %sub3A_29 = arith.subi %sub3A_27, %sub3A_28 : i32
    %add3A_30 = arith.addi %sub3A_26, %sub3A_29 : i32
    %div3A_31 = arith.constant 16 : i32
    %div3A_32 = arith.divsi %add3A_30, %div3A_31 : i32
    %while3A_33 = arith.constant 16 : i32
    %while3A_34 = arith.constant 0 : i32
    %while3A_35 = arith.subi %div3A_32, %while3A_34 : i32
    %while3A_36 = arith.addi %while3A_34, %while3A_35 : i32
    %while3A_37 = arith.constant 1 : i32
    %while3A_38 = arith.divsi %while3A_35, %while3A_37 : i32
    %while3A_39 = arith.muli %while3A_38, %while3A_37 : i32
    %while3A_40 = arith.addi %while3A_34, %while3A_39 : i32
    %while3A_41 = arith.constant 1 : i32
    scf.for %while3A_44 = %while3A_34 to %while3A_40 step %while3A_41  : i32 {
      %mul3A_45 = arith.muli %while3A_44, %while3A_33 : i32
      %add3A_46 = arith.addi %arg1, %mul3A_45 : i32
      %mul3A_47 = arith.constant 128 : i32
      %mul3A_48 = arith.muli %add3A_46, %mul3A_47 : i32
      "tpu.region"() ({
        %run_scoped3A_77 = tpu.sem_alloc : memref<!tpu.dma_semaphore, #tpu.memory_space<semaphore_mem>>
        %dma_start3A_78 = arith.constant 0 : i32
        %dma_start3A_79 = tpu.memref_slice %arg5[%arg0, %dma_start3A_78, %mul3A_48] : memref<2x3x40960xi32, #tpu.memory_space<hbm>> -> memref<1x3x128xi32, #tpu.memory_space<hbm>>
        %dma_start3A_80 = tpu.memref_squeeze %dma_start3A_79 : memref<1x3x128xi32, #tpu.memory_space<hbm>> -> memref<3x128xi32, #tpu.memory_space<hbm>>
        %dma_start3A_81 = arith.constant 0 : i32
        %dma_start3A_82 = tpu.memref_slice %arg5[%arg0, %dma_start3A_81, %mul3A_48] : memref<2x3x40960xi32, #tpu.memory_space<hbm>> -> memref<1x3x128xi32, #tpu.memory_space<hbm>>
        %dma_start3A_83 = tpu.memref_squeeze %dma_start3A_82 : memref<1x3x128xi32, #tpu.memory_space<hbm>> -> memref<3x128xi32, #tpu.memory_space<hbm>>
        tpu.enqueue_dma source(%dma_start3A_83 : memref<3x128xi32, #tpu.memory_space<hbm>>) target(%arg12 : memref<3x128xi32, #tpu.memory_space<vmem>>) target_semaphore(%run_scoped3A_77 : memref<!tpu.dma_semaphore, #tpu.memory_space<semaphore_mem>>)
        %dma_wait3A_84 = arith.constant 0 : i32
        %dma_wait3A_85 = tpu.memref_slice %arg5[%arg0, %dma_wait3A_84, %mul3A_48] : memref<2x3x40960xi32, #tpu.memory_space<hbm>> -> memref<1x3x128xi32, #tpu.memory_space<hbm>>
        %dma_wait3A_86 = tpu.memref_squeeze %dma_wait3A_85 : memref<1x3x128xi32, #tpu.memory_space<hbm>> -> memref<3x128xi32, #tpu.memory_space<hbm>>
        %dma_wait3A_87 = arith.constant 0 : i32
        %dma_wait3A_88 = tpu.memref_slice %arg5[%arg0, %dma_wait3A_87, %mul3A_48] : memref<2x3x40960xi32, #tpu.memory_space<hbm>> -> memref<1x3x128xi32, #tpu.memory_space<hbm>>
        %dma_wait3A_89 = tpu.memref_squeeze %dma_wait3A_88 : memref<1x3x128xi32, #tpu.memory_space<hbm>> -> memref<3x128xi32, #tpu.memory_space<hbm>>
        tpu.wait_dma2 semaphore(%run_scoped3A_77 : memref<!tpu.dma_semaphore, #tpu.memory_space<semaphore_mem>>) src(%dma_wait3A_89 : memref<3x128xi32, #tpu.memory_space<hbm>>) dst(%arg12 : memref<3x128xi32, #tpu.memory_space<vmem>>)
        tpu.yield
      }) : () -> ()
      %dma_start3A = arith.constant 0 : i32
      %dma_start3A_49 = arith.constant 0 : i32
      %dma_start3A_50 = tpu.memref_slice %arg12[%dma_start3A, %dma_start3A_49] : memref<3x128xi32, #tpu.memory_space<vmem>> -> memref<1x128xi32, #tpu.memory_space<vmem>>
      %dma_start3A_51 = tpu.memref_squeeze %dma_start3A_50 : memref<1x128xi32, #tpu.memory_space<vmem>> -> memref<128xi32, #tpu.memory_space<vmem>>
      %dma_start3A_52 = arith.constant 0 : i32
      %dma_start3A_53 = arith.constant 0 : i32
      %dma_start3A_54 = tpu.memref_slice %arg9[%dma_start3A_52, %dma_start3A_53] : memref<400x128xf32, #tpu.memory_space<vmem_shared>> -> memref<400x128xf32, #tpu.memory_space<vmem_shared>>
      tpu.enqueue_indirect_dma source(%dma_start3A_54 : memref<400x128xf32, #tpu.memory_space<vmem_shared>>) target(%arg11 : memref<128x128xf32, #tpu.memory_space<vmem>>) offsets(%dma_start3A_51 : memref<128xi32, #tpu.memory_space<vmem>>) semaphore(%arg14 : memref<!tpu.dma_semaphore, #tpu.memory_space<semaphore_mem>>)
      %dma_start3A_55 = arith.constant 1 : i32
      %dma_start3A_56 = arith.constant 0 : i32
      %dma_start3A_57 = tpu.memref_slice %arg12[%dma_start3A_55, %dma_start3A_56] : memref<3x128xi32, #tpu.memory_space<vmem>> -> memref<1x128xi32, #tpu.memory_space<vmem>>
      %dma_start3A_58 = tpu.memref_squeeze %dma_start3A_57 : memref<1x128xi32, #tpu.memory_space<vmem>> -> memref<128xi32, #tpu.memory_space<vmem>>
      %dma_start3A_59 = arith.constant 0 : i32
      %dma_start3A_60 = arith.constant 0 : i32
      %dma_start3A_61 = tpu.memref_slice %arg2[%dma_start3A_59, %dma_start3A_60] : memref<10000x128xf32, #tpu.memory_space<hbm>> -> memref<10000x128xf32, #tpu.memory_space<hbm>>
      tpu.enqueue_indirect_dma source(%dma_start3A_61 : memref<10000x128xf32, #tpu.memory_space<hbm>>) target(%arg10 : memref<128x128xf32, #tpu.memory_space<vmem>>) offsets(%dma_start3A_58 : memref<128xi32, #tpu.memory_space<vmem>>) semaphore(%arg13 : memref<!tpu.dma_semaphore, #tpu.memory_space<semaphore_mem>>)
      %dma_wait3A = arith.constant 0 : i32
      %dma_wait3A_62 = arith.constant 0 : i32
      %dma_wait3A_63 = tpu.memref_slice %arg12[%dma_wait3A, %dma_wait3A_62] : memref<3x128xi32, #tpu.memory_space<vmem>> -> memref<1x128xi32, #tpu.memory_space<vmem>>
      %dma_wait3A_64 = tpu.memref_squeeze %dma_wait3A_63 : memref<1x128xi32, #tpu.memory_space<vmem>> -> memref<128xi32, #tpu.memory_space<vmem>>
      %dma_wait3A_65 = arith.constant 0 : i32
      %dma_wait3A_66 = arith.constant 0 : i32
      %dma_wait3A_67 = tpu.memref_slice %arg9[%dma_wait3A_65, %dma_wait3A_66] : memref<400x128xf32, #tpu.memory_space<vmem_shared>> -> memref<400x128xf32, #tpu.memory_space<vmem_shared>>
      tpu.wait_indirect_dma semaphore(%arg14 : memref<!tpu.dma_semaphore, #tpu.memory_space<semaphore_mem>>) src(%dma_wait3A_67 : memref<400x128xf32, #tpu.memory_space<vmem_shared>>) dst(%arg11 : memref<128x128xf32, #tpu.memory_space<vmem>>)
      %dma_wait3A_68 = arith.constant 1 : i32
      %dma_wait3A_69 = arith.constant 0 : i32
      %dma_wait3A_70 = tpu.memref_slice %arg12[%dma_wait3A_68, %dma_wait3A_69] : memref<3x128xi32, #tpu.memory_space<vmem>> -> memref<1x128xi32, #tpu.memory_space<vmem>>
      %dma_wait3A_71 = tpu.memref_squeeze %dma_wait3A_70 : memref<1x128xi32, #tpu.memory_space<vmem>> -> memref<128xi32, #tpu.memory_space<vmem>>
      %dma_wait3A_72 = arith.constant 0 : i32
      %dma_wait3A_73 = arith.constant 0 : i32
      %dma_wait3A_74 = tpu.memref_slice %arg2[%dma_wait3A_72, %dma_wait3A_73] : memref<10000x128xf32, #tpu.memory_space<hbm>> -> memref<10000x128xf32, #tpu.memory_space<hbm>>
      tpu.wait_indirect_dma semaphore(%arg13 : memref<!tpu.dma_semaphore, #tpu.memory_space<semaphore_mem>>) src(%dma_wait3A_74 : memref<10000x128xf32, #tpu.memory_space<hbm>>) dst(%arg10 : memref<128x128xf32, #tpu.memory_space<vmem>>)
      %parallel_loop3A = arith.constant 0 : i32
      %parallel_loop3A_75 = arith.constant 16384 : i32
      %parallel_loop3A_76 = arith.constant 16 : i32
      scf.for %parallel_loop3A_77 = %parallel_loop3A to %parallel_loop3A_75 step %parallel_loop3A_76  : i32 {
        %parallel_loop3A_78 = arith.constant 128 : i32
        %parallel_loop3A_79 = arith.divsi %parallel_loop3A_77, %parallel_loop3A_78 : i32
        %parallel_loop3A_80 = arith.constant 0 : i32
        %parallel_loop3A_81 = arith.cmpi sgt, %parallel_loop3A_77, %parallel_loop3A_80 : i32
        %parallel_loop3A_82 = arith.extui %parallel_loop3A_81 : i1 to i32
        %parallel_loop3A_83 = arith.constant 0 : i32
        %parallel_loop3A_84 = arith.cmpi slt, %parallel_loop3A_77, %parallel_loop3A_83 : i32
        %parallel_loop3A_85 = arith.extui %parallel_loop3A_84 : i1 to i32
        %parallel_loop3A_86 = arith.subi %parallel_loop3A_82, %parallel_loop3A_85 : i32
        %parallel_loop3A_87 = arith.constant 0 : i32
        %parallel_loop3A_88 = arith.cmpi sgt, %parallel_loop3A_78, %parallel_loop3A_87 : i32
        %parallel_loop3A_89 = arith.extui %parallel_loop3A_88 : i1 to i32
        %parallel_loop3A_90 = arith.constant 0 : i32
        %parallel_loop3A_91 = arith.cmpi slt, %parallel_loop3A_78, %parallel_loop3A_90 : i32
        %parallel_loop3A_92 = arith.extui %parallel_loop3A_91 : i1 to i32
        %parallel_loop3A_93 = arith.subi %parallel_loop3A_89, %parallel_loop3A_92 : i32
        %parallel_loop3A_94 = arith.cmpi ne, %parallel_loop3A_86, %parallel_loop3A_93 : i32
        %parallel_loop3A_95 = arith.remsi %parallel_loop3A_77, %parallel_loop3A_78 : i32
        %parallel_loop3A_96 = arith.constant 0 : i32
        %parallel_loop3A_97 = arith.cmpi ne, %parallel_loop3A_95, %parallel_loop3A_96 : i32
        %parallel_loop3A_98 = arith.andi %parallel_loop3A_94, %parallel_loop3A_97 : i1
        %parallel_loop3A_99 = arith.constant 1 : i32
        %parallel_loop3A_100 = arith.subi %parallel_loop3A_79, %parallel_loop3A_99 : i32
        %parallel_loop3A_101 = arith.select %parallel_loop3A_98, %parallel_loop3A_100, %parallel_loop3A_79 : i32
        %parallel_loop3A_102 = arith.constant 128 : i32
        %parallel_loop3A_103 = arith.muli %parallel_loop3A_101, %parallel_loop3A_102 : i32
        %parallel_loop3A_104 = arith.subi %parallel_loop3A_77, %parallel_loop3A_103 : i32
        %parallel_loop3A_105 = arith.index_cast %parallel_loop3A_101 : i32 to index
        %parallel_loop3A_106 = arith.index_cast %parallel_loop3A_104 : i32 to index
        %parallel_loop3A_107 = tpu.vector_load %arg10[%parallel_loop3A_105, %parallel_loop3A_106] {strides = array<i32>} : memref<128x128xf32, #tpu.memory_space<vmem>>, vector<1x16xf32>,
        %parallel_loop3A_108 = vector.shape_cast %parallel_loop3A_107 : vector<1x16xf32> to vector<16xf32>
        %parallel_loop3A_109 = arith.index_cast %parallel_loop3A_101 : i32 to index
        %parallel_loop3A_110 = arith.index_cast %parallel_loop3A_104 : i32 to index
        %parallel_loop3A_111 = tpu.vector_load %arg11[%parallel_loop3A_109, %parallel_loop3A_110] {strides = array<i32>} : memref<128x128xf32, #tpu.memory_space<vmem>>, vector<1x16xf32>,
        %parallel_loop3A_112 = vector.shape_cast %parallel_loop3A_111 : vector<1x16xf32> to vector<16xf32>
        %parallel_loop3A_113 = arith.mulf %parallel_loop3A_108, %parallel_loop3A_112 : vector<16xf32>
        %parallel_loop3A_114 = arith.constant 2.500000e-01 : f32
        %parallel_loop3A_115 = vector.broadcast %parallel_loop3A_114 : f32 to vector<16xf32>
        %parallel_loop3A_116 = arith.mulf %parallel_loop3A_113, %parallel_loop3A_115 : vector<16xf32>
        %parallel_loop3A_117 = arith.index_cast %parallel_loop3A_101 : i32 to index
        %parallel_loop3A_118 = arith.index_cast %parallel_loop3A_104 : i32 to index
        %parallel_loop3A_119 = tpu.vector_load %arg10[%parallel_loop3A_117, %parallel_loop3A_118] {strides = array<i32>} : memref<128x128xf32, #tpu.memory_space<vmem>>, vector<1x16xf32>,
        %parallel_loop3A_120 = vector.shape_cast %parallel_loop3A_119 : vector<1x16xf32> to vector<16xf32>
        %parallel_loop3A_121 = vector.shape_cast %parallel_loop3A_116 : vector<16xf32> to vector<1x16xf32>
        tpu.vector_store %arg10[%parallel_loop3A_117, %parallel_loop3A_118], %parallel_loop3A_121 {strides = array<i32>} : memref<128x128xf32, #tpu.memory_space<vmem>>, vector<1x16xf32>,
      } {sc.loop_unroll_factor = 8 : i64, sc.parallel_access}
      %run_scoped3A = arith.constant 2 : i32
      "tpu.region"() ({
        %run_scoped3A_77 = tpu.sem_alloc : memref<!tpu.dma_semaphore, #tpu.memory_space<semaphore_mem>>
        %dma_start3A_78 = arith.constant 0 : i32
        %dma_start3A_79 = tpu.memref_slice %arg12[%run_scoped3A, %dma_start3A_78] : memref<3x128xi32, #tpu.memory_space<vmem>> -> memref<1x128xi32, #tpu.memory_space<vmem>>
        %dma_start3A_80 = tpu.memref_squeeze %dma_start3A_79 : memref<1x128xi32, #tpu.memory_space<vmem>> -> memref<128xi32, #tpu.memory_space<vmem>>
        %dma_start3A_81 = arith.constant 0 : i32
        %dma_start3A_82 = arith.constant 0 : i32
        %dma_start3A_83 = tpu.memref_slice %arg8[%dma_start3A_81, %dma_start3A_82] : memref<10112x128xf32, #tpu.memory_space<vmem_shared>> -> memref<10112x128xf32, #tpu.memory_space<vmem_shared>>
        tpu.enqueue_indirect_dma source(%arg10 : memref<128x128xf32, #tpu.memory_space<vmem>>) target(%dma_start3A_83 : memref<10112x128xf32, #tpu.memory_space<vmem_shared>>) offsets(%dma_start3A_80 : memref<128xi32, #tpu.memory_space<vmem>>) semaphore(%run_scoped3A_77 : memref<!tpu.dma_semaphore, #tpu.memory_space<semaphore_mem>>) {add = true}
        %dma_wait3A_84 = arith.constant 0 : i32
        %dma_wait3A_85 = tpu.memref_slice %arg12[%run_scoped3A, %dma_wait3A_84] : memref<3x128xi32, #tpu.memory_space<vmem>> -> memref<1x128xi32, #tpu.memory_space<vmem>>
        %dma_wait3A_86 = tpu.memref_squeeze %dma_wait3A_85 : memref<1x128xi32, #tpu.memory_space<vmem>> -> memref<128xi32, #tpu.memory_space<vmem>>
        %dma_wait3A_87 = arith.constant 0 : i32
        %dma_wait3A_88 = arith.constant 0 : i32
        %dma_wait3A_89 = tpu.memref_slice %arg8[%dma_wait3A_87, %dma_wait3A_88] : memref<10112x128xf32, #tpu.memory_space<vmem_shared>> -> memref<10112x128xf32, #tpu.memory_space<vmem_shared>>
        tpu.wait_indirect_dma semaphore(%run_scoped3A_77 : memref<!tpu.dma_semaphore, #tpu.memory_space<semaphore_mem>>) src(%arg10 : memref<128x128xf32, #tpu.memory_space<vmem>>) dst(%dma_wait3A_89 : memref<10112x128xf32, #tpu.memory_space<vmem_shared>>)
        tpu.yield
      }) : () -> ()
    }
    %while3A_42 = arith.constant 1 : i32
    scf.for %while3A_44 = %while3A_40 to %while3A_36 step %while3A_42  : i32 {
      %mul3A_45 = arith.muli %while3A_44, %while3A_33 : i32
      %add3A_46 = arith.addi %arg1, %mul3A_45 : i32
      %mul3A_47 = arith.constant 128 : i32
      %mul3A_48 = arith.muli %add3A_46, %mul3A_47 : i32
      "tpu.region"() ({
        %run_scoped3A_77 = tpu.sem_alloc : memref<!tpu.dma_semaphore, #tpu.memory_space<semaphore_mem>>
        %dma_start3A_78 = arith.constant 0 : i32
        %dma_start3A_79 = tpu.memref_slice %arg5[%arg0, %dma_start3A_78, %mul3A_48] : memref<2x3x40960xi32, #tpu.memory_space<hbm>> -> memref<1x3x128xi32, #tpu.memory_space<hbm>>
        %dma_start3A_80 = tpu.memref_squeeze %dma_start3A_79 : memref<1x3x128xi32, #tpu.memory_space<hbm>> -> memref<3x128xi32, #tpu.memory_space<hbm>>
        %dma_start3A_81 = arith.constant 0 : i32
        %dma_start3A_82 = tpu.memref_slice %arg5[%arg0, %dma_start3A_81, %mul3A_48] : memref<2x3x40960xi32, #tpu.memory_space<hbm>> -> memref<1x3x128xi32, #tpu.memory_space<hbm>>
        %dma_start3A_83 = tpu.memref_squeeze %dma_start3A_82 : memref<1x3x128xi32, #tpu.memory_space<hbm>> -> memref<3x128xi32, #tpu.memory_space<hbm>>
        tpu.enqueue_dma source(%dma_start3A_83 : memref<3x128xi32, #tpu.memory_space<hbm>>) target(%arg12 : memref<3x128xi32, #tpu.memory_space<vmem>>) target_semaphore(%run_scoped3A_77 : memref<!tpu.dma_semaphore, #tpu.memory_space<semaphore_mem>>)
        %dma_wait3A_84 = arith.constant 0 : i32
        %dma_wait3A_85 = tpu.memref_slice %arg5[%arg0, %dma_wait3A_84, %mul3A_48] : memref<2x3x40960xi32, #tpu.memory_space<hbm>> -> memref<1x3x128xi32, #tpu.memory_space<hbm>>
        %dma_wait3A_86 = tpu.memref_squeeze %dma_wait3A_85 : memref<1x3x128xi32, #tpu.memory_space<hbm>> -> memref<3x128xi32, #tpu.memory_space<hbm>>
        %dma_wait3A_87 = arith.constant 0 : i32
        %dma_wait3A_88 = tpu.memref_slice %arg5[%arg0, %dma_wait3A_87, %mul3A_48] : memref<2x3x40960xi32, #tpu.memory_space<hbm>> -> memref<1x3x128xi32, #tpu.memory_space<hbm>>
        %dma_wait3A_89 = tpu.memref_squeeze %dma_wait3A_88 : memref<1x3x128xi32, #tpu.memory_space<hbm>> -> memref<3x128xi32, #tpu.memory_space<hbm>>
        tpu.wait_dma2 semaphore(%run_scoped3A_77 : memref<!tpu.dma_semaphore, #tpu.memory_space<semaphore_mem>>) src(%dma_wait3A_89 : memref<3x128xi32, #tpu.memory_space<hbm>>) dst(%arg12 : memref<3x128xi32, #tpu.memory_space<vmem>>)
        tpu.yield
      }) : () -> ()
      %dma_start3A = arith.constant 0 : i32
      %dma_start3A_49 = arith.constant 0 : i32
      %dma_start3A_50 = tpu.memref_slice %arg12[%dma_start3A, %dma_start3A_49] : memref<3x128xi32, #tpu.memory_space<vmem>> -> memref<1x128xi32, #tpu.memory_space<vmem>>
      %dma_start3A_51 = tpu.memref_squeeze %dma_start3A_50 : memref<1x128xi32, #tpu.memory_space<vmem>> -> memref<128xi32, #tpu.memory_space<vmem>>
      %dma_start3A_52 = arith.constant 0 : i32
      %dma_start3A_53 = arith.constant 0 : i32
      %dma_start3A_54 = tpu.memref_slice %arg9[%dma_start3A_52, %dma_start3A_53] : memref<400x128xf32, #tpu.memory_space<vmem_shared>> -> memref<400x128xf32, #tpu.memory_space<vmem_shared>>
      tpu.enqueue_indirect_dma source(%dma_start3A_54 : memref<400x128xf32, #tpu.memory_space<vmem_shared>>) target(%arg11 : memref<128x128xf32, #tpu.memory_space<vmem>>) offsets(%dma_start3A_51 : memref<128xi32, #tpu.memory_space<vmem>>) semaphore(%arg14 : memref<!tpu.dma_semaphore, #tpu.memory_space<semaphore_mem>>)
      %dma_start3A_55 = arith.constant 1 : i32
      %dma_start3A_56 = arith.constant 0 : i32
      %dma_start3A_57 = tpu.memref_slice %arg12[%dma_start3A_55, %dma_start3A_56] : memref<3x128xi32, #tpu.memory_space<vmem>> -> memref<1x128xi32, #tpu.memory_space<vmem>>
      %dma_start3A_58 = tpu.memref_squeeze %dma_start3A_57 : memref<1x128xi32, #tpu.memory_space<vmem>> -> memref<128xi32, #tpu.memory_space<vmem>>
      %dma_start3A_59 = arith.constant 0 : i32
      %dma_start3A_60 = arith.constant 0 : i32
      %dma_start3A_61 = tpu.memref_slice %arg2[%dma_start3A_59, %dma_start3A_60] : memref<10000x128xf32, #tpu.memory_space<hbm>> -> memref<10000x128xf32, #tpu.memory_space<hbm>>
      tpu.enqueue_indirect_dma source(%dma_start3A_61 : memref<10000x128xf32, #tpu.memory_space<hbm>>) target(%arg10 : memref<128x128xf32, #tpu.memory_space<vmem>>) offsets(%dma_start3A_58 : memref<128xi32, #tpu.memory_space<vmem>>) semaphore(%arg13 : memref<!tpu.dma_semaphore, #tpu.memory_space<semaphore_mem>>)
      %dma_wait3A = arith.constant 0 : i32
      %dma_wait3A_62 = arith.constant 0 : i32
      %dma_wait3A_63 = tpu.memref_slice %arg12[%dma_wait3A, %dma_wait3A_62] : memref<3x128xi32, #tpu.memory_space<vmem>> -> memref<1x128xi32, #tpu.memory_space<vmem>>
      %dma_wait3A_64 = tpu.memref_squeeze %dma_wait3A_63 : memref<1x128xi32, #tpu.memory_space<vmem>> -> memref<128xi32, #tpu.memory_space<vmem>>
      %dma_wait3A_65 = arith.constant 0 : i32
      %dma_wait3A_66 = arith.constant 0 : i32
      %dma_wait3A_67 = tpu.memref_slice %arg9[%dma_wait3A_65, %dma_wait3A_66] : memref<400x128xf32, #tpu.memory_space<vmem_shared>> -> memref<400x128xf32, #tpu.memory_space<vmem_shared>>
      tpu.wait_indirect_dma semaphore(%arg14 : memref<!tpu.dma_semaphore, #tpu.memory_space<semaphore_mem>>) src(%dma_wait3A_67 : memref<400x128xf32, #tpu.memory_space<vmem_shared>>) dst(%arg11 : memref<128x128xf32, #tpu.memory_space<vmem>>)
      %dma_wait3A_68 = arith.constant 1 : i32
      %dma_wait3A_69 = arith.constant 0 : i32
      %dma_wait3A_70 = tpu.memref_slice %arg12[%dma_wait3A_68, %dma_wait3A_69] : memref<3x128xi32, #tpu.memory_space<vmem>> -> memref<1x128xi32, #tpu.memory_space<vmem>>
      %dma_wait3A_71 = tpu.memref_squeeze %dma_wait3A_70 : memref<1x128xi32, #tpu.memory_space<vmem>> -> memref<128xi32, #tpu.memory_space<vmem>>
      %dma_wait3A_72 = arith.constant 0 : i32
      %dma_wait3A_73 = arith.constant 0 : i32
      %dma_wait3A_74 = tpu.memref_slice %arg2[%dma_wait3A_72, %dma_wait3A_73] : memref<10000x128xf32, #tpu.memory_space<hbm>> -> memref<10000x128xf32, #tpu.memory_space<hbm>>
      tpu.wait_indirect_dma semaphore(%arg13 : memref<!tpu.dma_semaphore, #tpu.memory_space<semaphore_mem>>) src(%dma_wait3A_74 : memref<10000x128xf32, #tpu.memory_space<hbm>>) dst(%arg10 : memref<128x128xf32, #tpu.memory_space<vmem>>)
      %parallel_loop3A = arith.constant 0 : i32
      %parallel_loop3A_75 = arith.constant 16384 : i32
      %parallel_loop3A_76 = arith.constant 16 : i32
      scf.for %parallel_loop3A_77 = %parallel_loop3A to %parallel_loop3A_75 step %parallel_loop3A_76  : i32 {
        %parallel_loop3A_78 = arith.constant 128 : i32
        %parallel_loop3A_79 = arith.divsi %parallel_loop3A_77, %parallel_loop3A_78 : i32
        %parallel_loop3A_80 = arith.constant 0 : i32
        %parallel_loop3A_81 = arith.cmpi sgt, %parallel_loop3A_77, %parallel_loop3A_80 : i32
        %parallel_loop3A_82 = arith.extui %parallel_loop3A_81 : i1 to i32
        %parallel_loop3A_83 = arith.constant 0 : i32
        %parallel_loop3A_84 = arith.cmpi slt, %parallel_loop3A_77, %parallel_loop3A_83 : i32
        %parallel_loop3A_85 = arith.extui %parallel_loop3A_84 : i1 to i32
        %parallel_loop3A_86 = arith.subi %parallel_loop3A_82, %parallel_loop3A_85 : i32
        %parallel_loop3A_87 = arith.constant 0 : i32
        %parallel_loop3A_88 = arith.cmpi sgt, %parallel_loop3A_78, %parallel_loop3A_87 : i32
        %parallel_loop3A_89 = arith.extui %parallel_loop3A_88 : i1 to i32
        %parallel_loop3A_90 = arith.constant 0 : i32
        %parallel_loop3A_91 = arith.cmpi slt, %parallel_loop3A_78, %parallel_loop3A_90 : i32
        %parallel_loop3A_92 = arith.extui %parallel_loop3A_91 : i1 to i32
        %parallel_loop3A_93 = arith.subi %parallel_loop3A_89, %parallel_loop3A_92 : i32
        %parallel_loop3A_94 = arith.cmpi ne, %parallel_loop3A_86, %parallel_loop3A_93 : i32
        %parallel_loop3A_95 = arith.remsi %parallel_loop3A_77, %parallel_loop3A_78 : i32
        %parallel_loop3A_96 = arith.constant 0 : i32
        %parallel_loop3A_97 = arith.cmpi ne, %parallel_loop3A_95, %parallel_loop3A_96 : i32
        %parallel_loop3A_98 = arith.andi %parallel_loop3A_94, %parallel_loop3A_97 : i1
        %parallel_loop3A_99 = arith.constant 1 : i32
        %parallel_loop3A_100 = arith.subi %parallel_loop3A_79, %parallel_loop3A_99 : i32
        %parallel_loop3A_101 = arith.select %parallel_loop3A_98, %parallel_loop3A_100, %parallel_loop3A_79 : i32
        %parallel_loop3A_102 = arith.constant 128 : i32
        %parallel_loop3A_103 = arith.muli %parallel_loop3A_101, %parallel_loop3A_102 : i32
        %parallel_loop3A_104 = arith.subi %parallel_loop3A_77, %parallel_loop3A_103 : i32
        %parallel_loop3A_105 = arith.index_cast %parallel_loop3A_101 : i32 to index
        %parallel_loop3A_106 = arith.index_cast %parallel_loop3A_104 : i32 to index
        %parallel_loop3A_107 = tpu.vector_load %arg10[%parallel_loop3A_105, %parallel_loop3A_106] {strides = array<i32>} : memref<128x128xf32, #tpu.memory_space<vmem>>, vector<1x16xf32>,
        %parallel_loop3A_108 = vector.shape_cast %parallel_loop3A_107 : vector<1x16xf32> to vector<16xf32>
        %parallel_loop3A_109 = arith.index_cast %parallel_loop3A_101 : i32 to index
        %parallel_loop3A_110 = arith.index_cast %parallel_loop3A_104 : i32 to index
        %parallel_loop3A_111 = tpu.vector_load %arg11[%parallel_loop3A_109, %parallel_loop3A_110] {strides = array<i32>} : memref<128x128xf32, #tpu.memory_space<vmem>>, vector<1x16xf32>,
        %parallel_loop3A_112 = vector.shape_cast %parallel_loop3A_111 : vector<1x16xf32> to vector<16xf32>
        %parallel_loop3A_113 = arith.mulf %parallel_loop3A_108, %parallel_loop3A_112 : vector<16xf32>
        %parallel_loop3A_114 = arith.constant 2.500000e-01 : f32
        %parallel_loop3A_115 = vector.broadcast %parallel_loop3A_114 : f32 to vector<16xf32>
        %parallel_loop3A_116 = arith.mulf %parallel_loop3A_113, %parallel_loop3A_115 : vector<16xf32>
        %parallel_loop3A_117 = arith.index_cast %parallel_loop3A_101 : i32 to index
        %parallel_loop3A_118 = arith.index_cast %parallel_loop3A_104 : i32 to index
        %parallel_loop3A_119 = tpu.vector_load %arg10[%parallel_loop3A_117, %parallel_loop3A_118] {strides = array<i32>} : memref<128x128xf32, #tpu.memory_space<vmem>>, vector<1x16xf32>,
        %parallel_loop3A_120 = vector.shape_cast %parallel_loop3A_119 : vector<1x16xf32> to vector<16xf32>
        %parallel_loop3A_121 = vector.shape_cast %parallel_loop3A_116 : vector<16xf32> to vector<1x16xf32>
        tpu.vector_store %arg10[%parallel_loop3A_117, %parallel_loop3A_118], %parallel_loop3A_121 {strides = array<i32>} : memref<128x128xf32, #tpu.memory_space<vmem>>, vector<1x16xf32>,
      } {sc.loop_unroll_factor = 8 : i64, sc.parallel_access}
      %run_scoped3A = arith.constant 2 : i32
      "tpu.region"() ({
        %run_scoped3A_77 = tpu.sem_alloc : memref<!tpu.dma_semaphore, #tpu.memory_space<semaphore_mem>>
        %dma_start3A_78 = arith.constant 0 : i32
        %dma_start3A_79 = tpu.memref_slice %arg12[%run_scoped3A, %dma_start3A_78] : memref<3x128xi32, #tpu.memory_space<vmem>> -> memref<1x128xi32, #tpu.memory_space<vmem>>
        %dma_start3A_80 = tpu.memref_squeeze %dma_start3A_79 : memref<1x128xi32, #tpu.memory_space<vmem>> -> memref<128xi32, #tpu.memory_space<vmem>>
        %dma_start3A_81 = arith.constant 0 : i32
        %dma_start3A_82 = arith.constant 0 : i32
        %dma_start3A_83 = tpu.memref_slice %arg8[%dma_start3A_81, %dma_start3A_82] : memref<10112x128xf32, #tpu.memory_space<vmem_shared>> -> memref<10112x128xf32, #tpu.memory_space<vmem_shared>>
        tpu.enqueue_indirect_dma source(%arg10 : memref<128x128xf32, #tpu.memory_space<vmem>>) target(%dma_start3A_83 : memref<10112x128xf32, #tpu.memory_space<vmem_shared>>) offsets(%dma_start3A_80 : memref<128xi32, #tpu.memory_space<vmem>>) semaphore(%run_scoped3A_77 : memref<!tpu.dma_semaphore, #tpu.memory_space<semaphore_mem>>) {add = true}
        %dma_wait3A_84 = arith.constant 0 : i32
        %dma_wait3A_85 = tpu.memref_slice %arg12[%run_scoped3A, %dma_wait3A_84] : memref<3x128xi32, #tpu.memory_space<vmem>> -> memref<1x128xi32, #tpu.memory_space<vmem>>
        %dma_wait3A_86 = tpu.memref_squeeze %dma_wait3A_85 : memref<1x128xi32, #tpu.memory_space<vmem>> -> memref<128xi32, #tpu.memory_space<vmem>>
        %dma_wait3A_87 = arith.constant 0 : i32
        %dma_wait3A_88 = arith.constant 0 : i32
        %dma_wait3A_89 = tpu.memref_slice %arg8[%dma_wait3A_87, %dma_wait3A_88] : memref<10112x128xf32, #tpu.memory_space<vmem_shared>> -> memref<10112x128xf32, #tpu.memory_space<vmem_shared>>
        tpu.wait_indirect_dma semaphore(%run_scoped3A_77 : memref<!tpu.dma_semaphore, #tpu.memory_space<semaphore_mem>>) src(%arg10 : memref<128x128xf32, #tpu.memory_space<vmem>>) dst(%dma_wait3A_89 : memref<10112x128xf32, #tpu.memory_space<vmem_shared>>)
        tpu.yield
      }) : () -> ()
    }
    %barrier3A_43 = arith.constant 0 : index
    tpu.barrier barrier_id(%barrier3A_43)
    "tpu.region"() ({
      %run_scoped3A = tpu.sem_alloc : memref<!tpu.dma_semaphore, #tpu.memory_space<semaphore_mem>>
      %dma_start3A = arith.constant 0 : i32
      %dma_start3A_44 = tpu.memref_slice %arg7[%arg0, %mul3A_0, %dma_start3A] : memref<2x10112x128xf32, #tpu.memory_space<hbm>> -> memref<1x632x128xf32, #tpu.memory_space<hbm>>
      %dma_start3A_45 = tpu.memref_squeeze %dma_start3A_44 : memref<1x632x128xf32, #tpu.memory_space<hbm>> -> memref<632x128xf32, #tpu.memory_space<hbm>>
      %dma_start3A_46 = arith.constant 0 : i32
      %dma_start3A_47 = tpu.memref_slice %arg8[%mul3A_0, %dma_start3A_46] : memref<10112x128xf32, #tpu.memory_space<vmem_shared>> -> memref<632x128xf32, #tpu.memory_space<vmem_shared>>
      tpu.enqueue_dma source(%dma_start3A_47 : memref<632x128xf32, #tpu.memory_space<vmem_shared>>) target(%dma_start3A_45 : memref<632x128xf32, #tpu.memory_space<hbm>>) target_semaphore(%run_scoped3A : memref<!tpu.dma_semaphore, #tpu.memory_space<semaphore_mem>>)
      %dma_wait3A = arith.constant 0 : i32
      %dma_wait3A_48 = tpu.memref_slice %arg7[%arg0, %mul3A_0, %dma_wait3A] : memref<2x10112x128xf32, #tpu.memory_space<hbm>> -> memref<1x632x128xf32, #tpu.memory_space<hbm>>
      %dma_wait3A_49 = tpu.memref_squeeze %dma_wait3A_48 : memref<1x632x128xf32, #tpu.memory_space<hbm>> -> memref<632x128xf32, #tpu.memory_space<hbm>>
      %dma_wait3A_50 = arith.constant 0 : i32
      %dma_wait3A_51 = tpu.memref_slice %arg8[%mul3A_0, %dma_wait3A_50] : memref<10112x128xf32, #tpu.memory_space<vmem_shared>> -> memref<632x128xf32, #tpu.memory_space<vmem_shared>>
      tpu.wait_dma2 semaphore(%run_scoped3A : memref<!tpu.dma_semaphore, #tpu.memory_space<semaphore_mem>>) src(%dma_wait3A_51 : memref<632x128xf32, #tpu.memory_space<vmem_shared>>) dst(%dma_wait3A_49 : memref<632x128xf32, #tpu.memory_space<hbm>>)
      tpu.yield
    }) : () -> ()
    return
  }
}

#map = affine_map<(d0, d1) -> (0, 0)>
#map1 = affine_map<(d0, d1) -> (0, 0, 0)>
module attributes {stable_mosaic.version = 14 : i64} {
  func.func @_edge_kernel(%arg0: i32, %arg1: i32, %arg2: memref<10000x128xf32, #tpu.memory_space<hbm>>, %arg3: memref<400x128xf32, #tpu.memory_space<hbm>>, %arg4: memref<3x160000xi32, #tpu.memory_space<hbm>>, %arg5: memref<2x3x40960xi32, #tpu.memory_space<hbm>>, %arg6: memref<158x128xf32, #tpu.memory_space<hbm>>, %arg7: memref<2x10112x128xf32, #tpu.memory_space<hbm>>, %arg8: memref<10112x128xf32, #tpu.memory_space<vmem_shared>>, %arg9: memref<400x128xf32, #tpu.memory_space<vmem_shared>>, %arg10: memref<128x128xf32, #tpu.memory_space<vmem>>, %arg11: memref<128x128xf32, #tpu.memory_space<vmem>>, %arg12: memref<3x128xi32, #tpu.memory_space<vmem>>, %arg13: memref<!tpu.dma_semaphore, #tpu.memory_space<semaphore_mem>>, %arg14: memref<!tpu.dma_semaphore, #tpu.memory_space<semaphore_mem>>) attributes {dimension_semantics = [#tpu.dimension_semantics<core_parallel>, #tpu.dimension_semantics<subcore_parallel>], iteration_bounds = array<i64: 2, 16>, scalar_prefetch = 0 : i64, scratch_operands = 7 : i64, tpu.core_type = #tpu.core_type<sc_vector_subcore>, window_params = [{transform_indices = #map}, {transform_indices = #map}, {transform_indices = #map}, {transform_indices = #map1}, {transform_indices = #map}, {transform_indices = #map1}]} {
    %mul3A = arith.constant 632 : i32
    %mul3A_0 = arith.muli %arg1, %mul3A : i32
    %add3A = arith.constant 0 : i32
    %add3A_1 = arith.addi %mul3A_0, %add3A : i32
    "tpu.region"() ({
      %run_scoped3A = tpu.sem_alloc : memref<!tpu.dma_semaphore, #tpu.memory_space<semaphore_mem>>
      %dma_start3A = arith.constant 0 : i32
      %dma_start3A_44 = tpu.memref_slice %arg8[%add3A_1, %dma_start3A] : memref<10112x128xf32, #tpu.memory_space<vmem_shared>> -> memref<158x128xf32, #tpu.memory_space<vmem_shared>>
      tpu.enqueue_dma source(%arg6 : memref<158x128xf32, #tpu.memory_space<hbm>>) target(%dma_start3A_44 : memref<158x128xf32, #tpu.memory_space<vmem_shared>>) target_semaphore(%run_scoped3A : memref<!tpu.dma_semaphore, #tpu.memory_space<semaphore_mem>>)
      %dma_wait3A = arith.constant 0 : i32
      %dma_wait3A_45 = tpu.memref_slice %arg8[%add3A_1, %dma_wait3A] : memref<10112x128xf32, #tpu.memory_space<vmem_shared>> -> memref<158x128xf32, #tpu.memory_space<vmem_shared>>
      tpu.wait_dma2 semaphore(%run_scoped3A : memref<!tpu.dma_semaphore, #tpu.memory_space<semaphore_mem>>) src(%arg6 : memref<158x128xf32, #tpu.memory_space<hbm>>) dst(%dma_wait3A_45 : memref<158x128xf32, #tpu.memory_space<vmem_shared>>)
      tpu.yield
    }) : () -> ()
    %add3A_2 = arith.constant 158 : i32
    %add3A_3 = arith.addi %mul3A_0, %add3A_2 : i32
    "tpu.region"() ({
      %run_scoped3A = tpu.sem_alloc : memref<!tpu.dma_semaphore, #tpu.memory_space<semaphore_mem>>
      %dma_start3A = arith.constant 0 : i32
      %dma_start3A_44 = tpu.memref_slice %arg8[%add3A_3, %dma_start3A] : memref<10112x128xf32, #tpu.memory_space<vmem_shared>> -> memref<158x128xf32, #tpu.memory_space<vmem_shared>>
      tpu.enqueue_dma source(%arg6 : memref<158x128xf32, #tpu.memory_space<hbm>>) target(%dma_start3A_44 : memref<158x128xf32, #tpu.memory_space<vmem_shared>>) target_semaphore(%run_scoped3A : memref<!tpu.dma_semaphore, #tpu.memory_space<semaphore_mem>>)
      %dma_wait3A = arith.constant 0 : i32
      %dma_wait3A_45 = tpu.memref_slice %arg8[%add3A_3, %dma_wait3A] : memref<10112x128xf32, #tpu.memory_space<vmem_shared>> -> memref<158x128xf32, #tpu.memory_space<vmem_shared>>
      tpu.wait_dma2 semaphore(%run_scoped3A : memref<!tpu.dma_semaphore, #tpu.memory_space<semaphore_mem>>) src(%arg6 : memref<158x128xf32, #tpu.memory_space<hbm>>) dst(%dma_wait3A_45 : memref<158x128xf32, #tpu.memory_space<vmem_shared>>)
      tpu.yield
    }) : () -> ()
    %add3A_4 = arith.constant 316 : i32
    %add3A_5 = arith.addi %mul3A_0, %add3A_4 : i32
    "tpu.region"() ({
      %run_scoped3A = tpu.sem_alloc : memref<!tpu.dma_semaphore, #tpu.memory_space<semaphore_mem>>
      %dma_start3A = arith.constant 0 : i32
      %dma_start3A_44 = tpu.memref_slice %arg8[%add3A_5, %dma_start3A] : memref<10112x128xf32, #tpu.memory_space<vmem_shared>> -> memref<158x128xf32, #tpu.memory_space<vmem_shared>>
      tpu.enqueue_dma source(%arg6 : memref<158x128xf32, #tpu.memory_space<hbm>>) target(%dma_start3A_44 : memref<158x128xf32, #tpu.memory_space<vmem_shared>>) target_semaphore(%run_scoped3A : memref<!tpu.dma_semaphore, #tpu.memory_space<semaphore_mem>>)
      %dma_wait3A = arith.constant 0 : i32
      %dma_wait3A_45 = tpu.memref_slice %arg8[%add3A_5, %dma_wait3A] : memref<10112x128xf32, #tpu.memory_space<vmem_shared>> -> memref<158x128xf32, #tpu.memory_space<vmem_shared>>
      tpu.wait_dma2 semaphore(%run_scoped3A : memref<!tpu.dma_semaphore, #tpu.memory_space<semaphore_mem>>) src(%arg6 : memref<158x128xf32, #tpu.memory_space<hbm>>) dst(%dma_wait3A_45 : memref<158x128xf32, #tpu.memory_space<vmem_shared>>)
      tpu.yield
    }) : () -> ()
    %add3A_6 = arith.constant 474 : i32
    %add3A_7 = arith.addi %mul3A_0, %add3A_6 : i32
    "tpu.region"() ({
      %run_scoped3A = tpu.sem_alloc : memref<!tpu.dma_semaphore, #tpu.memory_space<semaphore_mem>>
      %dma_start3A = arith.constant 0 : i32
      %dma_start3A_44 = tpu.memref_slice %arg8[%add3A_7, %dma_start3A] : memref<10112x128xf32, #tpu.memory_space<vmem_shared>> -> memref<158x128xf32, #tpu.memory_space<vmem_shared>>
      tpu.enqueue_dma source(%arg6 : memref<158x128xf32, #tpu.memory_space<hbm>>) target(%dma_start3A_44 : memref<158x128xf32, #tpu.memory_space<vmem_shared>>) target_semaphore(%run_scoped3A : memref<!tpu.dma_semaphore, #tpu.memory_space<semaphore_mem>>)
      %dma_wait3A = arith.constant 0 : i32
      %dma_wait3A_45 = tpu.memref_slice %arg8[%add3A_7, %dma_wait3A] : memref<10112x128xf32, #tpu.memory_space<vmem_shared>> -> memref<158x128xf32, #tpu.memory_space<vmem_shared>>
      tpu.wait_dma2 semaphore(%run_scoped3A : memref<!tpu.dma_semaphore, #tpu.memory_space<semaphore_mem>>) src(%arg6 : memref<158x128xf32, #tpu.memory_space<hbm>>) dst(%dma_wait3A_45 : memref<158x128xf32, #tpu.memory_space<vmem_shared>>)
      tpu.yield
    }) : () -> ()
    %eq3A = arith.constant 0 : i32
    %eq3A_8 = arith.cmpi eq, %arg1, %eq3A : i32
    %convert_element_type3A = arith.extui %eq3A_8 : i1 to i32
    %cond3A = arith.constant 0 : i32
    %cond3A_9 = arith.cmpi ne, %convert_element_type3A, %cond3A : i32
    scf.if %cond3A_9 {
      "tpu.region"() ({
        %run_scoped3A = tpu.sem_alloc : memref<!tpu.dma_semaphore, #tpu.memory_space<semaphore_mem>>
        tpu.enqueue_dma source(%arg3 : memref<400x128xf32, #tpu.memory_space<hbm>>) target(%arg9 : memref<400x128xf32, #tpu.memory_space<vmem_shared>>) target_semaphore(%run_scoped3A : memref<!tpu.dma_semaphore, #tpu.memory_space<semaphore_mem>>)
        tpu.wait_dma2 semaphore(%run_scoped3A : memref<!tpu.dma_semaphore, #tpu.memory_space<semaphore_mem>>) src(%arg3 : memref<400x128xf32, #tpu.memory_space<hbm>>) dst(%arg9 : memref<400x128xf32, #tpu.memory_space<vmem_shared>>)
        tpu.yield
      }) : () -> ()
    } else {
    }
    %barrier3A = arith.constant 0 : index
    tpu.barrier barrier_id(%barrier3A)
    %sub3A = arith.constant 625 : i32
    %sub3A_10 = arith.subi %sub3A, %arg1 : i32
    %sub3A_11 = arith.constant 16 : i32
    %sub3A_12 = arith.constant 1 : i32
    %sub3A_13 = arith.subi %sub3A_11, %sub3A_12 : i32
    %add3A_14 = arith.addi %sub3A_10, %sub3A_13 : i32
    %div3A = arith.constant 16 : i32
    %div3A_15 = arith.divsi %add3A_14, %div3A : i32
    %while3A = arith.constant 16 : i32
    %while3A_16 = arith.constant 0 : i32
    %while3A_17 = arith.subi %div3A_15, %while3A_16 : i32
    %while3A_18 = arith.addi %while3A_16, %while3A_17 : i32
    %while3A_19 = arith.constant 1 : i32
    %while3A_20 = arith.divsi %while3A_17, %while3A_19 : i32
    %while3A_21 = arith.muli %while3A_20, %while3A_19 : i32
    %while3A_22 = arith.addi %while3A_16, %while3A_21 : i32
    %while3A_23 = arith.constant 1 : i32
    scf.for %while3A_44 = %while3A_16 to %while3A_22 step %while3A_23  : i32 {
      %mul3A_45 = arith.muli %while3A_44, %while3A : i32
      %add3A_46 = arith.addi %arg1, %mul3A_45 : i32
      %mul3A_47 = arith.constant 80000 : i32
      %mul3A_48 = arith.muli %arg0, %mul3A_47 : i32
      %mul3A_49 = arith.constant 128 : i32
      %mul3A_50 = arith.muli %add3A_46, %mul3A_49 : i32
      %add3A_51 = arith.addi %mul3A_48, %mul3A_50 : i32
      "tpu.region"() ({
        %run_scoped3A = tpu.sem_alloc : memref<!tpu.dma_semaphore, #tpu.memory_space<semaphore_mem>>
        %dma_start3A_106 = arith.constant 0 : i32
        %dma_start3A_107 = tpu.memref_slice %arg4[%dma_start3A_106, %add3A_51] : memref<3x160000xi32, #tpu.memory_space<hbm>> -> memref<3x128xi32, #tpu.memory_space<hbm>>
        %dma_start3A_108 = arith.constant 0 : i32
        %dma_start3A_109 = tpu.memref_slice %arg4[%dma_start3A_108, %add3A_51] : memref<3x160000xi32, #tpu.memory_space<hbm>> -> memref<3x128xi32, #tpu.memory_space<hbm>>
        tpu.enqueue_dma source(%dma_start3A_109 : memref<3x128xi32, #tpu.memory_space<hbm>>) target(%arg12 : memref<3x128xi32, #tpu.memory_space<vmem>>) target_semaphore(%run_scoped3A : memref<!tpu.dma_semaphore, #tpu.memory_space<semaphore_mem>>)
        %dma_wait3A_110 = arith.constant 0 : i32
        %dma_wait3A_111 = tpu.memref_slice %arg4[%dma_wait3A_110, %add3A_51] : memref<3x160000xi32, #tpu.memory_space<hbm>> -> memref<3x128xi32, #tpu.memory_space<hbm>>
        %dma_wait3A_112 = arith.constant 0 : i32
        %dma_wait3A_113 = tpu.memref_slice %arg4[%dma_wait3A_112, %add3A_51] : memref<3x160000xi32, #tpu.memory_space<hbm>> -> memref<3x128xi32, #tpu.memory_space<hbm>>
        tpu.wait_dma2 semaphore(%run_scoped3A : memref<!tpu.dma_semaphore, #tpu.memory_space<semaphore_mem>>) src(%dma_wait3A_113 : memref<3x128xi32, #tpu.memory_space<hbm>>) dst(%arg12 : memref<3x128xi32, #tpu.memory_space<vmem>>)
        tpu.yield
      }) : () -> ()
      %dma_start3A = arith.constant 0 : i32
      %dma_start3A_52 = arith.constant 0 : i32
      %dma_start3A_53 = tpu.memref_slice %arg12[%dma_start3A, %dma_start3A_52] : memref<3x128xi32, #tpu.memory_space<vmem>> -> memref<1x128xi32, #tpu.memory_space<vmem>>
      %dma_start3A_54 = tpu.memref_squeeze %dma_start3A_53 : memref<1x128xi32, #tpu.memory_space<vmem>> -> memref<128xi32, #tpu.memory_space<vmem>>
      %dma_start3A_55 = arith.constant 0 : i32
      %dma_start3A_56 = arith.constant 0 : i32
      %dma_start3A_57 = tpu.memref_slice %arg2[%dma_start3A_55, %dma_start3A_56] : memref<10000x128xf32, #tpu.memory_space<hbm>> -> memref<10000x128xf32, #tpu.memory_space<hbm>>
      tpu.enqueue_indirect_dma source(%dma_start3A_57 : memref<10000x128xf32, #tpu.memory_space<hbm>>) target(%arg10 : memref<128x128xf32, #tpu.memory_space<vmem>>) offsets(%dma_start3A_54 : memref<128xi32, #tpu.memory_space<vmem>>) semaphore(%arg13 : memref<!tpu.dma_semaphore, #tpu.memory_space<semaphore_mem>>)
      %dma_start3A_58 = arith.constant 1 : i32
      %dma_start3A_59 = arith.constant 0 : i32
      %dma_start3A_60 = tpu.memref_slice %arg12[%dma_start3A_58, %dma_start3A_59] : memref<3x128xi32, #tpu.memory_space<vmem>> -> memref<1x128xi32, #tpu.memory_space<vmem>>
      %dma_start3A_61 = tpu.memref_squeeze %dma_start3A_60 : memref<1x128xi32, #tpu.memory_space<vmem>> -> memref<128xi32, #tpu.memory_space<vmem>>
      %dma_start3A_62 = arith.constant 0 : i32
      %dma_start3A_63 = arith.constant 0 : i32
      %dma_start3A_64 = tpu.memref_slice %arg9[%dma_start3A_62, %dma_start3A_63] : memref<400x128xf32, #tpu.memory_space<vmem_shared>> -> memref<400x128xf32, #tpu.memory_space<vmem_shared>>
      tpu.enqueue_indirect_dma source(%dma_start3A_64 : memref<400x128xf32, #tpu.memory_space<vmem_shared>>) target(%arg11 : memref<128x128xf32, #tpu.memory_space<vmem>>) offsets(%dma_start3A_61 : memref<128xi32, #tpu.memory_space<vmem>>) semaphore(%arg14 : memref<!tpu.dma_semaphore, #tpu.memory_space<semaphore_mem>>)
      %dma_wait3A = arith.constant 0 : i32
      %dma_wait3A_65 = arith.constant 0 : i32
      %dma_wait3A_66 = tpu.memref_slice %arg12[%dma_wait3A, %dma_wait3A_65] : memref<3x128xi32, #tpu.memory_space<vmem>> -> memref<1x128xi32, #tpu.memory_space<vmem>>
      %dma_wait3A_67 = tpu.memref_squeeze %dma_wait3A_66 : memref<1x128xi32, #tpu.memory_space<vmem>> -> memref<128xi32, #tpu.memory_space<vmem>>
      %dma_wait3A_68 = arith.constant 0 : i32
      %dma_wait3A_69 = arith.constant 0 : i32
      %dma_wait3A_70 = tpu.memref_slice %arg2[%dma_wait3A_68, %dma_wait3A_69] : memref<10000x128xf32, #tpu.memory_space<hbm>> -> memref<10000x128xf32, #tpu.memory_space<hbm>>
      tpu.wait_indirect_dma semaphore(%arg13 : memref<!tpu.dma_semaphore, #tpu.memory_space<semaphore_mem>>) src(%dma_wait3A_70 : memref<10000x128xf32, #tpu.memory_space<hbm>>) dst(%arg10 : memref<128x128xf32, #tpu.memory_space<vmem>>)
      %dma_start3A_71 = arith.constant 2 : i32
      %dma_start3A_72 = arith.constant 0 : i32
      %dma_start3A_73 = tpu.memref_slice %arg12[%dma_start3A_71, %dma_start3A_72] : memref<3x128xi32, #tpu.memory_space<vmem>> -> memref<1x128xi32, #tpu.memory_space<vmem>>
      %dma_start3A_74 = tpu.memref_squeeze %dma_start3A_73 : memref<1x128xi32, #tpu.memory_space<vmem>> -> memref<128xi32, #tpu.memory_space<vmem>>
      %dma_start3A_75 = arith.constant 0 : i32
      %dma_start3A_76 = arith.constant 0 : i32
      %dma_start3A_77 = tpu.memref_slice %arg8[%dma_start3A_75, %dma_start3A_76] : memref<10112x128xf32, #tpu.memory_space<vmem_shared>> -> memref<10112x128xf32, #tpu.memory_space<vmem_shared>>
      tpu.enqueue_indirect_dma source(%arg10 : memref<128x128xf32, #tpu.memory_space<vmem>>) target(%dma_start3A_77 : memref<10112x128xf32, #tpu.memory_space<vmem_shared>>) offsets(%dma_start3A_74 : memref<128xi32, #tpu.memory_space<vmem>>) semaphore(%arg13 : memref<!tpu.dma_semaphore, #tpu.memory_space<semaphore_mem>>) {add = true}
      %dma_wait3A_78 = arith.constant 1 : i32
      %dma_wait3A_79 = arith.constant 0 : i32
      %dma_wait3A_80 = tpu.memref_slice %arg12[%dma_wait3A_78, %dma_wait3A_79] : memref<3x128xi32, #tpu.memory_space<vmem>> -> memref<1x128xi32, #tpu.memory_space<vmem>>
      %dma_wait3A_81 = tpu.memref_squeeze %dma_wait3A_80 : memref<1x128xi32, #tpu.memory_space<vmem>> -> memref<128xi32, #tpu.memory_space<vmem>>
      %dma_wait3A_82 = arith.constant 0 : i32
      %dma_wait3A_83 = arith.constant 0 : i32
      %dma_wait3A_84 = tpu.memref_slice %arg9[%dma_wait3A_82, %dma_wait3A_83] : memref<400x128xf32, #tpu.memory_space<vmem_shared>> -> memref<400x128xf32, #tpu.memory_space<vmem_shared>>
      tpu.wait_indirect_dma semaphore(%arg14 : memref<!tpu.dma_semaphore, #tpu.memory_space<semaphore_mem>>) src(%dma_wait3A_84 : memref<400x128xf32, #tpu.memory_space<vmem_shared>>) dst(%arg11 : memref<128x128xf32, #tpu.memory_space<vmem>>)
      %dma_start3A_85 = arith.constant 2 : i32
      %dma_start3A_86 = arith.constant 0 : i32
      %dma_start3A_87 = tpu.memref_slice %arg12[%dma_start3A_85, %dma_start3A_86] : memref<3x128xi32, #tpu.memory_space<vmem>> -> memref<1x128xi32, #tpu.memory_space<vmem>>
      %dma_start3A_88 = tpu.memref_squeeze %dma_start3A_87 : memref<1x128xi32, #tpu.memory_space<vmem>> -> memref<128xi32, #tpu.memory_space<vmem>>
      %dma_start3A_89 = arith.constant 0 : i32
      %dma_start3A_90 = arith.constant 0 : i32
      %dma_start3A_91 = tpu.memref_slice %arg8[%dma_start3A_89, %dma_start3A_90] : memref<10112x128xf32, #tpu.memory_space<vmem_shared>> -> memref<10112x128xf32, #tpu.memory_space<vmem_shared>>
      tpu.enqueue_indirect_dma source(%arg11 : memref<128x128xf32, #tpu.memory_space<vmem>>) target(%dma_start3A_91 : memref<10112x128xf32, #tpu.memory_space<vmem_shared>>) offsets(%dma_start3A_88 : memref<128xi32, #tpu.memory_space<vmem>>) semaphore(%arg14 : memref<!tpu.dma_semaphore, #tpu.memory_space<semaphore_mem>>) {add = true}
      %dma_wait3A_92 = arith.constant 2 : i32
      %dma_wait3A_93 = arith.constant 0 : i32
      %dma_wait3A_94 = tpu.memref_slice %arg12[%dma_wait3A_92, %dma_wait3A_93] : memref<3x128xi32, #tpu.memory_space<vmem>> -> memref<1x128xi32, #tpu.memory_space<vmem>>
      %dma_wait3A_95 = tpu.memref_squeeze %dma_wait3A_94 : memref<1x128xi32, #tpu.memory_space<vmem>> -> memref<128xi32, #tpu.memory_space<vmem>>
      %dma_wait3A_96 = arith.constant 0 : i32
      %dma_wait3A_97 = arith.constant 0 : i32
      %dma_wait3A_98 = tpu.memref_slice %arg8[%dma_wait3A_96, %dma_wait3A_97] : memref<10112x128xf32, #tpu.memory_space<vmem_shared>> -> memref<10112x128xf32, #tpu.memory_space<vmem_shared>>
      tpu.wait_indirect_dma semaphore(%arg13 : memref<!tpu.dma_semaphore, #tpu.memory_space<semaphore_mem>>) src(%arg10 : memref<128x128xf32, #tpu.memory_space<vmem>>) dst(%dma_wait3A_98 : memref<10112x128xf32, #tpu.memory_space<vmem_shared>>)
      %dma_wait3A_99 = arith.constant 2 : i32
      %dma_wait3A_100 = arith.constant 0 : i32
      %dma_wait3A_101 = tpu.memref_slice %arg12[%dma_wait3A_99, %dma_wait3A_100] : memref<3x128xi32, #tpu.memory_space<vmem>> -> memref<1x128xi32, #tpu.memory_space<vmem>>
      %dma_wait3A_102 = tpu.memref_squeeze %dma_wait3A_101 : memref<1x128xi32, #tpu.memory_space<vmem>> -> memref<128xi32, #tpu.memory_space<vmem>>
      %dma_wait3A_103 = arith.constant 0 : i32
      %dma_wait3A_104 = arith.constant 0 : i32
      %dma_wait3A_105 = tpu.memref_slice %arg8[%dma_wait3A_103, %dma_wait3A_104] : memref<10112x128xf32, #tpu.memory_space<vmem_shared>> -> memref<10112x128xf32, #tpu.memory_space<vmem_shared>>
      tpu.wait_indirect_dma semaphore(%arg14 : memref<!tpu.dma_semaphore, #tpu.memory_space<semaphore_mem>>) src(%arg11 : memref<128x128xf32, #tpu.memory_space<vmem>>) dst(%dma_wait3A_105 : memref<10112x128xf32, #tpu.memory_space<vmem_shared>>)
    }
    %while3A_24 = arith.constant 1 : i32
    scf.for %while3A_44 = %while3A_22 to %while3A_18 step %while3A_24  : i32 {
      %mul3A_45 = arith.muli %while3A_44, %while3A : i32
      %add3A_46 = arith.addi %arg1, %mul3A_45 : i32
      %mul3A_47 = arith.constant 80000 : i32
      %mul3A_48 = arith.muli %arg0, %mul3A_47 : i32
      %mul3A_49 = arith.constant 128 : i32
      %mul3A_50 = arith.muli %add3A_46, %mul3A_49 : i32
      %add3A_51 = arith.addi %mul3A_48, %mul3A_50 : i32
      "tpu.region"() ({
        %run_scoped3A = tpu.sem_alloc : memref<!tpu.dma_semaphore, #tpu.memory_space<semaphore_mem>>
        %dma_start3A_106 = arith.constant 0 : i32
        %dma_start3A_107 = tpu.memref_slice %arg4[%dma_start3A_106, %add3A_51] : memref<3x160000xi32, #tpu.memory_space<hbm>> -> memref<3x128xi32, #tpu.memory_space<hbm>>
        %dma_start3A_108 = arith.constant 0 : i32
        %dma_start3A_109 = tpu.memref_slice %arg4[%dma_start3A_108, %add3A_51] : memref<3x160000xi32, #tpu.memory_space<hbm>> -> memref<3x128xi32, #tpu.memory_space<hbm>>
        tpu.enqueue_dma source(%dma_start3A_109 : memref<3x128xi32, #tpu.memory_space<hbm>>) target(%arg12 : memref<3x128xi32, #tpu.memory_space<vmem>>) target_semaphore(%run_scoped3A : memref<!tpu.dma_semaphore, #tpu.memory_space<semaphore_mem>>)
        %dma_wait3A_110 = arith.constant 0 : i32
        %dma_wait3A_111 = tpu.memref_slice %arg4[%dma_wait3A_110, %add3A_51] : memref<3x160000xi32, #tpu.memory_space<hbm>> -> memref<3x128xi32, #tpu.memory_space<hbm>>
        %dma_wait3A_112 = arith.constant 0 : i32
        %dma_wait3A_113 = tpu.memref_slice %arg4[%dma_wait3A_112, %add3A_51] : memref<3x160000xi32, #tpu.memory_space<hbm>> -> memref<3x128xi32, #tpu.memory_space<hbm>>
        tpu.wait_dma2 semaphore(%run_scoped3A : memref<!tpu.dma_semaphore, #tpu.memory_space<semaphore_mem>>) src(%dma_wait3A_113 : memref<3x128xi32, #tpu.memory_space<hbm>>) dst(%arg12 : memref<3x128xi32, #tpu.memory_space<vmem>>)
        tpu.yield
      }) : () -> ()
      %dma_start3A = arith.constant 0 : i32
      %dma_start3A_52 = arith.constant 0 : i32
      %dma_start3A_53 = tpu.memref_slice %arg12[%dma_start3A, %dma_start3A_52] : memref<3x128xi32, #tpu.memory_space<vmem>> -> memref<1x128xi32, #tpu.memory_space<vmem>>
      %dma_start3A_54 = tpu.memref_squeeze %dma_start3A_53 : memref<1x128xi32, #tpu.memory_space<vmem>> -> memref<128xi32, #tpu.memory_space<vmem>>
      %dma_start3A_55 = arith.constant 0 : i32
      %dma_start3A_56 = arith.constant 0 : i32
      %dma_start3A_57 = tpu.memref_slice %arg2[%dma_start3A_55, %dma_start3A_56] : memref<10000x128xf32, #tpu.memory_space<hbm>> -> memref<10000x128xf32, #tpu.memory_space<hbm>>
      tpu.enqueue_indirect_dma source(%dma_start3A_57 : memref<10000x128xf32, #tpu.memory_space<hbm>>) target(%arg10 : memref<128x128xf32, #tpu.memory_space<vmem>>) offsets(%dma_start3A_54 : memref<128xi32, #tpu.memory_space<vmem>>) semaphore(%arg13 : memref<!tpu.dma_semaphore, #tpu.memory_space<semaphore_mem>>)
      %dma_start3A_58 = arith.constant 1 : i32
      %dma_start3A_59 = arith.constant 0 : i32
      %dma_start3A_60 = tpu.memref_slice %arg12[%dma_start3A_58, %dma_start3A_59] : memref<3x128xi32, #tpu.memory_space<vmem>> -> memref<1x128xi32, #tpu.memory_space<vmem>>
      %dma_start3A_61 = tpu.memref_squeeze %dma_start3A_60 : memref<1x128xi32, #tpu.memory_space<vmem>> -> memref<128xi32, #tpu.memory_space<vmem>>
      %dma_start3A_62 = arith.constant 0 : i32
      %dma_start3A_63 = arith.constant 0 : i32
      %dma_start3A_64 = tpu.memref_slice %arg9[%dma_start3A_62, %dma_start3A_63] : memref<400x128xf32, #tpu.memory_space<vmem_shared>> -> memref<400x128xf32, #tpu.memory_space<vmem_shared>>
      tpu.enqueue_indirect_dma source(%dma_start3A_64 : memref<400x128xf32, #tpu.memory_space<vmem_shared>>) target(%arg11 : memref<128x128xf32, #tpu.memory_space<vmem>>) offsets(%dma_start3A_61 : memref<128xi32, #tpu.memory_space<vmem>>) semaphore(%arg14 : memref<!tpu.dma_semaphore, #tpu.memory_space<semaphore_mem>>)
      %dma_wait3A = arith.constant 0 : i32
      %dma_wait3A_65 = arith.constant 0 : i32
      %dma_wait3A_66 = tpu.memref_slice %arg12[%dma_wait3A, %dma_wait3A_65] : memref<3x128xi32, #tpu.memory_space<vmem>> -> memref<1x128xi32, #tpu.memory_space<vmem>>
      %dma_wait3A_67 = tpu.memref_squeeze %dma_wait3A_66 : memref<1x128xi32, #tpu.memory_space<vmem>> -> memref<128xi32, #tpu.memory_space<vmem>>
      %dma_wait3A_68 = arith.constant 0 : i32
      %dma_wait3A_69 = arith.constant 0 : i32
      %dma_wait3A_70 = tpu.memref_slice %arg2[%dma_wait3A_68, %dma_wait3A_69] : memref<10000x128xf32, #tpu.memory_space<hbm>> -> memref<10000x128xf32, #tpu.memory_space<hbm>>
      tpu.wait_indirect_dma semaphore(%arg13 : memref<!tpu.dma_semaphore, #tpu.memory_space<semaphore_mem>>) src(%dma_wait3A_70 : memref<10000x128xf32, #tpu.memory_space<hbm>>) dst(%arg10 : memref<128x128xf32, #tpu.memory_space<vmem>>)
      %dma_start3A_71 = arith.constant 2 : i32
      %dma_start3A_72 = arith.constant 0 : i32
      %dma_start3A_73 = tpu.memref_slice %arg12[%dma_start3A_71, %dma_start3A_72] : memref<3x128xi32, #tpu.memory_space<vmem>> -> memref<1x128xi32, #tpu.memory_space<vmem>>
      %dma_start3A_74 = tpu.memref_squeeze %dma_start3A_73 : memref<1x128xi32, #tpu.memory_space<vmem>> -> memref<128xi32, #tpu.memory_space<vmem>>
      %dma_start3A_75 = arith.constant 0 : i32
      %dma_start3A_76 = arith.constant 0 : i32
      %dma_start3A_77 = tpu.memref_slice %arg8[%dma_start3A_75, %dma_start3A_76] : memref<10112x128xf32, #tpu.memory_space<vmem_shared>> -> memref<10112x128xf32, #tpu.memory_space<vmem_shared>>
      tpu.enqueue_indirect_dma source(%arg10 : memref<128x128xf32, #tpu.memory_space<vmem>>) target(%dma_start3A_77 : memref<10112x128xf32, #tpu.memory_space<vmem_shared>>) offsets(%dma_start3A_74 : memref<128xi32, #tpu.memory_space<vmem>>) semaphore(%arg13 : memref<!tpu.dma_semaphore, #tpu.memory_space<semaphore_mem>>) {add = true}
      %dma_wait3A_78 = arith.constant 1 : i32
      %dma_wait3A_79 = arith.constant 0 : i32
      %dma_wait3A_80 = tpu.memref_slice %arg12[%dma_wait3A_78, %dma_wait3A_79] : memref<3x128xi32, #tpu.memory_space<vmem>> -> memref<1x128xi32, #tpu.memory_space<vmem>>
      %dma_wait3A_81 = tpu.memref_squeeze %dma_wait3A_80 : memref<1x128xi32, #tpu.memory_space<vmem>> -> memref<128xi32, #tpu.memory_space<vmem>>
      %dma_wait3A_82 = arith.constant 0 : i32
      %dma_wait3A_83 = arith.constant 0 : i32
      %dma_wait3A_84 = tpu.memref_slice %arg9[%dma_wait3A_82, %dma_wait3A_83] : memref<400x128xf32, #tpu.memory_space<vmem_shared>> -> memref<400x128xf32, #tpu.memory_space<vmem_shared>>
      tpu.wait_indirect_dma semaphore(%arg14 : memref<!tpu.dma_semaphore, #tpu.memory_space<semaphore_mem>>) src(%dma_wait3A_84 : memref<400x128xf32, #tpu.memory_space<vmem_shared>>) dst(%arg11 : memref<128x128xf32, #tpu.memory_space<vmem>>)
      %dma_start3A_85 = arith.constant 2 : i32
      %dma_start3A_86 = arith.constant 0 : i32
      %dma_start3A_87 = tpu.memref_slice %arg12[%dma_start3A_85, %dma_start3A_86] : memref<3x128xi32, #tpu.memory_space<vmem>> -> memref<1x128xi32, #tpu.memory_space<vmem>>
      %dma_start3A_88 = tpu.memref_squeeze %dma_start3A_87 : memref<1x128xi32, #tpu.memory_space<vmem>> -> memref<128xi32, #tpu.memory_space<vmem>>
      %dma_start3A_89 = arith.constant 0 : i32
      %dma_start3A_90 = arith.constant 0 : i32
      %dma_start3A_91 = tpu.memref_slice %arg8[%dma_start3A_89, %dma_start3A_90] : memref<10112x128xf32, #tpu.memory_space<vmem_shared>> -> memref<10112x128xf32, #tpu.memory_space<vmem_shared>>
      tpu.enqueue_indirect_dma source(%arg11 : memref<128x128xf32, #tpu.memory_space<vmem>>) target(%dma_start3A_91 : memref<10112x128xf32, #tpu.memory_space<vmem_shared>>) offsets(%dma_start3A_88 : memref<128xi32, #tpu.memory_space<vmem>>) semaphore(%arg14 : memref<!tpu.dma_semaphore, #tpu.memory_space<semaphore_mem>>) {add = true}
      %dma_wait3A_92 = arith.constant 2 : i32
      %dma_wait3A_93 = arith.constant 0 : i32
      %dma_wait3A_94 = tpu.memref_slice %arg12[%dma_wait3A_92, %dma_wait3A_93] : memref<3x128xi32, #tpu.memory_space<vmem>> -> memref<1x128xi32, #tpu.memory_space<vmem>>
      %dma_wait3A_95 = tpu.memref_squeeze %dma_wait3A_94 : memref<1x128xi32, #tpu.memory_space<vmem>> -> memref<128xi32, #tpu.memory_space<vmem>>
      %dma_wait3A_96 = arith.constant 0 : i32
      %dma_wait3A_97 = arith.constant 0 : i32
      %dma_wait3A_98 = tpu.memref_slice %arg8[%dma_wait3A_96, %dma_wait3A_97] : memref<10112x128xf32, #tpu.memory_space<vmem_shared>> -> memref<10112x128xf32, #tpu.memory_space<vmem_shared>>
      tpu.wait_indirect_dma semaphore(%arg13 : memref<!tpu.dma_semaphore, #tpu.memory_space<semaphore_mem>>) src(%arg10 : memref<128x128xf32, #tpu.memory_space<vmem>>) dst(%dma_wait3A_98 : memref<10112x128xf32, #tpu.memory_space<vmem_shared>>)
      %dma_wait3A_99 = arith.constant 2 : i32
      %dma_wait3A_100 = arith.constant 0 : i32
      %dma_wait3A_101 = tpu.memref_slice %arg12[%dma_wait3A_99, %dma_wait3A_100] : memref<3x128xi32, #tpu.memory_space<vmem>> -> memref<1x128xi32, #tpu.memory_space<vmem>>
      %dma_wait3A_102 = tpu.memref_squeeze %dma_wait3A_101 : memref<1x128xi32, #tpu.memory_space<vmem>> -> memref<128xi32, #tpu.memory_space<vmem>>
      %dma_wait3A_103 = arith.constant 0 : i32
      %dma_wait3A_104 = arith.constant 0 : i32
      %dma_wait3A_105 = tpu.memref_slice %arg8[%dma_wait3A_103, %dma_wait3A_104] : memref<10112x128xf32, #tpu.memory_space<vmem_shared>> -> memref<10112x128xf32, #tpu.memory_space<vmem_shared>>
      tpu.wait_indirect_dma semaphore(%arg14 : memref<!tpu.dma_semaphore, #tpu.memory_space<semaphore_mem>>) src(%arg11 : memref<128x128xf32, #tpu.memory_space<vmem>>) dst(%dma_wait3A_105 : memref<10112x128xf32, #tpu.memory_space<vmem_shared>>)
    }
    %sub3A_25 = arith.constant 320 : i32
    %sub3A_26 = arith.subi %sub3A_25, %arg1 : i32
    %sub3A_27 = arith.constant 16 : i32
    %sub3A_28 = arith.constant 1 : i32
    %sub3A_29 = arith.subi %sub3A_27, %sub3A_28 : i32
    %add3A_30 = arith.addi %sub3A_26, %sub3A_29 : i32
    %div3A_31 = arith.constant 16 : i32
    %div3A_32 = arith.divsi %add3A_30, %div3A_31 : i32
    %while3A_33 = arith.constant 16 : i32
    %while3A_34 = arith.constant 0 : i32
    %while3A_35 = arith.subi %div3A_32, %while3A_34 : i32
    %while3A_36 = arith.addi %while3A_34, %while3A_35 : i32
    %while3A_37 = arith.constant 1 : i32
    %while3A_38 = arith.divsi %while3A_35, %while3A_37 : i32
    %while3A_39 = arith.muli %while3A_38, %while3A_37 : i32
    %while3A_40 = arith.addi %while3A_34, %while3A_39 : i32
    %while3A_41 = arith.constant 1 : i32
    scf.for %while3A_44 = %while3A_34 to %while3A_40 step %while3A_41  : i32 {
      %mul3A_45 = arith.muli %while3A_44, %while3A_33 : i32
      %add3A_46 = arith.addi %arg1, %mul3A_45 : i32
      %mul3A_47 = arith.constant 128 : i32
      %mul3A_48 = arith.muli %add3A_46, %mul3A_47 : i32
      "tpu.region"() ({
        %run_scoped3A_77 = tpu.sem_alloc : memref<!tpu.dma_semaphore, #tpu.memory_space<semaphore_mem>>
        %dma_start3A_78 = arith.constant 0 : i32
        %dma_start3A_79 = tpu.memref_slice %arg5[%arg0, %dma_start3A_78, %mul3A_48] : memref<2x3x40960xi32, #tpu.memory_space<hbm>> -> memref<1x3x128xi32, #tpu.memory_space<hbm>>
        %dma_start3A_80 = tpu.memref_squeeze %dma_start3A_79 : memref<1x3x128xi32, #tpu.memory_space<hbm>> -> memref<3x128xi32, #tpu.memory_space<hbm>>
        %dma_start3A_81 = arith.constant 0 : i32
        %dma_start3A_82 = tpu.memref_slice %arg5[%arg0, %dma_start3A_81, %mul3A_48] : memref<2x3x40960xi32, #tpu.memory_space<hbm>> -> memref<1x3x128xi32, #tpu.memory_space<hbm>>
        %dma_start3A_83 = tpu.memref_squeeze %dma_start3A_82 : memref<1x3x128xi32, #tpu.memory_space<hbm>> -> memref<3x128xi32, #tpu.memory_space<hbm>>
        tpu.enqueue_dma source(%dma_start3A_83 : memref<3x128xi32, #tpu.memory_space<hbm>>) target(%arg12 : memref<3x128xi32, #tpu.memory_space<vmem>>) target_semaphore(%run_scoped3A_77 : memref<!tpu.dma_semaphore, #tpu.memory_space<semaphore_mem>>)
        %dma_wait3A_84 = arith.constant 0 : i32
        %dma_wait3A_85 = tpu.memref_slice %arg5[%arg0, %dma_wait3A_84, %mul3A_48] : memref<2x3x40960xi32, #tpu.memory_space<hbm>> -> memref<1x3x128xi32, #tpu.memory_space<hbm>>
        %dma_wait3A_86 = tpu.memref_squeeze %dma_wait3A_85 : memref<1x3x128xi32, #tpu.memory_space<hbm>> -> memref<3x128xi32, #tpu.memory_space<hbm>>
        %dma_wait3A_87 = arith.constant 0 : i32
        %dma_wait3A_88 = tpu.memref_slice %arg5[%arg0, %dma_wait3A_87, %mul3A_48] : memref<2x3x40960xi32, #tpu.memory_space<hbm>> -> memref<1x3x128xi32, #tpu.memory_space<hbm>>
        %dma_wait3A_89 = tpu.memref_squeeze %dma_wait3A_88 : memref<1x3x128xi32, #tpu.memory_space<hbm>> -> memref<3x128xi32, #tpu.memory_space<hbm>>
        tpu.wait_dma2 semaphore(%run_scoped3A_77 : memref<!tpu.dma_semaphore, #tpu.memory_space<semaphore_mem>>) src(%dma_wait3A_89 : memref<3x128xi32, #tpu.memory_space<hbm>>) dst(%arg12 : memref<3x128xi32, #tpu.memory_space<vmem>>)
        tpu.yield
      }) : () -> ()
      %dma_start3A = arith.constant 0 : i32
      %dma_start3A_49 = arith.constant 0 : i32
      %dma_start3A_50 = tpu.memref_slice %arg12[%dma_start3A, %dma_start3A_49] : memref<3x128xi32, #tpu.memory_space<vmem>> -> memref<1x128xi32, #tpu.memory_space<vmem>>
      %dma_start3A_51 = tpu.memref_squeeze %dma_start3A_50 : memref<1x128xi32, #tpu.memory_space<vmem>> -> memref<128xi32, #tpu.memory_space<vmem>>
      %dma_start3A_52 = arith.constant 0 : i32
      %dma_start3A_53 = arith.constant 0 : i32
      %dma_start3A_54 = tpu.memref_slice %arg9[%dma_start3A_52, %dma_start3A_53] : memref<400x128xf32, #tpu.memory_space<vmem_shared>> -> memref<400x128xf32, #tpu.memory_space<vmem_shared>>
      tpu.enqueue_indirect_dma source(%dma_start3A_54 : memref<400x128xf32, #tpu.memory_space<vmem_shared>>) target(%arg11 : memref<128x128xf32, #tpu.memory_space<vmem>>) offsets(%dma_start3A_51 : memref<128xi32, #tpu.memory_space<vmem>>) semaphore(%arg14 : memref<!tpu.dma_semaphore, #tpu.memory_space<semaphore_mem>>)
      %dma_start3A_55 = arith.constant 1 : i32
      %dma_start3A_56 = arith.constant 0 : i32
      %dma_start3A_57 = tpu.memref_slice %arg12[%dma_start3A_55, %dma_start3A_56] : memref<3x128xi32, #tpu.memory_space<vmem>> -> memref<1x128xi32, #tpu.memory_space<vmem>>
      %dma_start3A_58 = tpu.memref_squeeze %dma_start3A_57 : memref<1x128xi32, #tpu.memory_space<vmem>> -> memref<128xi32, #tpu.memory_space<vmem>>
      %dma_start3A_59 = arith.constant 0 : i32
      %dma_start3A_60 = arith.constant 0 : i32
      %dma_start3A_61 = tpu.memref_slice %arg2[%dma_start3A_59, %dma_start3A_60] : memref<10000x128xf32, #tpu.memory_space<hbm>> -> memref<10000x128xf32, #tpu.memory_space<hbm>>
      tpu.enqueue_indirect_dma source(%dma_start3A_61 : memref<10000x128xf32, #tpu.memory_space<hbm>>) target(%arg10 : memref<128x128xf32, #tpu.memory_space<vmem>>) offsets(%dma_start3A_58 : memref<128xi32, #tpu.memory_space<vmem>>) semaphore(%arg13 : memref<!tpu.dma_semaphore, #tpu.memory_space<semaphore_mem>>)
      %dma_wait3A = arith.constant 0 : i32
      %dma_wait3A_62 = arith.constant 0 : i32
      %dma_wait3A_63 = tpu.memref_slice %arg12[%dma_wait3A, %dma_wait3A_62] : memref<3x128xi32, #tpu.memory_space<vmem>> -> memref<1x128xi32, #tpu.memory_space<vmem>>
      %dma_wait3A_64 = tpu.memref_squeeze %dma_wait3A_63 : memref<1x128xi32, #tpu.memory_space<vmem>> -> memref<128xi32, #tpu.memory_space<vmem>>
      %dma_wait3A_65 = arith.constant 0 : i32
      %dma_wait3A_66 = arith.constant 0 : i32
      %dma_wait3A_67 = tpu.memref_slice %arg9[%dma_wait3A_65, %dma_wait3A_66] : memref<400x128xf32, #tpu.memory_space<vmem_shared>> -> memref<400x128xf32, #tpu.memory_space<vmem_shared>>
      tpu.wait_indirect_dma semaphore(%arg14 : memref<!tpu.dma_semaphore, #tpu.memory_space<semaphore_mem>>) src(%dma_wait3A_67 : memref<400x128xf32, #tpu.memory_space<vmem_shared>>) dst(%arg11 : memref<128x128xf32, #tpu.memory_space<vmem>>)
      %dma_wait3A_68 = arith.constant 1 : i32
      %dma_wait3A_69 = arith.constant 0 : i32
      %dma_wait3A_70 = tpu.memref_slice %arg12[%dma_wait3A_68, %dma_wait3A_69] : memref<3x128xi32, #tpu.memory_space<vmem>> -> memref<1x128xi32, #tpu.memory_space<vmem>>
      %dma_wait3A_71 = tpu.memref_squeeze %dma_wait3A_70 : memref<1x128xi32, #tpu.memory_space<vmem>> -> memref<128xi32, #tpu.memory_space<vmem>>
      %dma_wait3A_72 = arith.constant 0 : i32
      %dma_wait3A_73 = arith.constant 0 : i32
      %dma_wait3A_74 = tpu.memref_slice %arg2[%dma_wait3A_72, %dma_wait3A_73] : memref<10000x128xf32, #tpu.memory_space<hbm>> -> memref<10000x128xf32, #tpu.memory_space<hbm>>
      tpu.wait_indirect_dma semaphore(%arg13 : memref<!tpu.dma_semaphore, #tpu.memory_space<semaphore_mem>>) src(%dma_wait3A_74 : memref<10000x128xf32, #tpu.memory_space<hbm>>) dst(%arg10 : memref<128x128xf32, #tpu.memory_space<vmem>>)
      %parallel_loop3A = arith.constant 0 : i32
      %parallel_loop3A_75 = arith.constant 16384 : i32
      %parallel_loop3A_76 = arith.constant 16 : i32
      scf.for %parallel_loop3A_77 = %parallel_loop3A to %parallel_loop3A_75 step %parallel_loop3A_76  : i32 {
        %parallel_loop3A_78 = arith.constant 128 : i32
        %parallel_loop3A_79 = arith.divsi %parallel_loop3A_77, %parallel_loop3A_78 : i32
        %parallel_loop3A_80 = arith.constant 0 : i32
        %parallel_loop3A_81 = arith.cmpi sgt, %parallel_loop3A_77, %parallel_loop3A_80 : i32
        %parallel_loop3A_82 = arith.extui %parallel_loop3A_81 : i1 to i32
        %parallel_loop3A_83 = arith.constant 0 : i32
        %parallel_loop3A_84 = arith.cmpi slt, %parallel_loop3A_77, %parallel_loop3A_83 : i32
        %parallel_loop3A_85 = arith.extui %parallel_loop3A_84 : i1 to i32
        %parallel_loop3A_86 = arith.subi %parallel_loop3A_82, %parallel_loop3A_85 : i32
        %parallel_loop3A_87 = arith.constant 0 : i32
        %parallel_loop3A_88 = arith.cmpi sgt, %parallel_loop3A_78, %parallel_loop3A_87 : i32
        %parallel_loop3A_89 = arith.extui %parallel_loop3A_88 : i1 to i32
        %parallel_loop3A_90 = arith.constant 0 : i32
        %parallel_loop3A_91 = arith.cmpi slt, %parallel_loop3A_78, %parallel_loop3A_90 : i32
        %parallel_loop3A_92 = arith.extui %parallel_loop3A_91 : i1 to i32
        %parallel_loop3A_93 = arith.subi %parallel_loop3A_89, %parallel_loop3A_92 : i32
        %parallel_loop3A_94 = arith.cmpi ne, %parallel_loop3A_86, %parallel_loop3A_93 : i32
        %parallel_loop3A_95 = arith.remsi %parallel_loop3A_77, %parallel_loop3A_78 : i32
        %parallel_loop3A_96 = arith.constant 0 : i32
        %parallel_loop3A_97 = arith.cmpi ne, %parallel_loop3A_95, %parallel_loop3A_96 : i32
        %parallel_loop3A_98 = arith.andi %parallel_loop3A_94, %parallel_loop3A_97 : i1
        %parallel_loop3A_99 = arith.constant 1 : i32
        %parallel_loop3A_100 = arith.subi %parallel_loop3A_79, %parallel_loop3A_99 : i32
        %parallel_loop3A_101 = arith.select %parallel_loop3A_98, %parallel_loop3A_100, %parallel_loop3A_79 : i32
        %parallel_loop3A_102 = arith.constant 128 : i32
        %parallel_loop3A_103 = arith.muli %parallel_loop3A_101, %parallel_loop3A_102 : i32
        %parallel_loop3A_104 = arith.subi %parallel_loop3A_77, %parallel_loop3A_103 : i32
        %parallel_loop3A_105 = arith.index_cast %parallel_loop3A_101 : i32 to index
        %parallel_loop3A_106 = arith.index_cast %parallel_loop3A_104 : i32 to index
        %parallel_loop3A_107 = tpu.vector_load %arg10[%parallel_loop3A_105, %parallel_loop3A_106] {strides = array<i32>} : memref<128x128xf32, #tpu.memory_space<vmem>>, vector<1x16xf32>,
        %parallel_loop3A_108 = vector.shape_cast %parallel_loop3A_107 : vector<1x16xf32> to vector<16xf32>
        %parallel_loop3A_109 = arith.index_cast %parallel_loop3A_101 : i32 to index
        %parallel_loop3A_110 = arith.index_cast %parallel_loop3A_104 : i32 to index
        %parallel_loop3A_111 = tpu.vector_load %arg11[%parallel_loop3A_109, %parallel_loop3A_110] {strides = array<i32>} : memref<128x128xf32, #tpu.memory_space<vmem>>, vector<1x16xf32>,
        %parallel_loop3A_112 = vector.shape_cast %parallel_loop3A_111 : vector<1x16xf32> to vector<16xf32>
        %parallel_loop3A_113 = arith.mulf %parallel_loop3A_108, %parallel_loop3A_112 : vector<16xf32>
        %parallel_loop3A_114 = arith.constant 2.500000e-01 : f32
        %parallel_loop3A_115 = vector.broadcast %parallel_loop3A_114 : f32 to vector<16xf32>
        %parallel_loop3A_116 = arith.mulf %parallel_loop3A_113, %parallel_loop3A_115 : vector<16xf32>
        %parallel_loop3A_117 = arith.index_cast %parallel_loop3A_101 : i32 to index
        %parallel_loop3A_118 = arith.index_cast %parallel_loop3A_104 : i32 to index
        %parallel_loop3A_119 = tpu.vector_load %arg10[%parallel_loop3A_117, %parallel_loop3A_118] {strides = array<i32>} : memref<128x128xf32, #tpu.memory_space<vmem>>, vector<1x16xf32>,
        %parallel_loop3A_120 = vector.shape_cast %parallel_loop3A_119 : vector<1x16xf32> to vector<16xf32>
        %parallel_loop3A_121 = vector.shape_cast %parallel_loop3A_116 : vector<16xf32> to vector<1x16xf32>
        tpu.vector_store %arg10[%parallel_loop3A_117, %parallel_loop3A_118], %parallel_loop3A_121 {strides = array<i32>} : memref<128x128xf32, #tpu.memory_space<vmem>>, vector<1x16xf32>,
      } {sc.loop_unroll_factor = 8 : i64, sc.parallel_access}
      %run_scoped3A = arith.constant 2 : i32
      "tpu.region"() ({
        %run_scoped3A_77 = tpu.sem_alloc : memref<!tpu.dma_semaphore, #tpu.memory_space<semaphore_mem>>
        %dma_start3A_78 = arith.constant 0 : i32
        %dma_start3A_79 = tpu.memref_slice %arg12[%run_scoped3A, %dma_start3A_78] : memref<3x128xi32, #tpu.memory_space<vmem>> -> memref<1x128xi32, #tpu.memory_space<vmem>>
        %dma_start3A_80 = tpu.memref_squeeze %dma_start3A_79 : memref<1x128xi32, #tpu.memory_space<vmem>> -> memref<128xi32, #tpu.memory_space<vmem>>
        %dma_start3A_81 = arith.constant 0 : i32
        %dma_start3A_82 = arith.constant 0 : i32
        %dma_start3A_83 = tpu.memref_slice %arg8[%dma_start3A_81, %dma_start3A_82] : memref<10112x128xf32, #tpu.memory_space<vmem_shared>> -> memref<10112x128xf32, #tpu.memory_space<vmem_shared>>
        tpu.enqueue_indirect_dma source(%arg10 : memref<128x128xf32, #tpu.memory_space<vmem>>) target(%dma_start3A_83 : memref<10112x128xf32, #tpu.memory_space<vmem_shared>>) offsets(%dma_start3A_80 : memref<128xi32, #tpu.memory_space<vmem>>) semaphore(%run_scoped3A_77 : memref<!tpu.dma_semaphore, #tpu.memory_space<semaphore_mem>>) {add = true}
        %dma_wait3A_84 = arith.constant 0 : i32
        %dma_wait3A_85 = tpu.memref_slice %arg12[%run_scoped3A, %dma_wait3A_84] : memref<3x128xi32, #tpu.memory_space<vmem>> -> memref<1x128xi32, #tpu.memory_space<vmem>>
        %dma_wait3A_86 = tpu.memref_squeeze %dma_wait3A_85 : memref<1x128xi32, #tpu.memory_space<vmem>> -> memref<128xi32, #tpu.memory_space<vmem>>
        %dma_wait3A_87 = arith.constant 0 : i32
        %dma_wait3A_88 = arith.constant 0 : i32
        %dma_wait3A_89 = tpu.memref_slice %arg8[%dma_wait3A_87, %dma_wait3A_88] : memref<10112x128xf32, #tpu.memory_space<vmem_shared>> -> memref<10112x128xf32, #tpu.memory_space<vmem_shared>>
        tpu.wait_indirect_dma semaphore(%run_scoped3A_77 : memref<!tpu.dma_semaphore, #tpu.memory_space<semaphore_mem>>) src(%arg10 : memref<128x128xf32, #tpu.memory_space<vmem>>) dst(%dma_wait3A_89 : memref<10112x128xf32, #tpu.memory_space<vmem_shared>>)
        tpu.yield
      }) : () -> ()
    }
    %while3A_42 = arith.constant 1 : i32
    scf.for %while3A_44 = %while3A_40 to %while3A_36 step %while3A_42  : i32 {
      %mul3A_45 = arith.muli %while3A_44, %while3A_33 : i32
      %add3A_46 = arith.addi %arg1, %mul3A_45 : i32
      %mul3A_47 = arith.constant 128 : i32
      %mul3A_48 = arith.muli %add3A_46, %mul3A_47 : i32
      "tpu.region"() ({
        %run_scoped3A_77 = tpu.sem_alloc : memref<!tpu.dma_semaphore, #tpu.memory_space<semaphore_mem>>
        %dma_start3A_78 = arith.constant 0 : i32
        %dma_start3A_79 = tpu.memref_slice %arg5[%arg0, %dma_start3A_78, %mul3A_48] : memref<2x3x40960xi32, #tpu.memory_space<hbm>> -> memref<1x3x128xi32, #tpu.memory_space<hbm>>
        %dma_start3A_80 = tpu.memref_squeeze %dma_start3A_79 : memref<1x3x128xi32, #tpu.memory_space<hbm>> -> memref<3x128xi32, #tpu.memory_space<hbm>>
        %dma_start3A_81 = arith.constant 0 : i32
        %dma_start3A_82 = tpu.memref_slice %arg5[%arg0, %dma_start3A_81, %mul3A_48] : memref<2x3x40960xi32, #tpu.memory_space<hbm>> -> memref<1x3x128xi32, #tpu.memory_space<hbm>>
        %dma_start3A_83 = tpu.memref_squeeze %dma_start3A_82 : memref<1x3x128xi32, #tpu.memory_space<hbm>> -> memref<3x128xi32, #tpu.memory_space<hbm>>
        tpu.enqueue_dma source(%dma_start3A_83 : memref<3x128xi32, #tpu.memory_space<hbm>>) target(%arg12 : memref<3x128xi32, #tpu.memory_space<vmem>>) target_semaphore(%run_scoped3A_77 : memref<!tpu.dma_semaphore, #tpu.memory_space<semaphore_mem>>)
        %dma_wait3A_84 = arith.constant 0 : i32
        %dma_wait3A_85 = tpu.memref_slice %arg5[%arg0, %dma_wait3A_84, %mul3A_48] : memref<2x3x40960xi32, #tpu.memory_space<hbm>> -> memref<1x3x128xi32, #tpu.memory_space<hbm>>
        %dma_wait3A_86 = tpu.memref_squeeze %dma_wait3A_85 : memref<1x3x128xi32, #tpu.memory_space<hbm>> -> memref<3x128xi32, #tpu.memory_space<hbm>>
        %dma_wait3A_87 = arith.constant 0 : i32
        %dma_wait3A_88 = tpu.memref_slice %arg5[%arg0, %dma_wait3A_87, %mul3A_48] : memref<2x3x40960xi32, #tpu.memory_space<hbm>> -> memref<1x3x128xi32, #tpu.memory_space<hbm>>
        %dma_wait3A_89 = tpu.memref_squeeze %dma_wait3A_88 : memref<1x3x128xi32, #tpu.memory_space<hbm>> -> memref<3x128xi32, #tpu.memory_space<hbm>>
        tpu.wait_dma2 semaphore(%run_scoped3A_77 : memref<!tpu.dma_semaphore, #tpu.memory_space<semaphore_mem>>) src(%dma_wait3A_89 : memref<3x128xi32, #tpu.memory_space<hbm>>) dst(%arg12 : memref<3x128xi32, #tpu.memory_space<vmem>>)
        tpu.yield
      }) : () -> ()
      %dma_start3A = arith.constant 0 : i32
      %dma_start3A_49 = arith.constant 0 : i32
      %dma_start3A_50 = tpu.memref_slice %arg12[%dma_start3A, %dma_start3A_49] : memref<3x128xi32, #tpu.memory_space<vmem>> -> memref<1x128xi32, #tpu.memory_space<vmem>>
      %dma_start3A_51 = tpu.memref_squeeze %dma_start3A_50 : memref<1x128xi32, #tpu.memory_space<vmem>> -> memref<128xi32, #tpu.memory_space<vmem>>
      %dma_start3A_52 = arith.constant 0 : i32
      %dma_start3A_53 = arith.constant 0 : i32
      %dma_start3A_54 = tpu.memref_slice %arg9[%dma_start3A_52, %dma_start3A_53] : memref<400x128xf32, #tpu.memory_space<vmem_shared>> -> memref<400x128xf32, #tpu.memory_space<vmem_shared>>
      tpu.enqueue_indirect_dma source(%dma_start3A_54 : memref<400x128xf32, #tpu.memory_space<vmem_shared>>) target(%arg11 : memref<128x128xf32, #tpu.memory_space<vmem>>) offsets(%dma_start3A_51 : memref<128xi32, #tpu.memory_space<vmem>>) semaphore(%arg14 : memref<!tpu.dma_semaphore, #tpu.memory_space<semaphore_mem>>)
      %dma_start3A_55 = arith.constant 1 : i32
      %dma_start3A_56 = arith.constant 0 : i32
      %dma_start3A_57 = tpu.memref_slice %arg12[%dma_start3A_55, %dma_start3A_56] : memref<3x128xi32, #tpu.memory_space<vmem>> -> memref<1x128xi32, #tpu.memory_space<vmem>>
      %dma_start3A_58 = tpu.memref_squeeze %dma_start3A_57 : memref<1x128xi32, #tpu.memory_space<vmem>> -> memref<128xi32, #tpu.memory_space<vmem>>
      %dma_start3A_59 = arith.constant 0 : i32
      %dma_start3A_60 = arith.constant 0 : i32
      %dma_start3A_61 = tpu.memref_slice %arg2[%dma_start3A_59, %dma_start3A_60] : memref<10000x128xf32, #tpu.memory_space<hbm>> -> memref<10000x128xf32, #tpu.memory_space<hbm>>
      tpu.enqueue_indirect_dma source(%dma_start3A_61 : memref<10000x128xf32, #tpu.memory_space<hbm>>) target(%arg10 : memref<128x128xf32, #tpu.memory_space<vmem>>) offsets(%dma_start3A_58 : memref<128xi32, #tpu.memory_space<vmem>>) semaphore(%arg13 : memref<!tpu.dma_semaphore, #tpu.memory_space<semaphore_mem>>)
      %dma_wait3A = arith.constant 0 : i32
      %dma_wait3A_62 = arith.constant 0 : i32
      %dma_wait3A_63 = tpu.memref_slice %arg12[%dma_wait3A, %dma_wait3A_62] : memref<3x128xi32, #tpu.memory_space<vmem>> -> memref<1x128xi32, #tpu.memory_space<vmem>>
      %dma_wait3A_64 = tpu.memref_squeeze %dma_wait3A_63 : memref<1x128xi32, #tpu.memory_space<vmem>> -> memref<128xi32, #tpu.memory_space<vmem>>
      %dma_wait3A_65 = arith.constant 0 : i32
      %dma_wait3A_66 = arith.constant 0 : i32
      %dma_wait3A_67 = tpu.memref_slice %arg9[%dma_wait3A_65, %dma_wait3A_66] : memref<400x128xf32, #tpu.memory_space<vmem_shared>> -> memref<400x128xf32, #tpu.memory_space<vmem_shared>>
      tpu.wait_indirect_dma semaphore(%arg14 : memref<!tpu.dma_semaphore, #tpu.memory_space<semaphore_mem>>) src(%dma_wait3A_67 : memref<400x128xf32, #tpu.memory_space<vmem_shared>>) dst(%arg11 : memref<128x128xf32, #tpu.memory_space<vmem>>)
      %dma_wait3A_68 = arith.constant 1 : i32
      %dma_wait3A_69 = arith.constant 0 : i32
      %dma_wait3A_70 = tpu.memref_slice %arg12[%dma_wait3A_68, %dma_wait3A_69] : memref<3x128xi32, #tpu.memory_space<vmem>> -> memref<1x128xi32, #tpu.memory_space<vmem>>
      %dma_wait3A_71 = tpu.memref_squeeze %dma_wait3A_70 : memref<1x128xi32, #tpu.memory_space<vmem>> -> memref<128xi32, #tpu.memory_space<vmem>>
      %dma_wait3A_72 = arith.constant 0 : i32
      %dma_wait3A_73 = arith.constant 0 : i32
      %dma_wait3A_74 = tpu.memref_slice %arg2[%dma_wait3A_72, %dma_wait3A_73] : memref<10000x128xf32, #tpu.memory_space<hbm>> -> memref<10000x128xf32, #tpu.memory_space<hbm>>
      tpu.wait_indirect_dma semaphore(%arg13 : memref<!tpu.dma_semaphore, #tpu.memory_space<semaphore_mem>>) src(%dma_wait3A_74 : memref<10000x128xf32, #tpu.memory_space<hbm>>) dst(%arg10 : memref<128x128xf32, #tpu.memory_space<vmem>>)
      %parallel_loop3A = arith.constant 0 : i32
      %parallel_loop3A_75 = arith.constant 16384 : i32
      %parallel_loop3A_76 = arith.constant 16 : i32
      scf.for %parallel_loop3A_77 = %parallel_loop3A to %parallel_loop3A_75 step %parallel_loop3A_76  : i32 {
        %parallel_loop3A_78 = arith.constant 128 : i32
        %parallel_loop3A_79 = arith.divsi %parallel_loop3A_77, %parallel_loop3A_78 : i32
        %parallel_loop3A_80 = arith.constant 0 : i32
        %parallel_loop3A_81 = arith.cmpi sgt, %parallel_loop3A_77, %parallel_loop3A_80 : i32
        %parallel_loop3A_82 = arith.extui %parallel_loop3A_81 : i1 to i32
        %parallel_loop3A_83 = arith.constant 0 : i32
        %parallel_loop3A_84 = arith.cmpi slt, %parallel_loop3A_77, %parallel_loop3A_83 : i32
        %parallel_loop3A_85 = arith.extui %parallel_loop3A_84 : i1 to i32
        %parallel_loop3A_86 = arith.subi %parallel_loop3A_82, %parallel_loop3A_85 : i32
        %parallel_loop3A_87 = arith.constant 0 : i32
        %parallel_loop3A_88 = arith.cmpi sgt, %parallel_loop3A_78, %parallel_loop3A_87 : i32
        %parallel_loop3A_89 = arith.extui %parallel_loop3A_88 : i1 to i32
        %parallel_loop3A_90 = arith.constant 0 : i32
        %parallel_loop3A_91 = arith.cmpi slt, %parallel_loop3A_78, %parallel_loop3A_90 : i32
        %parallel_loop3A_92 = arith.extui %parallel_loop3A_91 : i1 to i32
        %parallel_loop3A_93 = arith.subi %parallel_loop3A_89, %parallel_loop3A_92 : i32
        %parallel_loop3A_94 = arith.cmpi ne, %parallel_loop3A_86, %parallel_loop3A_93 : i32
        %parallel_loop3A_95 = arith.remsi %parallel_loop3A_77, %parallel_loop3A_78 : i32
        %parallel_loop3A_96 = arith.constant 0 : i32
        %parallel_loop3A_97 = arith.cmpi ne, %parallel_loop3A_95, %parallel_loop3A_96 : i32
        %parallel_loop3A_98 = arith.andi %parallel_loop3A_94, %parallel_loop3A_97 : i1
        %parallel_loop3A_99 = arith.constant 1 : i32
        %parallel_loop3A_100 = arith.subi %parallel_loop3A_79, %parallel_loop3A_99 : i32
        %parallel_loop3A_101 = arith.select %parallel_loop3A_98, %parallel_loop3A_100, %parallel_loop3A_79 : i32
        %parallel_loop3A_102 = arith.constant 128 : i32
        %parallel_loop3A_103 = arith.muli %parallel_loop3A_101, %parallel_loop3A_102 : i32
        %parallel_loop3A_104 = arith.subi %parallel_loop3A_77, %parallel_loop3A_103 : i32
        %parallel_loop3A_105 = arith.index_cast %parallel_loop3A_101 : i32 to index
        %parallel_loop3A_106 = arith.index_cast %parallel_loop3A_104 : i32 to index
        %parallel_loop3A_107 = tpu.vector_load %arg10[%parallel_loop3A_105, %parallel_loop3A_106] {strides = array<i32>} : memref<128x128xf32, #tpu.memory_space<vmem>>, vector<1x16xf32>,
        %parallel_loop3A_108 = vector.shape_cast %parallel_loop3A_107 : vector<1x16xf32> to vector<16xf32>
        %parallel_loop3A_109 = arith.index_cast %parallel_loop3A_101 : i32 to index
        %parallel_loop3A_110 = arith.index_cast %parallel_loop3A_104 : i32 to index
        %parallel_loop3A_111 = tpu.vector_load %arg11[%parallel_loop3A_109, %parallel_loop3A_110] {strides = array<i32>} : memref<128x128xf32, #tpu.memory_space<vmem>>, vector<1x16xf32>,
        %parallel_loop3A_112 = vector.shape_cast %parallel_loop3A_111 : vector<1x16xf32> to vector<16xf32>
        %parallel_loop3A_113 = arith.mulf %parallel_loop3A_108, %parallel_loop3A_112 : vector<16xf32>
        %parallel_loop3A_114 = arith.constant 2.500000e-01 : f32
        %parallel_loop3A_115 = vector.broadcast %parallel_loop3A_114 : f32 to vector<16xf32>
        %parallel_loop3A_116 = arith.mulf %parallel_loop3A_113, %parallel_loop3A_115 : vector<16xf32>
        %parallel_loop3A_117 = arith.index_cast %parallel_loop3A_101 : i32 to index
        %parallel_loop3A_118 = arith.index_cast %parallel_loop3A_104 : i32 to index
        %parallel_loop3A_119 = tpu.vector_load %arg10[%parallel_loop3A_117, %parallel_loop3A_118] {strides = array<i32>} : memref<128x128xf32, #tpu.memory_space<vmem>>, vector<1x16xf32>,
        %parallel_loop3A_120 = vector.shape_cast %parallel_loop3A_119 : vector<1x16xf32> to vector<16xf32>
        %parallel_loop3A_121 = vector.shape_cast %parallel_loop3A_116 : vector<16xf32> to vector<1x16xf32>
        tpu.vector_store %arg10[%parallel_loop3A_117, %parallel_loop3A_118], %parallel_loop3A_121 {strides = array<i32>} : memref<128x128xf32, #tpu.memory_space<vmem>>, vector<1x16xf32>,
      } {sc.loop_unroll_factor = 8 : i64, sc.parallel_access}
      %run_scoped3A = arith.constant 2 : i32
      "tpu.region"() ({
        %run_scoped3A_77 = tpu.sem_alloc : memref<!tpu.dma_semaphore, #tpu.memory_space<semaphore_mem>>
        %dma_start3A_78 = arith.constant 0 : i32
        %dma_start3A_79 = tpu.memref_slice %arg12[%run_scoped3A, %dma_start3A_78] : memref<3x128xi32, #tpu.memory_space<vmem>> -> memref<1x128xi32, #tpu.memory_space<vmem>>
        %dma_start3A_80 = tpu.memref_squeeze %dma_start3A_79 : memref<1x128xi32, #tpu.memory_space<vmem>> -> memref<128xi32, #tpu.memory_space<vmem>>
        %dma_start3A_81 = arith.constant 0 : i32
        %dma_start3A_82 = arith.constant 0 : i32
        %dma_start3A_83 = tpu.memref_slice %arg8[%dma_start3A_81, %dma_start3A_82] : memref<10112x128xf32, #tpu.memory_space<vmem_shared>> -> memref<10112x128xf32, #tpu.memory_space<vmem_shared>>
        tpu.enqueue_indirect_dma source(%arg10 : memref<128x128xf32, #tpu.memory_space<vmem>>) target(%dma_start3A_83 : memref<10112x128xf32, #tpu.memory_space<vmem_shared>>) offsets(%dma_start3A_80 : memref<128xi32, #tpu.memory_space<vmem>>) semaphore(%run_scoped3A_77 : memref<!tpu.dma_semaphore, #tpu.memory_space<semaphore_mem>>) {add = true}
        %dma_wait3A_84 = arith.constant 0 : i32
        %dma_wait3A_85 = tpu.memref_slice %arg12[%run_scoped3A, %dma_wait3A_84] : memref<3x128xi32, #tpu.memory_space<vmem>> -> memref<1x128xi32, #tpu.memory_space<vmem>>
        %dma_wait3A_86 = tpu.memref_squeeze %dma_wait3A_85 : memref<1x128xi32, #tpu.memory_space<vmem>> -> memref<128xi32, #tpu.memory_space<vmem>>
        %dma_wait3A_87 = arith.constant 0 : i32
        %dma_wait3A_88 = arith.constant 0 : i32
        %dma_wait3A_89 = tpu.memref_slice %arg8[%dma_wait3A_87, %dma_wait3A_88] : memref<10112x128xf32, #tpu.memory_space<vmem_shared>> -> memref<10112x128xf32, #tpu.memory_space<vmem_shared>>
        tpu.wait_indirect_dma semaphore(%run_scoped3A_77 : memref<!tpu.dma_semaphore, #tpu.memory_space<semaphore_mem>>) src(%arg10 : memref<128x128xf32, #tpu.memory_space<vmem>>) dst(%dma_wait3A_89 : memref<10112x128xf32, #tpu.memory_space<vmem_shared>>)
        tpu.yield
      }) : () -> ()
    }
    %barrier3A_43 = arith.constant 0 : index
    tpu.barrier barrier_id(%barrier3A_43)
    "tpu.region"() ({
      %run_scoped3A = tpu.sem_alloc : memref<!tpu.dma_semaphore, #tpu.memory_space<semaphore_mem>>
      %dma_start3A = arith.constant 0 : i32
      %dma_start3A_44 = tpu.memref_slice %arg7[%arg0, %mul3A_0, %dma_start3A] : memref<2x10112x128xf32, #tpu.memory_space<hbm>> -> memref<1x632x128xf32, #tpu.memory_space<hbm>>
      %dma_start3A_45 = tpu.memref_squeeze %dma_start3A_44 : memref<1x632x128xf32, #tpu.memory_space<hbm>> -> memref<632x128xf32, #tpu.memory_space<hbm>>
      %dma_start3A_46 = arith.constant 0 : i32
      %dma_start3A_47 = tpu.memref_slice %arg8[%mul3A_0, %dma_start3A_46] : memref<10112x128xf32, #tpu.memory_space<vmem_shared>> -> memref<632x128xf32, #tpu.memory_space<vmem_shared>>
      tpu.enqueue_dma source(%dma_start3A_47 : memref<632x128xf32, #tpu.memory_space<vmem_shared>>) target(%dma_start3A_45 : memref<632x128xf32, #tpu.memory_space<hbm>>) target_semaphore(%run_scoped3A : memref<!tpu.dma_semaphore, #tpu.memory_space<semaphore_mem>>)
      %dma_wait3A = arith.constant 0 : i32
      %dma_wait3A_48 = tpu.memref_slice %arg7[%arg0, %mul3A_0, %dma_wait3A] : memref<2x10112x128xf32, #tpu.memory_space<hbm>> -> memref<1x632x128xf32, #tpu.memory_space<hbm>>
      %dma_wait3A_49 = tpu.memref_squeeze %dma_wait3A_48 : memref<1x632x128xf32, #tpu.memory_space<hbm>> -> memref<632x128xf32, #tpu.memory_space<hbm>>
      %dma_wait3A_50 = arith.constant 0 : i32
      %dma_wait3A_51 = tpu.memref_slice %arg8[%mul3A_0, %dma_wait3A_50] : memref<10112x128xf32, #tpu.memory_space<vmem_shared>> -> memref<632x128xf32, #tpu.memory_space<vmem_shared>>
      tpu.wait_dma2 semaphore(%run_scoped3A : memref<!tpu.dma_semaphore, #tpu.memory_space<semaphore_mem>>) src(%dma_wait3A_51 : memref<632x128xf32, #tpu.memory_space<vmem_shared>>) dst(%dma_wait3A_49 : memref<632x128xf32, #tpu.memory_space<hbm>>)
      tpu.yield
    }) : () -> ()
    return
  }
}

#map = affine_map<(d0, d1) -> (0, 0)>
#map1 = affine_map<(d0, d1) -> (0, 0, 0)>
module attributes {stable_mosaic.version = 14 : i64} {
  func.func @_cnt_kernel(%arg0: i32, %arg1: i32, %arg2: memref<1280x128xi32, #tpu.memory_space<hbm>>, %arg3: memref<158x128xf32, #tpu.memory_space<hbm>>, %arg4: memref<128x128xf32, #tpu.memory_space<hbm>>, %arg5: memref<2x10112x128xf32, #tpu.memory_space<hbm>>, %arg6: memref<10112x128xf32, #tpu.memory_space<vmem_shared>>, %arg7: memref<8x128xi32, #tpu.memory_space<vmem>>, %arg8: memref<128x128xf32, #tpu.memory_space<vmem>>, %arg9: memref<!tpu.dma_semaphore, #tpu.memory_space<semaphore_mem>>) attributes {dimension_semantics = [#tpu.dimension_semantics<core_parallel>, #tpu.dimension_semantics<subcore_parallel>], iteration_bounds = array<i64: 2, 16>, scalar_prefetch = 0 : i64, scratch_operands = 4 : i64, tpu.core_type = #tpu.core_type<sc_vector_subcore>, window_params = [{transform_indices = #map}, {transform_indices = #map}, {transform_indices = #map}, {transform_indices = #map1}]} {
    %mul3A = arith.constant 632 : i32
    %mul3A_0 = arith.muli %arg1, %mul3A : i32
    %add3A = arith.constant 0 : i32
    %add3A_1 = arith.addi %mul3A_0, %add3A : i32
    "tpu.region"() ({
      %run_scoped3A = tpu.sem_alloc : memref<!tpu.dma_semaphore, #tpu.memory_space<semaphore_mem>>
      %dma_start3A = arith.constant 0 : i32
      %dma_start3A_18 = tpu.memref_slice %arg6[%add3A_1, %dma_start3A] : memref<10112x128xf32, #tpu.memory_space<vmem_shared>> -> memref<158x128xf32, #tpu.memory_space<vmem_shared>>
      tpu.enqueue_dma source(%arg3 : memref<158x128xf32, #tpu.memory_space<hbm>>) target(%dma_start3A_18 : memref<158x128xf32, #tpu.memory_space<vmem_shared>>) target_semaphore(%run_scoped3A : memref<!tpu.dma_semaphore, #tpu.memory_space<semaphore_mem>>)
      %dma_wait3A = arith.constant 0 : i32
      %dma_wait3A_19 = tpu.memref_slice %arg6[%add3A_1, %dma_wait3A] : memref<10112x128xf32, #tpu.memory_space<vmem_shared>> -> memref<158x128xf32, #tpu.memory_space<vmem_shared>>
      tpu.wait_dma2 semaphore(%run_scoped3A : memref<!tpu.dma_semaphore, #tpu.memory_space<semaphore_mem>>) src(%arg3 : memref<158x128xf32, #tpu.memory_space<hbm>>) dst(%dma_wait3A_19 : memref<158x128xf32, #tpu.memory_space<vmem_shared>>)
      tpu.yield
    }) : () -> ()
    %add3A_2 = arith.constant 158 : i32
    %add3A_3 = arith.addi %mul3A_0, %add3A_2 : i32
    "tpu.region"() ({
      %run_scoped3A = tpu.sem_alloc : memref<!tpu.dma_semaphore, #tpu.memory_space<semaphore_mem>>
      %dma_start3A = arith.constant 0 : i32
      %dma_start3A_18 = tpu.memref_slice %arg6[%add3A_3, %dma_start3A] : memref<10112x128xf32, #tpu.memory_space<vmem_shared>> -> memref<158x128xf32, #tpu.memory_space<vmem_shared>>
      tpu.enqueue_dma source(%arg3 : memref<158x128xf32, #tpu.memory_space<hbm>>) target(%dma_start3A_18 : memref<158x128xf32, #tpu.memory_space<vmem_shared>>) target_semaphore(%run_scoped3A : memref<!tpu.dma_semaphore, #tpu.memory_space<semaphore_mem>>)
      %dma_wait3A = arith.constant 0 : i32
      %dma_wait3A_19 = tpu.memref_slice %arg6[%add3A_3, %dma_wait3A] : memref<10112x128xf32, #tpu.memory_space<vmem_shared>> -> memref<158x128xf32, #tpu.memory_space<vmem_shared>>
      tpu.wait_dma2 semaphore(%run_scoped3A : memref<!tpu.dma_semaphore, #tpu.memory_space<semaphore_mem>>) src(%arg3 : memref<158x128xf32, #tpu.memory_space<hbm>>) dst(%dma_wait3A_19 : memref<158x128xf32, #tpu.memory_space<vmem_shared>>)
      tpu.yield
    }) : () -> ()
    %add3A_4 = arith.constant 316 : i32
    %add3A_5 = arith.addi %mul3A_0, %add3A_4 : i32
    "tpu.region"() ({
      %run_scoped3A = tpu.sem_alloc : memref<!tpu.dma_semaphore, #tpu.memory_space<semaphore_mem>>
      %dma_start3A = arith.constant 0 : i32
      %dma_start3A_18 = tpu.memref_slice %arg6[%add3A_5, %dma_start3A] : memref<10112x128xf32, #tpu.memory_space<vmem_shared>> -> memref<158x128xf32, #tpu.memory_space<vmem_shared>>
      tpu.enqueue_dma source(%arg3 : memref<158x128xf32, #tpu.memory_space<hbm>>) target(%dma_start3A_18 : memref<158x128xf32, #tpu.memory_space<vmem_shared>>) target_semaphore(%run_scoped3A : memref<!tpu.dma_semaphore, #tpu.memory_space<semaphore_mem>>)
      %dma_wait3A = arith.constant 0 : i32
      %dma_wait3A_19 = tpu.memref_slice %arg6[%add3A_5, %dma_wait3A] : memref<10112x128xf32, #tpu.memory_space<vmem_shared>> -> memref<158x128xf32, #tpu.memory_space<vmem_shared>>
      tpu.wait_dma2 semaphore(%run_scoped3A : memref<!tpu.dma_semaphore, #tpu.memory_space<semaphore_mem>>) src(%arg3 : memref<158x128xf32, #tpu.memory_space<hbm>>) dst(%dma_wait3A_19 : memref<158x128xf32, #tpu.memory_space<vmem_shared>>)
      tpu.yield
    }) : () -> ()
    %add3A_6 = arith.constant 474 : i32
    %add3A_7 = arith.addi %mul3A_0, %add3A_6 : i32
    "tpu.region"() ({
      %run_scoped3A = tpu.sem_alloc : memref<!tpu.dma_semaphore, #tpu.memory_space<semaphore_mem>>
      %dma_start3A = arith.constant 0 : i32
      %dma_start3A_18 = tpu.memref_slice %arg6[%add3A_7, %dma_start3A] : memref<10112x128xf32, #tpu.memory_space<vmem_shared>> -> memref<158x128xf32, #tpu.memory_space<vmem_shared>>
      tpu.enqueue_dma source(%arg3 : memref<158x128xf32, #tpu.memory_space<hbm>>) target(%dma_start3A_18 : memref<158x128xf32, #tpu.memory_space<vmem_shared>>) target_semaphore(%run_scoped3A : memref<!tpu.dma_semaphore, #tpu.memory_space<semaphore_mem>>)
      %dma_wait3A = arith.constant 0 : i32
      %dma_wait3A_19 = tpu.memref_slice %arg6[%add3A_7, %dma_wait3A] : memref<10112x128xf32, #tpu.memory_space<vmem_shared>> -> memref<158x128xf32, #tpu.memory_space<vmem_shared>>
      tpu.wait_dma2 semaphore(%run_scoped3A : memref<!tpu.dma_semaphore, #tpu.memory_space<semaphore_mem>>) src(%arg3 : memref<158x128xf32, #tpu.memory_space<hbm>>) dst(%dma_wait3A_19 : memref<158x128xf32, #tpu.memory_space<vmem_shared>>)
      tpu.yield
    }) : () -> ()
    "tpu.region"() ({
      %run_scoped3A = tpu.sem_alloc : memref<!tpu.dma_semaphore, #tpu.memory_space<semaphore_mem>>
      tpu.enqueue_dma source(%arg4 : memref<128x128xf32, #tpu.memory_space<hbm>>) target(%arg8 : memref<128x128xf32, #tpu.memory_space<vmem>>) target_semaphore(%run_scoped3A : memref<!tpu.dma_semaphore, #tpu.memory_space<semaphore_mem>>)
      tpu.wait_dma2 semaphore(%run_scoped3A : memref<!tpu.dma_semaphore, #tpu.memory_space<semaphore_mem>>) src(%arg4 : memref<128x128xf32, #tpu.memory_space<hbm>>) dst(%arg8 : memref<128x128xf32, #tpu.memory_space<vmem>>)
      tpu.yield
    }) : () -> ()
    %mul3A_8 = arith.constant 16 : i32
    %mul3A_9 = arith.muli %arg0, %mul3A_8 : i32
    %add3A_10 = arith.addi %mul3A_9, %arg1 : i32
    %mul3A_11 = arith.constant 40 : i32
    %mul3A_12 = arith.muli %add3A_10, %mul3A_11 : i32
    %barrier3A = arith.constant 0 : index
    tpu.barrier barrier_id(%barrier3A)
    %scan3A = arith.constant 0 : i32
    %scan3A_13 = arith.constant 5 : i32
    %scan3A_14 = arith.addi %scan3A, %scan3A_13 : i32
    %scan3A_15 = arith.constant 1 : i32
    scf.for %scan3A_18 = %scan3A to %scan3A_14 step %scan3A_15  : i32 {
      %mul3A_19 = arith.constant 1 : i32
      %mul3A_20 = arith.muli %scan3A_18, %mul3A_19 : i32
      %add3A_21 = arith.constant 0 : i32
      %add3A_22 = arith.addi %add3A_21, %mul3A_20 : i32
      %mul3A_23 = arith.constant 8 : i32
      %mul3A_24 = arith.muli %add3A_22, %mul3A_23 : i32
      %add3A_25 = arith.addi %mul3A_12, %mul3A_24 : i32
      "tpu.region"() ({
        %run_scoped3A = tpu.sem_alloc : memref<!tpu.dma_semaphore, #tpu.memory_space<semaphore_mem>>
        %dma_start3A_136 = arith.constant 0 : i32
        %dma_start3A_137 = tpu.memref_slice %arg2[%add3A_25, %dma_start3A_136] : memref<1280x128xi32, #tpu.memory_space<hbm>> -> memref<8x128xi32, #tpu.memory_space<hbm>>
        %dma_start3A_138 = arith.constant 0 : i32
        %dma_start3A_139 = tpu.memref_slice %arg2[%add3A_25, %dma_start3A_138] : memref<1280x128xi32, #tpu.memory_space<hbm>> -> memref<8x128xi32, #tpu.memory_space<hbm>>
        tpu.enqueue_dma source(%dma_start3A_139 : memref<8x128xi32, #tpu.memory_space<hbm>>) target(%arg7 : memref<8x128xi32, #tpu.memory_space<vmem>>) target_semaphore(%run_scoped3A : memref<!tpu.dma_semaphore, #tpu.memory_space<semaphore_mem>>)
        %dma_wait3A_140 = arith.constant 0 : i32
        %dma_wait3A_141 = tpu.memref_slice %arg2[%add3A_25, %dma_wait3A_140] : memref<1280x128xi32, #tpu.memory_space<hbm>> -> memref<8x128xi32, #tpu.memory_space<hbm>>
        %dma_wait3A_142 = arith.constant 0 : i32
        %dma_wait3A_143 = tpu.memref_slice %arg2[%add3A_25, %dma_wait3A_142] : memref<1280x128xi32, #tpu.memory_space<hbm>> -> memref<8x128xi32, #tpu.memory_space<hbm>>
        tpu.wait_dma2 semaphore(%run_scoped3A : memref<!tpu.dma_semaphore, #tpu.memory_space<semaphore_mem>>) src(%dma_wait3A_143 : memref<8x128xi32, #tpu.memory_space<hbm>>) dst(%arg7 : memref<8x128xi32, #tpu.memory_space<vmem>>)
        tpu.yield
      }) : () -> ()
      %dma_start3A = arith.constant 0 : i32
      %dma_start3A_26 = arith.constant 0 : i32
      %dma_start3A_27 = tpu.memref_slice %arg7[%dma_start3A, %dma_start3A_26] : memref<8x128xi32, #tpu.memory_space<vmem>> -> memref<1x128xi32, #tpu.memory_space<vmem>>
      %dma_start3A_28 = tpu.memref_squeeze %dma_start3A_27 : memref<1x128xi32, #tpu.memory_space<vmem>> -> memref<128xi32, #tpu.memory_space<vmem>>
      %dma_start3A_29 = arith.constant 0 : i32
      %dma_start3A_30 = arith.constant 0 : i32
      %dma_start3A_31 = tpu.memref_slice %arg6[%dma_start3A_29, %dma_start3A_30] : memref<10112x128xf32, #tpu.memory_space<vmem_shared>> -> memref<10112x128xf32, #tpu.memory_space<vmem_shared>>
      tpu.enqueue_indirect_dma source(%arg8 : memref<128x128xf32, #tpu.memory_space<vmem>>) target(%dma_start3A_31 : memref<10112x128xf32, #tpu.memory_space<vmem_shared>>) offsets(%dma_start3A_28 : memref<128xi32, #tpu.memory_space<vmem>>) semaphore(%arg9 : memref<!tpu.dma_semaphore, #tpu.memory_space<semaphore_mem>>) {add = true}
      %dma_start3A_32 = arith.constant 1 : i32
      %dma_start3A_33 = arith.constant 0 : i32
      %dma_start3A_34 = tpu.memref_slice %arg7[%dma_start3A_32, %dma_start3A_33] : memref<8x128xi32, #tpu.memory_space<vmem>> -> memref<1x128xi32, #tpu.memory_space<vmem>>
      %dma_start3A_35 = tpu.memref_squeeze %dma_start3A_34 : memref<1x128xi32, #tpu.memory_space<vmem>> -> memref<128xi32, #tpu.memory_space<vmem>>
      %dma_start3A_36 = arith.constant 0 : i32
      %dma_start3A_37 = arith.constant 0 : i32
      %dma_start3A_38 = tpu.memref_slice %arg6[%dma_start3A_36, %dma_start3A_37] : memref<10112x128xf32, #tpu.memory_space<vmem_shared>> -> memref<10112x128xf32, #tpu.memory_space<vmem_shared>>
      tpu.enqueue_indirect_dma source(%arg8 : memref<128x128xf32, #tpu.memory_space<vmem>>) target(%dma_start3A_38 : memref<10112x128xf32, #tpu.memory_space<vmem_shared>>) offsets(%dma_start3A_35 : memref<128xi32, #tpu.memory_space<vmem>>) semaphore(%arg9 : memref<!tpu.dma_semaphore, #tpu.memory_space<semaphore_mem>>) {add = true}
      %dma_start3A_39 = arith.constant 2 : i32
      %dma_start3A_40 = arith.constant 0 : i32
      %dma_start3A_41 = tpu.memref_slice %arg7[%dma_start3A_39, %dma_start3A_40] : memref<8x128xi32, #tpu.memory_space<vmem>> -> memref<1x128xi32, #tpu.memory_space<vmem>>
      %dma_start3A_42 = tpu.memref_squeeze %dma_start3A_41 : memref<1x128xi32, #tpu.memory_space<vmem>> -> memref<128xi32, #tpu.memory_space<vmem>>
      %dma_start3A_43 = arith.constant 0 : i32
      %dma_start3A_44 = arith.constant 0 : i32
      %dma_start3A_45 = tpu.memref_slice %arg6[%dma_start3A_43, %dma_start3A_44] : memref<10112x128xf32, #tpu.memory_space<vmem_shared>> -> memref<10112x128xf32, #tpu.memory_space<vmem_shared>>
      tpu.enqueue_indirect_dma source(%arg8 : memref<128x128xf32, #tpu.memory_space<vmem>>) target(%dma_start3A_45 : memref<10112x128xf32, #tpu.memory_space<vmem_shared>>) offsets(%dma_start3A_42 : memref<128xi32, #tpu.memory_space<vmem>>) semaphore(%arg9 : memref<!tpu.dma_semaphore, #tpu.memory_space<semaphore_mem>>) {add = true}
      %dma_start3A_46 = arith.constant 3 : i32
      %dma_start3A_47 = arith.constant 0 : i32
      %dma_start3A_48 = tpu.memref_slice %arg7[%dma_start3A_46, %dma_start3A_47] : memref<8x128xi32, #tpu.memory_space<vmem>> -> memref<1x128xi32, #tpu.memory_space<vmem>>
      %dma_start3A_49 = tpu.memref_squeeze %dma_start3A_48 : memref<1x128xi32, #tpu.memory_space<vmem>> -> memref<128xi32, #tpu.memory_space<vmem>>
      %dma_start3A_50 = arith.constant 0 : i32
      %dma_start3A_51 = arith.constant 0 : i32
      %dma_start3A_52 = tpu.memref_slice %arg6[%dma_start3A_50, %dma_start3A_51] : memref<10112x128xf32, #tpu.memory_space<vmem_shared>> -> memref<10112x128xf32, #tpu.memory_space<vmem_shared>>
      tpu.enqueue_indirect_dma source(%arg8 : memref<128x128xf32, #tpu.memory_space<vmem>>) target(%dma_start3A_52 : memref<10112x128xf32, #tpu.memory_space<vmem_shared>>) offsets(%dma_start3A_49 : memref<128xi32, #tpu.memory_space<vmem>>) semaphore(%arg9 : memref<!tpu.dma_semaphore, #tpu.memory_space<semaphore_mem>>) {add = true}
      %dma_start3A_53 = arith.constant 4 : i32
      %dma_start3A_54 = arith.constant 0 : i32
      %dma_start3A_55 = tpu.memref_slice %arg7[%dma_start3A_53, %dma_start3A_54] : memref<8x128xi32, #tpu.memory_space<vmem>> -> memref<1x128xi32, #tpu.memory_space<vmem>>
      %dma_start3A_56 = tpu.memref_squeeze %dma_start3A_55 : memref<1x128xi32, #tpu.memory_space<vmem>> -> memref<128xi32, #tpu.memory_space<vmem>>
      %dma_start3A_57 = arith.constant 0 : i32
      %dma_start3A_58 = arith.constant 0 : i32
      %dma_start3A_59 = tpu.memref_slice %arg6[%dma_start3A_57, %dma_start3A_58] : memref<10112x128xf32, #tpu.memory_space<vmem_shared>> -> memref<10112x128xf32, #tpu.memory_space<vmem_shared>>
      tpu.enqueue_indirect_dma source(%arg8 : memref<128x128xf32, #tpu.memory_space<vmem>>) target(%dma_start3A_59 : memref<10112x128xf32, #tpu.memory_space<vmem_shared>>) offsets(%dma_start3A_56 : memref<128xi32, #tpu.memory_space<vmem>>) semaphore(%arg9 : memref<!tpu.dma_semaphore, #tpu.memory_space<semaphore_mem>>) {add = true}
      %dma_start3A_60 = arith.constant 5 : i32
      %dma_start3A_61 = arith.constant 0 : i32
      %dma_start3A_62 = tpu.memref_slice %arg7[%dma_start3A_60, %dma_start3A_61] : memref<8x128xi32, #tpu.memory_space<vmem>> -> memref<1x128xi32, #tpu.memory_space<vmem>>
      %dma_start3A_63 = tpu.memref_squeeze %dma_start3A_62 : memref<1x128xi32, #tpu.memory_space<vmem>> -> memref<128xi32, #tpu.memory_space<vmem>>
      %dma_start3A_64 = arith.constant 0 : i32
      %dma_start3A_65 = arith.constant 0 : i32
      %dma_start3A_66 = tpu.memref_slice %arg6[%dma_start3A_64, %dma_start3A_65] : memref<10112x128xf32, #tpu.memory_space<vmem_shared>> -> memref<10112x128xf32, #tpu.memory_space<vmem_shared>>
      tpu.enqueue_indirect_dma source(%arg8 : memref<128x128xf32, #tpu.memory_space<vmem>>) target(%dma_start3A_66 : memref<10112x128xf32, #tpu.memory_space<vmem_shared>>) offsets(%dma_start3A_63 : memref<128xi32, #tpu.memory_space<vmem>>) semaphore(%arg9 : memref<!tpu.dma_semaphore, #tpu.memory_space<semaphore_mem>>) {add = true}
      %dma_start3A_67 = arith.constant 6 : i32
      %dma_start3A_68 = arith.constant 0 : i32
      %dma_start3A_69 = tpu.memref_slice %arg7[%dma_start3A_67, %dma_start3A_68] : memref<8x128xi32, #tpu.memory_space<vmem>> -> memref<1x128xi32, #tpu.memory_space<vmem>>
      %dma_start3A_70 = tpu.memref_squeeze %dma_start3A_69 : memref<1x128xi32, #tpu.memory_space<vmem>> -> memref<128xi32, #tpu.memory_space<vmem>>
      %dma_start3A_71 = arith.constant 0 : i32
      %dma_start3A_72 = arith.constant 0 : i32
      %dma_start3A_73 = tpu.memref_slice %arg6[%dma_start3A_71, %dma_start3A_72] : memref<10112x128xf32, #tpu.memory_space<vmem_shared>> -> memref<10112x128xf32, #tpu.memory_space<vmem_shared>>
      tpu.enqueue_indirect_dma source(%arg8 : memref<128x128xf32, #tpu.memory_space<vmem>>) target(%dma_start3A_73 : memref<10112x128xf32, #tpu.memory_space<vmem_shared>>) offsets(%dma_start3A_70 : memref<128xi32, #tpu.memory_space<vmem>>) semaphore(%arg9 : memref<!tpu.dma_semaphore, #tpu.memory_space<semaphore_mem>>) {add = true}
      %dma_start3A_74 = arith.constant 7 : i32
      %dma_start3A_75 = arith.constant 0 : i32
      %dma_start3A_76 = tpu.memref_slice %arg7[%dma_start3A_74, %dma_start3A_75] : memref<8x128xi32, #tpu.memory_space<vmem>> -> memref<1x128xi32, #tpu.memory_space<vmem>>
      %dma_start3A_77 = tpu.memref_squeeze %dma_start3A_76 : memref<1x128xi32, #tpu.memory_space<vmem>> -> memref<128xi32, #tpu.memory_space<vmem>>
      %dma_start3A_78 = arith.constant 0 : i32
      %dma_start3A_79 = arith.constant 0 : i32
      %dma_start3A_80 = tpu.memref_slice %arg6[%dma_start3A_78, %dma_start3A_79] : memref<10112x128xf32, #tpu.memory_space<vmem_shared>> -> memref<10112x128xf32, #tpu.memory_space<vmem_shared>>
      tpu.enqueue_indirect_dma source(%arg8 : memref<128x128xf32, #tpu.memory_space<vmem>>) target(%dma_start3A_80 : memref<10112x128xf32, #tpu.memory_space<vmem_shared>>) offsets(%dma_start3A_77 : memref<128xi32, #tpu.memory_space<vmem>>) semaphore(%arg9 : memref<!tpu.dma_semaphore, #tpu.memory_space<semaphore_mem>>) {add = true}
      %dma_wait3A = arith.constant 0 : i32
      %dma_wait3A_81 = arith.constant 0 : i32
      %dma_wait3A_82 = tpu.memref_slice %arg7[%dma_wait3A, %dma_wait3A_81] : memref<8x128xi32, #tpu.memory_space<vmem>> -> memref<1x128xi32, #tpu.memory_space<vmem>>
      %dma_wait3A_83 = tpu.memref_squeeze %dma_wait3A_82 : memref<1x128xi32, #tpu.memory_space<vmem>> -> memref<128xi32, #tpu.memory_space<vmem>>
      %dma_wait3A_84 = arith.constant 0 : i32
      %dma_wait3A_85 = arith.constant 0 : i32
      %dma_wait3A_86 = tpu.memref_slice %arg6[%dma_wait3A_84, %dma_wait3A_85] : memref<10112x128xf32, #tpu.memory_space<vmem_shared>> -> memref<10112x128xf32, #tpu.memory_space<vmem_shared>>
      tpu.wait_indirect_dma semaphore(%arg9 : memref<!tpu.dma_semaphore, #tpu.memory_space<semaphore_mem>>) src(%arg8 : memref<128x128xf32, #tpu.memory_space<vmem>>) dst(%dma_wait3A_86 : memref<10112x128xf32, #tpu.memory_space<vmem_shared>>)
      %dma_wait3A_87 = arith.constant 1 : i32
      %dma_wait3A_88 = arith.constant 0 : i32
      %dma_wait3A_89 = tpu.memref_slice %arg7[%dma_wait3A_87, %dma_wait3A_88] : memref<8x128xi32, #tpu.memory_space<vmem>> -> memref<1x128xi32, #tpu.memory_space<vmem>>
      %dma_wait3A_90 = tpu.memref_squeeze %dma_wait3A_89 : memref<1x128xi32, #tpu.memory_space<vmem>> -> memref<128xi32, #tpu.memory_space<vmem>>
      %dma_wait3A_91 = arith.constant 0 : i32
      %dma_wait3A_92 = arith.constant 0 : i32
      %dma_wait3A_93 = tpu.memref_slice %arg6[%dma_wait3A_91, %dma_wait3A_92] : memref<10112x128xf32, #tpu.memory_space<vmem_shared>> -> memref<10112x128xf32, #tpu.memory_space<vmem_shared>>
      tpu.wait_indirect_dma semaphore(%arg9 : memref<!tpu.dma_semaphore, #tpu.memory_space<semaphore_mem>>) src(%arg8 : memref<128x128xf32, #tpu.memory_space<vmem>>) dst(%dma_wait3A_93 : memref<10112x128xf32, #tpu.memory_space<vmem_shared>>)
      %dma_wait3A_94 = arith.constant 2 : i32
      %dma_wait3A_95 = arith.constant 0 : i32
      %dma_wait3A_96 = tpu.memref_slice %arg7[%dma_wait3A_94, %dma_wait3A_95] : memref<8x128xi32, #tpu.memory_space<vmem>> -> memref<1x128xi32, #tpu.memory_space<vmem>>
      %dma_wait3A_97 = tpu.memref_squeeze %dma_wait3A_96 : memref<1x128xi32, #tpu.memory_space<vmem>> -> memref<128xi32, #tpu.memory_space<vmem>>
      %dma_wait3A_98 = arith.constant 0 : i32
      %dma_wait3A_99 = arith.constant 0 : i32
      %dma_wait3A_100 = tpu.memref_slice %arg6[%dma_wait3A_98, %dma_wait3A_99] : memref<10112x128xf32, #tpu.memory_space<vmem_shared>> -> memref<10112x128xf32, #tpu.memory_space<vmem_shared>>
      tpu.wait_indirect_dma semaphore(%arg9 : memref<!tpu.dma_semaphore, #tpu.memory_space<semaphore_mem>>) src(%arg8 : memref<128x128xf32, #tpu.memory_space<vmem>>) dst(%dma_wait3A_100 : memref<10112x128xf32, #tpu.memory_space<vmem_shared>>)
      %dma_wait3A_101 = arith.constant 3 : i32
      %dma_wait3A_102 = arith.constant 0 : i32
      %dma_wait3A_103 = tpu.memref_slice %arg7[%dma_wait3A_101, %dma_wait3A_102] : memref<8x128xi32, #tpu.memory_space<vmem>> -> memref<1x128xi32, #tpu.memory_space<vmem>>
      %dma_wait3A_104 = tpu.memref_squeeze %dma_wait3A_103 : memref<1x128xi32, #tpu.memory_space<vmem>> -> memref<128xi32, #tpu.memory_space<vmem>>
      %dma_wait3A_105 = arith.constant 0 : i32
      %dma_wait3A_106 = arith.constant 0 : i32
      %dma_wait3A_107 = tpu.memref_slice %arg6[%dma_wait3A_105, %dma_wait3A_106] : memref<10112x128xf32, #tpu.memory_space<vmem_shared>> -> memref<10112x128xf32, #tpu.memory_space<vmem_shared>>
      tpu.wait_indirect_dma semaphore(%arg9 : memref<!tpu.dma_semaphore, #tpu.memory_space<semaphore_mem>>) src(%arg8 : memref<128x128xf32, #tpu.memory_space<vmem>>) dst(%dma_wait3A_107 : memref<10112x128xf32, #tpu.memory_space<vmem_shared>>)
      %dma_wait3A_108 = arith.constant 4 : i32
      %dma_wait3A_109 = arith.constant 0 : i32
      %dma_wait3A_110 = tpu.memref_slice %arg7[%dma_wait3A_108, %dma_wait3A_109] : memref<8x128xi32, #tpu.memory_space<vmem>> -> memref<1x128xi32, #tpu.memory_space<vmem>>
      %dma_wait3A_111 = tpu.memref_squeeze %dma_wait3A_110 : memref<1x128xi32, #tpu.memory_space<vmem>> -> memref<128xi32, #tpu.memory_space<vmem>>
      %dma_wait3A_112 = arith.constant 0 : i32
      %dma_wait3A_113 = arith.constant 0 : i32
      %dma_wait3A_114 = tpu.memref_slice %arg6[%dma_wait3A_112, %dma_wait3A_113] : memref<10112x128xf32, #tpu.memory_space<vmem_shared>> -> memref<10112x128xf32, #tpu.memory_space<vmem_shared>>
      tpu.wait_indirect_dma semaphore(%arg9 : memref<!tpu.dma_semaphore, #tpu.memory_space<semaphore_mem>>) src(%arg8 : memref<128x128xf32, #tpu.memory_space<vmem>>) dst(%dma_wait3A_114 : memref<10112x128xf32, #tpu.memory_space<vmem_shared>>)
      %dma_wait3A_115 = arith.constant 5 : i32
      %dma_wait3A_116 = arith.constant 0 : i32
      %dma_wait3A_117 = tpu.memref_slice %arg7[%dma_wait3A_115, %dma_wait3A_116] : memref<8x128xi32, #tpu.memory_space<vmem>> -> memref<1x128xi32, #tpu.memory_space<vmem>>
      %dma_wait3A_118 = tpu.memref_squeeze %dma_wait3A_117 : memref<1x128xi32, #tpu.memory_space<vmem>> -> memref<128xi32, #tpu.memory_space<vmem>>
      %dma_wait3A_119 = arith.constant 0 : i32
      %dma_wait3A_120 = arith.constant 0 : i32
      %dma_wait3A_121 = tpu.memref_slice %arg6[%dma_wait3A_119, %dma_wait3A_120] : memref<10112x128xf32, #tpu.memory_space<vmem_shared>> -> memref<10112x128xf32, #tpu.memory_space<vmem_shared>>
      tpu.wait_indirect_dma semaphore(%arg9 : memref<!tpu.dma_semaphore, #tpu.memory_space<semaphore_mem>>) src(%arg8 : memref<128x128xf32, #tpu.memory_space<vmem>>) dst(%dma_wait3A_121 : memref<10112x128xf32, #tpu.memory_space<vmem_shared>>)
      %dma_wait3A_122 = arith.constant 6 : i32
      %dma_wait3A_123 = arith.constant 0 : i32
      %dma_wait3A_124 = tpu.memref_slice %arg7[%dma_wait3A_122, %dma_wait3A_123] : memref<8x128xi32, #tpu.memory_space<vmem>> -> memref<1x128xi32, #tpu.memory_space<vmem>>
      %dma_wait3A_125 = tpu.memref_squeeze %dma_wait3A_124 : memref<1x128xi32, #tpu.memory_space<vmem>> -> memref<128xi32, #tpu.memory_space<vmem>>
      %dma_wait3A_126 = arith.constant 0 : i32
      %dma_wait3A_127 = arith.constant 0 : i32
      %dma_wait3A_128 = tpu.memref_slice %arg6[%dma_wait3A_126, %dma_wait3A_127] : memref<10112x128xf32, #tpu.memory_space<vmem_shared>> -> memref<10112x128xf32, #tpu.memory_space<vmem_shared>>
      tpu.wait_indirect_dma semaphore(%arg9 : memref<!tpu.dma_semaphore, #tpu.memory_space<semaphore_mem>>) src(%arg8 : memref<128x128xf32, #tpu.memory_space<vmem>>) dst(%dma_wait3A_128 : memref<10112x128xf32, #tpu.memory_space<vmem_shared>>)
      %dma_wait3A_129 = arith.constant 7 : i32
      %dma_wait3A_130 = arith.constant 0 : i32
      %dma_wait3A_131 = tpu.memref_slice %arg7[%dma_wait3A_129, %dma_wait3A_130] : memref<8x128xi32, #tpu.memory_space<vmem>> -> memref<1x128xi32, #tpu.memory_space<vmem>>
      %dma_wait3A_132 = tpu.memref_squeeze %dma_wait3A_131 : memref<1x128xi32, #tpu.memory_space<vmem>> -> memref<128xi32, #tpu.memory_space<vmem>>
      %dma_wait3A_133 = arith.constant 0 : i32
      %dma_wait3A_134 = arith.constant 0 : i32
      %dma_wait3A_135 = tpu.memref_slice %arg6[%dma_wait3A_133, %dma_wait3A_134] : memref<10112x128xf32, #tpu.memory_space<vmem_shared>> -> memref<10112x128xf32, #tpu.memory_space<vmem_shared>>
      tpu.wait_indirect_dma semaphore(%arg9 : memref<!tpu.dma_semaphore, #tpu.memory_space<semaphore_mem>>) src(%arg8 : memref<128x128xf32, #tpu.memory_space<vmem>>) dst(%dma_wait3A_135 : memref<10112x128xf32, #tpu.memory_space<vmem_shared>>)
    }
    %scan3A_16 = arith.constant 5 : i32
    %barrier3A_17 = arith.constant 0 : index
    tpu.barrier barrier_id(%barrier3A_17)
    "tpu.region"() ({
      %run_scoped3A = tpu.sem_alloc : memref<!tpu.dma_semaphore, #tpu.memory_space<semaphore_mem>>
      %dma_start3A = arith.constant 0 : i32
      %dma_start3A_18 = tpu.memref_slice %arg5[%arg0, %mul3A_0, %dma_start3A] : memref<2x10112x128xf32, #tpu.memory_space<hbm>> -> memref<1x632x128xf32, #tpu.memory_space<hbm>>
      %dma_start3A_19 = tpu.memref_squeeze %dma_start3A_18 : memref<1x632x128xf32, #tpu.memory_space<hbm>> -> memref<632x128xf32, #tpu.memory_space<hbm>>
      %dma_start3A_20 = arith.constant 0 : i32
      %dma_start3A_21 = tpu.memref_slice %arg6[%mul3A_0, %dma_start3A_20] : memref<10112x128xf32, #tpu.memory_space<vmem_shared>> -> memref<632x128xf32, #tpu.memory_space<vmem_shared>>
      tpu.enqueue_dma source(%dma_start3A_21 : memref<632x128xf32, #tpu.memory_space<vmem_shared>>) target(%dma_start3A_19 : memref<632x128xf32, #tpu.memory_space<hbm>>) target_semaphore(%run_scoped3A : memref<!tpu.dma_semaphore, #tpu.memory_space<semaphore_mem>>)
      %dma_wait3A = arith.constant 0 : i32
      %dma_wait3A_22 = tpu.memref_slice %arg5[%arg0, %mul3A_0, %dma_wait3A] : memref<2x10112x128xf32, #tpu.memory_space<hbm>> -> memref<1x632x128xf32, #tpu.memory_space<hbm>>
      %dma_wait3A_23 = tpu.memref_squeeze %dma_wait3A_22 : memref<1x632x128xf32, #tpu.memory_space<hbm>> -> memref<632x128xf32, #tpu.memory_space<hbm>>
      %dma_wait3A_24 = arith.constant 0 : i32
      %dma_wait3A_25 = tpu.memref_slice %arg6[%mul3A_0, %dma_wait3A_24] : memref<10112x128xf32, #tpu.memory_space<vmem_shared>> -> memref<632x128xf32, #tpu.memory_space<vmem_shared>>
      tpu.wait_dma2 semaphore(%run_scoped3A : memref<!tpu.dma_semaphore, #tpu.memory_space<semaphore_mem>>) src(%dma_wait3A_25 : memref<632x128xf32, #tpu.memory_space<vmem_shared>>) dst(%dma_wait3A_23 : memref<632x128xf32, #tpu.memory_space<hbm>>)
      tpu.yield
    }) : () -> ()
    return
  }
}

#map = affine_map<(d0, d1) -> (0, 0)>
#map1 = affine_map<(d0, d1) -> (0)>
module attributes {stable_mosaic.version = 14 : i64} {
  func.func @_gather_kernel(%arg0: i32, %arg1: i32, %arg2: memref<10000x128xf32, #tpu.memory_space<hbm>>, %arg3: memref<400x128xf32, #tpu.memory_space<hbm>>, %arg4: memref<7168xi32, #tpu.memory_space<hbm>>, %arg5: memref<7168xi32, #tpu.memory_space<hbm>>, %arg6: memref<7168x128xf32, #tpu.memory_space<hbm>>, %arg7: memref<7168x128xf32, #tpu.memory_space<hbm>>, %arg8: memref<128xi32, #tpu.memory_space<vmem>>, %arg9: memref<128x128xf32, #tpu.memory_space<vmem>>) attributes {dimension_semantics = [#tpu.dimension_semantics<core_parallel>, #tpu.dimension_semantics<subcore_parallel>], iteration_bounds = array<i64: 2, 16>, scalar_prefetch = 0 : i64, scratch_operands = 2 : i64, tpu.core_type = #tpu.core_type<sc_vector_subcore>, window_params = [{transform_indices = #map}, {transform_indices = #map}, {transform_indices = #map1}, {transform_indices = #map1}, {transform_indices = #map}, {transform_indices = #map}]} {
    %mul3A = arith.constant 2 : i32
    %mul3A_0 = arith.muli %arg1, %mul3A : i32
    %add3A = arith.addi %mul3A_0, %arg0 : i32
    %sub3A = arith.constant 56 : i32
    %sub3A_1 = arith.subi %sub3A, %add3A : i32
    %sub3A_2 = arith.constant 32 : i32
    %sub3A_3 = arith.constant 1 : i32
    %sub3A_4 = arith.subi %sub3A_2, %sub3A_3 : i32
    %add3A_5 = arith.addi %sub3A_1, %sub3A_4 : i32
    %div3A = arith.constant 32 : i32
    %div3A_6 = arith.divsi %add3A_5, %div3A : i32
    %while3A = arith.constant 32 : i32
    %while3A_7 = arith.constant 0 : i32
    %while3A_8 = arith.subi %div3A_6, %while3A_7 : i32
    %while3A_9 = arith.addi %while3A_7, %while3A_8 : i32
    %while3A_10 = arith.constant 1 : i32
    %while3A_11 = arith.divsi %while3A_8, %while3A_10 : i32
    %while3A_12 = arith.muli %while3A_11, %while3A_10 : i32
    %while3A_13 = arith.addi %while3A_7, %while3A_12 : i32
    %while3A_14 = arith.constant 1 : i32
    scf.for %while3A_34 = %while3A_7 to %while3A_13 step %while3A_14  : i32 {
      %mul3A_35 = arith.muli %while3A_34, %while3A : i32
      %add3A_36 = arith.addi %add3A, %mul3A_35 : i32
      %mul3A_37 = arith.constant 128 : i32
      %mul3A_38 = arith.muli %add3A_36, %mul3A_37 : i32
      "tpu.region"() ({
        %run_scoped3A = tpu.sem_alloc : memref<!tpu.dma_semaphore, #tpu.memory_space<semaphore_mem>>
        %dma_start3A = tpu.memref_slice %arg4[%mul3A_38] : memref<7168xi32, #tpu.memory_space<hbm>> -> memref<128xi32, #tpu.memory_space<hbm>>
        %dma_start3A_41 = tpu.memref_slice %arg4[%mul3A_38] : memref<7168xi32, #tpu.memory_space<hbm>> -> memref<128xi32, #tpu.memory_space<hbm>>
        tpu.enqueue_dma source(%dma_start3A_41 : memref<128xi32, #tpu.memory_space<hbm>>) target(%arg8 : memref<128xi32, #tpu.memory_space<vmem>>) target_semaphore(%run_scoped3A : memref<!tpu.dma_semaphore, #tpu.memory_space<semaphore_mem>>)
        %dma_wait3A = tpu.memref_slice %arg4[%mul3A_38] : memref<7168xi32, #tpu.memory_space<hbm>> -> memref<128xi32, #tpu.memory_space<hbm>>
        %dma_wait3A_42 = tpu.memref_slice %arg4[%mul3A_38] : memref<7168xi32, #tpu.memory_space<hbm>> -> memref<128xi32, #tpu.memory_space<hbm>>
        tpu.wait_dma2 semaphore(%run_scoped3A : memref<!tpu.dma_semaphore, #tpu.memory_space<semaphore_mem>>) src(%dma_wait3A_42 : memref<128xi32, #tpu.memory_space<hbm>>) dst(%arg8 : memref<128xi32, #tpu.memory_space<vmem>>)
        tpu.yield
      }) : () -> ()
      "tpu.region"() ({
        %run_scoped3A = tpu.sem_alloc : memref<!tpu.dma_semaphore, #tpu.memory_space<semaphore_mem>>
        %dma_start3A = arith.constant 0 : i32
        %dma_start3A_41 = arith.constant 0 : i32
        %dma_start3A_42 = tpu.memref_slice %arg2[%dma_start3A, %dma_start3A_41] : memref<10000x128xf32, #tpu.memory_space<hbm>> -> memref<10000x128xf32, #tpu.memory_space<hbm>>
        tpu.enqueue_indirect_dma source(%dma_start3A_42 : memref<10000x128xf32, #tpu.memory_space<hbm>>) target(%arg9 : memref<128x128xf32, #tpu.memory_space<vmem>>) offsets(%arg8 : memref<128xi32, #tpu.memory_space<vmem>>) semaphore(%run_scoped3A : memref<!tpu.dma_semaphore, #tpu.memory_space<semaphore_mem>>)
        %dma_wait3A = arith.constant 0 : i32
        %dma_wait3A_43 = arith.constant 0 : i32
        %dma_wait3A_44 = tpu.memref_slice %arg2[%dma_wait3A, %dma_wait3A_43] : memref<10000x128xf32, #tpu.memory_space<hbm>> -> memref<10000x128xf32, #tpu.memory_space<hbm>>
        tpu.wait_indirect_dma semaphore(%run_scoped3A : memref<!tpu.dma_semaphore, #tpu.memory_space<semaphore_mem>>) src(%dma_wait3A_44 : memref<10000x128xf32, #tpu.memory_space<hbm>>) dst(%arg9 : memref<128x128xf32, #tpu.memory_space<vmem>>)
        tpu.yield
      }) : () -> ()
      %mul3A_39 = arith.constant 128 : i32
      %mul3A_40 = arith.muli %add3A_36, %mul3A_39 : i32
      "tpu.region"() ({
        %run_scoped3A = tpu.sem_alloc : memref<!tpu.dma_semaphore, #tpu.memory_space<semaphore_mem>>
        %dma_start3A = arith.constant 0 : i32
        %dma_start3A_41 = tpu.memref_slice %arg6[%mul3A_40, %dma_start3A] : memref<7168x128xf32, #tpu.memory_space<hbm>> -> memref<128x128xf32, #tpu.memory_space<hbm>>
        %dma_start3A_42 = arith.constant 0 : i32
        %dma_start3A_43 = tpu.memref_slice %arg6[%mul3A_40, %dma_start3A_42] : memref<7168x128xf32, #tpu.memory_space<hbm>> -> memref<128x128xf32, #tpu.memory_space<hbm>>
        tpu.enqueue_dma source(%arg9 : memref<128x128xf32, #tpu.memory_space<vmem>>) target(%dma_start3A_43 : memref<128x128xf32, #tpu.memory_space<hbm>>) target_semaphore(%run_scoped3A : memref<!tpu.dma_semaphore, #tpu.memory_space<semaphore_mem>>)
        %dma_wait3A = arith.constant 0 : i32
        %dma_wait3A_44 = tpu.memref_slice %arg6[%mul3A_40, %dma_wait3A] : memref<7168x128xf32, #tpu.memory_space<hbm>> -> memref<128x128xf32, #tpu.memory_space<hbm>>
        %dma_wait3A_45 = arith.constant 0 : i32
        %dma_wait3A_46 = tpu.memref_slice %arg6[%mul3A_40, %dma_wait3A_45] : memref<7168x128xf32, #tpu.memory_space<hbm>> -> memref<128x128xf32, #tpu.memory_space<hbm>>
        tpu.wait_dma2 semaphore(%run_scoped3A : memref<!tpu.dma_semaphore, #tpu.memory_space<semaphore_mem>>) src(%arg9 : memref<128x128xf32, #tpu.memory_space<vmem>>) dst(%dma_wait3A_46 : memref<128x128xf32, #tpu.memory_space<hbm>>)
        tpu.yield
      }) : () -> ()
    }
    %while3A_15 = arith.constant 1 : i32
    scf.for %while3A_34 = %while3A_13 to %while3A_9 step %while3A_15  : i32 {
      %mul3A_35 = arith.muli %while3A_34, %while3A : i32
      %add3A_36 = arith.addi %add3A, %mul3A_35 : i32
      %mul3A_37 = arith.constant 128 : i32
      %mul3A_38 = arith.muli %add3A_36, %mul3A_37 : i32
      "tpu.region"() ({
        %run_scoped3A = tpu.sem_alloc : memref<!tpu.dma_semaphore, #tpu.memory_space<semaphore_mem>>
        %dma_start3A = tpu.memref_slice %arg4[%mul3A_38] : memref<7168xi32, #tpu.memory_space<hbm>> -> memref<128xi32, #tpu.memory_space<hbm>>
        %dma_start3A_41 = tpu.memref_slice %arg4[%mul3A_38] : memref<7168xi32, #tpu.memory_space<hbm>> -> memref<128xi32, #tpu.memory_space<hbm>>
        tpu.enqueue_dma source(%dma_start3A_41 : memref<128xi32, #tpu.memory_space<hbm>>) target(%arg8 : memref<128xi32, #tpu.memory_space<vmem>>) target_semaphore(%run_scoped3A : memref<!tpu.dma_semaphore, #tpu.memory_space<semaphore_mem>>)
        %dma_wait3A = tpu.memref_slice %arg4[%mul3A_38] : memref<7168xi32, #tpu.memory_space<hbm>> -> memref<128xi32, #tpu.memory_space<hbm>>
        %dma_wait3A_42 = tpu.memref_slice %arg4[%mul3A_38] : memref<7168xi32, #tpu.memory_space<hbm>> -> memref<128xi32, #tpu.memory_space<hbm>>
        tpu.wait_dma2 semaphore(%run_scoped3A : memref<!tpu.dma_semaphore, #tpu.memory_space<semaphore_mem>>) src(%dma_wait3A_42 : memref<128xi32, #tpu.memory_space<hbm>>) dst(%arg8 : memref<128xi32, #tpu.memory_space<vmem>>)
        tpu.yield
      }) : () -> ()
      "tpu.region"() ({
        %run_scoped3A = tpu.sem_alloc : memref<!tpu.dma_semaphore, #tpu.memory_space<semaphore_mem>>
        %dma_start3A = arith.constant 0 : i32
        %dma_start3A_41 = arith.constant 0 : i32
        %dma_start3A_42 = tpu.memref_slice %arg2[%dma_start3A, %dma_start3A_41] : memref<10000x128xf32, #tpu.memory_space<hbm>> -> memref<10000x128xf32, #tpu.memory_space<hbm>>
        tpu.enqueue_indirect_dma source(%dma_start3A_42 : memref<10000x128xf32, #tpu.memory_space<hbm>>) target(%arg9 : memref<128x128xf32, #tpu.memory_space<vmem>>) offsets(%arg8 : memref<128xi32, #tpu.memory_space<vmem>>) semaphore(%run_scoped3A : memref<!tpu.dma_semaphore, #tpu.memory_space<semaphore_mem>>)
        %dma_wait3A = arith.constant 0 : i32
        %dma_wait3A_43 = arith.constant 0 : i32
        %dma_wait3A_44 = tpu.memref_slice %arg2[%dma_wait3A, %dma_wait3A_43] : memref<10000x128xf32, #tpu.memory_space<hbm>> -> memref<10000x128xf32, #tpu.memory_space<hbm>>
        tpu.wait_indirect_dma semaphore(%run_scoped3A : memref<!tpu.dma_semaphore, #tpu.memory_space<semaphore_mem>>) src(%dma_wait3A_44 : memref<10000x128xf32, #tpu.memory_space<hbm>>) dst(%arg9 : memref<128x128xf32, #tpu.memory_space<vmem>>)
        tpu.yield
      }) : () -> ()
      %mul3A_39 = arith.constant 128 : i32
      %mul3A_40 = arith.muli %add3A_36, %mul3A_39 : i32
      "tpu.region"() ({
        %run_scoped3A = tpu.sem_alloc : memref<!tpu.dma_semaphore, #tpu.memory_space<semaphore_mem>>
        %dma_start3A = arith.constant 0 : i32
        %dma_start3A_41 = tpu.memref_slice %arg6[%mul3A_40, %dma_start3A] : memref<7168x128xf32, #tpu.memory_space<hbm>> -> memref<128x128xf32, #tpu.memory_space<hbm>>
        %dma_start3A_42 = arith.constant 0 : i32
        %dma_start3A_43 = tpu.memref_slice %arg6[%mul3A_40, %dma_start3A_42] : memref<7168x128xf32, #tpu.memory_space<hbm>> -> memref<128x128xf32, #tpu.memory_space<hbm>>
        tpu.enqueue_dma source(%arg9 : memref<128x128xf32, #tpu.memory_space<vmem>>) target(%dma_start3A_43 : memref<128x128xf32, #tpu.memory_space<hbm>>) target_semaphore(%run_scoped3A : memref<!tpu.dma_semaphore, #tpu.memory_space<semaphore_mem>>)
        %dma_wait3A = arith.constant 0 : i32
        %dma_wait3A_44 = tpu.memref_slice %arg6[%mul3A_40, %dma_wait3A] : memref<7168x128xf32, #tpu.memory_space<hbm>> -> memref<128x128xf32, #tpu.memory_space<hbm>>
        %dma_wait3A_45 = arith.constant 0 : i32
        %dma_wait3A_46 = tpu.memref_slice %arg6[%mul3A_40, %dma_wait3A_45] : memref<7168x128xf32, #tpu.memory_space<hbm>> -> memref<128x128xf32, #tpu.memory_space<hbm>>
        tpu.wait_dma2 semaphore(%run_scoped3A : memref<!tpu.dma_semaphore, #tpu.memory_space<semaphore_mem>>) src(%arg9 : memref<128x128xf32, #tpu.memory_space<vmem>>) dst(%dma_wait3A_46 : memref<128x128xf32, #tpu.memory_space<hbm>>)
        tpu.yield
      }) : () -> ()
    }
    %sub3A_16 = arith.constant 56 : i32
    %sub3A_17 = arith.subi %sub3A_16, %add3A : i32
    %sub3A_18 = arith.constant 32 : i32
    %sub3A_19 = arith.constant 1 : i32
    %sub3A_20 = arith.subi %sub3A_18, %sub3A_19 : i32
    %add3A_21 = arith.addi %sub3A_17, %sub3A_20 : i32
    %div3A_22 = arith.constant 32 : i32
    %div3A_23 = arith.divsi %add3A_21, %div3A_22 : i32
    %while3A_24 = arith.constant 32 : i32
    %while3A_25 = arith.constant 0 : i32
    %while3A_26 = arith.subi %div3A_23, %while3A_25 : i32
    %while3A_27 = arith.addi %while3A_25, %while3A_26 : i32
    %while3A_28 = arith.constant 1 : i32
    %while3A_29 = arith.divsi %while3A_26, %while3A_28 : i32
    %while3A_30 = arith.muli %while3A_29, %while3A_28 : i32
    %while3A_31 = arith.addi %while3A_25, %while3A_30 : i32
    %while3A_32 = arith.constant 1 : i32
    scf.for %while3A_34 = %while3A_25 to %while3A_31 step %while3A_32  : i32 {
      %mul3A_35 = arith.muli %while3A_34, %while3A_24 : i32
      %add3A_36 = arith.addi %add3A, %mul3A_35 : i32
      %mul3A_37 = arith.constant 128 : i32
      %mul3A_38 = arith.muli %add3A_36, %mul3A_37 : i32
      "tpu.region"() ({
        %run_scoped3A = tpu.sem_alloc : memref<!tpu.dma_semaphore, #tpu.memory_space<semaphore_mem>>
        %dma_start3A = tpu.memref_slice %arg5[%mul3A_38] : memref<7168xi32, #tpu.memory_space<hbm>> -> memref<128xi32, #tpu.memory_space<hbm>>
        %dma_start3A_41 = tpu.memref_slice %arg5[%mul3A_38] : memref<7168xi32, #tpu.memory_space<hbm>> -> memref<128xi32, #tpu.memory_space<hbm>>
        tpu.enqueue_dma source(%dma_start3A_41 : memref<128xi32, #tpu.memory_space<hbm>>) target(%arg8 : memref<128xi32, #tpu.memory_space<vmem>>) target_semaphore(%run_scoped3A : memref<!tpu.dma_semaphore, #tpu.memory_space<semaphore_mem>>)
        %dma_wait3A = tpu.memref_slice %arg5[%mul3A_38] : memref<7168xi32, #tpu.memory_space<hbm>> -> memref<128xi32, #tpu.memory_space<hbm>>
        %dma_wait3A_42 = tpu.memref_slice %arg5[%mul3A_38] : memref<7168xi32, #tpu.memory_space<hbm>> -> memref<128xi32, #tpu.memory_space<hbm>>
        tpu.wait_dma2 semaphore(%run_scoped3A : memref<!tpu.dma_semaphore, #tpu.memory_space<semaphore_mem>>) src(%dma_wait3A_42 : memref<128xi32, #tpu.memory_space<hbm>>) dst(%arg8 : memref<128xi32, #tpu.memory_space<vmem>>)
        tpu.yield
      }) : () -> ()
      "tpu.region"() ({
        %run_scoped3A = tpu.sem_alloc : memref<!tpu.dma_semaphore, #tpu.memory_space<semaphore_mem>>
        %dma_start3A = arith.constant 0 : i32
        %dma_start3A_41 = arith.constant 0 : i32
        %dma_start3A_42 = tpu.memref_slice %arg3[%dma_start3A, %dma_start3A_41] : memref<400x128xf32, #tpu.memory_space<hbm>> -> memref<400x128xf32, #tpu.memory_space<hbm>>
        tpu.enqueue_indirect_dma source(%dma_start3A_42 : memref<400x128xf32, #tpu.memory_space<hbm>>) target(%arg9 : memref<128x128xf32, #tpu.memory_space<vmem>>) offsets(%arg8 : memref<128xi32, #tpu.memory_space<vmem>>) semaphore(%run_scoped3A : memref<!tpu.dma_semaphore, #tpu.memory_space<semaphore_mem>>)
        %dma_wait3A = arith.constant 0 : i32
        %dma_wait3A_43 = arith.constant 0 : i32
        %dma_wait3A_44 = tpu.memref_slice %arg3[%dma_wait3A, %dma_wait3A_43] : memref<400x128xf32, #tpu.memory_space<hbm>> -> memref<400x128xf32, #tpu.memory_space<hbm>>
        tpu.wait_indirect_dma semaphore(%run_scoped3A : memref<!tpu.dma_semaphore, #tpu.memory_space<semaphore_mem>>) src(%dma_wait3A_44 : memref<400x128xf32, #tpu.memory_space<hbm>>) dst(%arg9 : memref<128x128xf32, #tpu.memory_space<vmem>>)
        tpu.yield
      }) : () -> ()
      %mul3A_39 = arith.constant 128 : i32
      %mul3A_40 = arith.muli %add3A_36, %mul3A_39 : i32
      "tpu.region"() ({
        %run_scoped3A = tpu.sem_alloc : memref<!tpu.dma_semaphore, #tpu.memory_space<semaphore_mem>>
        %dma_start3A = arith.constant 0 : i32
        %dma_start3A_41 = tpu.memref_slice %arg7[%mul3A_40, %dma_start3A] : memref<7168x128xf32, #tpu.memory_space<hbm>> -> memref<128x128xf32, #tpu.memory_space<hbm>>
        %dma_start3A_42 = arith.constant 0 : i32
        %dma_start3A_43 = tpu.memref_slice %arg7[%mul3A_40, %dma_start3A_42] : memref<7168x128xf32, #tpu.memory_space<hbm>> -> memref<128x128xf32, #tpu.memory_space<hbm>>
        tpu.enqueue_dma source(%arg9 : memref<128x128xf32, #tpu.memory_space<vmem>>) target(%dma_start3A_43 : memref<128x128xf32, #tpu.memory_space<hbm>>) target_semaphore(%run_scoped3A : memref<!tpu.dma_semaphore, #tpu.memory_space<semaphore_mem>>)
        %dma_wait3A = arith.constant 0 : i32
        %dma_wait3A_44 = tpu.memref_slice %arg7[%mul3A_40, %dma_wait3A] : memref<7168x128xf32, #tpu.memory_space<hbm>> -> memref<128x128xf32, #tpu.memory_space<hbm>>
        %dma_wait3A_45 = arith.constant 0 : i32
        %dma_wait3A_46 = tpu.memref_slice %arg7[%mul3A_40, %dma_wait3A_45] : memref<7168x128xf32, #tpu.memory_space<hbm>> -> memref<128x128xf32, #tpu.memory_space<hbm>>
        tpu.wait_dma2 semaphore(%run_scoped3A : memref<!tpu.dma_semaphore, #tpu.memory_space<semaphore_mem>>) src(%arg9 : memref<128x128xf32, #tpu.memory_space<vmem>>) dst(%dma_wait3A_46 : memref<128x128xf32, #tpu.memory_space<hbm>>)
        tpu.yield
      }) : () -> ()
    }
    %while3A_33 = arith.constant 1 : i32
    scf.for %while3A_34 = %while3A_31 to %while3A_27 step %while3A_33  : i32 {
      %mul3A_35 = arith.muli %while3A_34, %while3A_24 : i32
      %add3A_36 = arith.addi %add3A, %mul3A_35 : i32
      %mul3A_37 = arith.constant 128 : i32
      %mul3A_38 = arith.muli %add3A_36, %mul3A_37 : i32
      "tpu.region"() ({
        %run_scoped3A = tpu.sem_alloc : memref<!tpu.dma_semaphore, #tpu.memory_space<semaphore_mem>>
        %dma_start3A = tpu.memref_slice %arg5[%mul3A_38] : memref<7168xi32, #tpu.memory_space<hbm>> -> memref<128xi32, #tpu.memory_space<hbm>>
        %dma_start3A_41 = tpu.memref_slice %arg5[%mul3A_38] : memref<7168xi32, #tpu.memory_space<hbm>> -> memref<128xi32, #tpu.memory_space<hbm>>
        tpu.enqueue_dma source(%dma_start3A_41 : memref<128xi32, #tpu.memory_space<hbm>>) target(%arg8 : memref<128xi32, #tpu.memory_space<vmem>>) target_semaphore(%run_scoped3A : memref<!tpu.dma_semaphore, #tpu.memory_space<semaphore_mem>>)
        %dma_wait3A = tpu.memref_slice %arg5[%mul3A_38] : memref<7168xi32, #tpu.memory_space<hbm>> -> memref<128xi32, #tpu.memory_space<hbm>>
        %dma_wait3A_42 = tpu.memref_slice %arg5[%mul3A_38] : memref<7168xi32, #tpu.memory_space<hbm>> -> memref<128xi32, #tpu.memory_space<hbm>>
        tpu.wait_dma2 semaphore(%run_scoped3A : memref<!tpu.dma_semaphore, #tpu.memory_space<semaphore_mem>>) src(%dma_wait3A_42 : memref<128xi32, #tpu.memory_space<hbm>>) dst(%arg8 : memref<128xi32, #tpu.memory_space<vmem>>)
        tpu.yield
      }) : () -> ()
      "tpu.region"() ({
        %run_scoped3A = tpu.sem_alloc : memref<!tpu.dma_semaphore, #tpu.memory_space<semaphore_mem>>
        %dma_start3A = arith.constant 0 : i32
        %dma_start3A_41 = arith.constant 0 : i32
        %dma_start3A_42 = tpu.memref_slice %arg3[%dma_start3A, %dma_start3A_41] : memref<400x128xf32, #tpu.memory_space<hbm>> -> memref<400x128xf32, #tpu.memory_space<hbm>>
        tpu.enqueue_indirect_dma source(%dma_start3A_42 : memref<400x128xf32, #tpu.memory_space<hbm>>) target(%arg9 : memref<128x128xf32, #tpu.memory_space<vmem>>) offsets(%arg8 : memref<128xi32, #tpu.memory_space<vmem>>) semaphore(%run_scoped3A : memref<!tpu.dma_semaphore, #tpu.memory_space<semaphore_mem>>)
        %dma_wait3A = arith.constant 0 : i32
        %dma_wait3A_43 = arith.constant 0 : i32
        %dma_wait3A_44 = tpu.memref_slice %arg3[%dma_wait3A, %dma_wait3A_43] : memref<400x128xf32, #tpu.memory_space<hbm>> -> memref<400x128xf32, #tpu.memory_space<hbm>>
        tpu.wait_indirect_dma semaphore(%run_scoped3A : memref<!tpu.dma_semaphore, #tpu.memory_space<semaphore_mem>>) src(%dma_wait3A_44 : memref<400x128xf32, #tpu.memory_space<hbm>>) dst(%arg9 : memref<128x128xf32, #tpu.memory_space<vmem>>)
        tpu.yield
      }) : () -> ()
      %mul3A_39 = arith.constant 128 : i32
      %mul3A_40 = arith.muli %add3A_36, %mul3A_39 : i32
      "tpu.region"() ({
        %run_scoped3A = tpu.sem_alloc : memref<!tpu.dma_semaphore, #tpu.memory_space<semaphore_mem>>
        %dma_start3A = arith.constant 0 : i32
        %dma_start3A_41 = tpu.memref_slice %arg7[%mul3A_40, %dma_start3A] : memref<7168x128xf32, #tpu.memory_space<hbm>> -> memref<128x128xf32, #tpu.memory_space<hbm>>
        %dma_start3A_42 = arith.constant 0 : i32
        %dma_start3A_43 = tpu.memref_slice %arg7[%mul3A_40, %dma_start3A_42] : memref<7168x128xf32, #tpu.memory_space<hbm>> -> memref<128x128xf32, #tpu.memory_space<hbm>>
        tpu.enqueue_dma source(%arg9 : memref<128x128xf32, #tpu.memory_space<vmem>>) target(%dma_start3A_43 : memref<128x128xf32, #tpu.memory_space<hbm>>) target_semaphore(%run_scoped3A : memref<!tpu.dma_semaphore, #tpu.memory_space<semaphore_mem>>)
        %dma_wait3A = arith.constant 0 : i32
        %dma_wait3A_44 = tpu.memref_slice %arg7[%mul3A_40, %dma_wait3A] : memref<7168x128xf32, #tpu.memory_space<hbm>> -> memref<128x128xf32, #tpu.memory_space<hbm>>
        %dma_wait3A_45 = arith.constant 0 : i32
        %dma_wait3A_46 = tpu.memref_slice %arg7[%mul3A_40, %dma_wait3A_45] : memref<7168x128xf32, #tpu.memory_space<hbm>> -> memref<128x128xf32, #tpu.memory_space<hbm>>
        tpu.wait_dma2 semaphore(%run_scoped3A : memref<!tpu.dma_semaphore, #tpu.memory_space<semaphore_mem>>) src(%arg9 : memref<128x128xf32, #tpu.memory_space<vmem>>) dst(%dma_wait3A_46 : memref<128x128xf32, #tpu.memory_space<hbm>>)
        tpu.yield
      }) : () -> ()
    }
    return
  }
}

module attributes {stable_mosaic.version = 14 : i64} {
  func.func @_tc_prep_body(%arg0: memref<400x128xf32, #tpu.memory_space<vmem>>, %arg1: memref<128x128xf32, #tpu.memory_space<vmem>>, %arg2: memref<128x128xf32, #tpu.memory_space<vmem>>, %arg3: memref<400x128xf32, #tpu.memory_space<vmem>>, %arg4: memref<400x128xf32, #tpu.memory_space<vmem>>, %arg5: memref<400x128xf32, #tpu.memory_space<vmem>>) attributes {dimension_semantics = [], scalar_prefetch = 0 : i64, scratch_operands = 0 : i64, tpu.core_type = #tpu.core_type<tc>} {
    %get3A = arith.constant 0 : index
    %get3A_0 = arith.constant 0 : index
    %get3A_1 = vector.load %arg0[%get3A, %get3A_0] : memref<400x128xf32, #tpu.memory_space<vmem>>, vector<400x128xf32>
    %mul3A = arith.constant -8.000000e-01 : f32
    %mul3A_2 = vector.broadcast %mul3A : f32 to vector<400x128xf32>
    %mul3A_3 = arith.mulf %mul3A_2, %get3A_1 : vector<400x128xf32>
    %swap3A = arith.constant 0 : index
    %swap3A_4 = arith.constant 0 : index
    %swap3A_5 = vector.load %arg3[%swap3A, %swap3A_4] : memref<400x128xf32, #tpu.memory_space<vmem>>, vector<400x128xf32>
    tpu.vector_store %arg3[%swap3A, %swap3A_4], %mul3A_3 {strides = array<i32>} : memref<400x128xf32, #tpu.memory_space<vmem>>, vector<400x128xf32>,
    %get3A_6 = arith.constant 0 : index
    %get3A_7 = arith.constant 0 : index
    %get3A_8 = vector.load %arg1[%get3A_6, %get3A_7] : memref<128x128xf32, #tpu.memory_space<vmem>>, vector<128x128xf32>
    %dot_general3A = arith.constant dense<0.000000e+00> : vector<400x128xf32>
    %dot_general3A_9 = tpu.matmul %get3A_1, %get3A_8, %dot_general3A {dimension_numbers = #tpu.dot_dimension_numbers<[1], [0], [0], [1], [0, 0, 1, 1], [], []>, transpose_lhs_hint = false} : vector<400x128xf32>, vector<128x128xf32>, vector<400x128xf32> -> vector<400x128xf32>
    %mul3A_10 = arith.constant -8.000000e-01 : f32
    %mul3A_11 = vector.broadcast %mul3A_10 : f32 to vector<400x128xf32>
    %mul3A_12 = arith.mulf %mul3A_11, %dot_general3A_9 : vector<400x128xf32>
    %swap3A_13 = arith.constant 0 : index
    %swap3A_14 = arith.constant 0 : index
    %swap3A_15 = vector.load %arg4[%swap3A_13, %swap3A_14] : memref<400x128xf32, #tpu.memory_space<vmem>>, vector<400x128xf32>
    tpu.vector_store %arg4[%swap3A_13, %swap3A_14], %mul3A_12 {strides = array<i32>} : memref<400x128xf32, #tpu.memory_space<vmem>>, vector<400x128xf32>,
    %get3A_16 = arith.constant 0 : index
    %get3A_17 = arith.constant 0 : index
    %get3A_18 = vector.load %arg2[%get3A_16, %get3A_17] : memref<128x128xf32, #tpu.memory_space<vmem>>, vector<128x128xf32>
    %dot_general3A_19 = arith.constant dense<0.000000e+00> : vector<400x128xf32>
    %dot_general3A_20 = tpu.matmul %dot_general3A_9, %get3A_18, %dot_general3A_19 {dimension_numbers = #tpu.dot_dimension_numbers<[1], [0], [0], [1], [0, 0, 1, 1], [], []>, transpose_lhs_hint = false} : vector<400x128xf32>, vector<128x128xf32>, vector<400x128xf32> -> vector<400x128xf32>
    %swap3A_21 = arith.constant 0 : index
    %swap3A_22 = arith.constant 0 : index
    %swap3A_23 = vector.load %arg5[%swap3A_21, %swap3A_22] : memref<400x128xf32, #tpu.memory_space<vmem>>, vector<400x128xf32>
    tpu.vector_store %arg5[%swap3A_21, %swap3A_22], %dot_general3A_20 {strides = array<i32>} : memref<400x128xf32, #tpu.memory_space<vmem>>, vector<400x128xf32>,
    return
  }
}

module attributes {stable_mosaic.version = 14 : i64} {
  func.func @_tc_dense_body(%arg0: memref<2x10112x128xf32, #tpu.memory_space<vmem>>, %arg1: memref<2x10112x128xf32, #tpu.memory_space<vmem>>, %arg2: memref<10000x128xf32, #tpu.memory_space<vmem>>, %arg3: memref<128x128xf32, #tpu.memory_space<vmem>>, %arg4: memref<128x128xf32, #tpu.memory_space<vmem>>, %arg5: memref<128x128xf32, #tpu.memory_space<vmem>>, %arg6: memref<1x128xf32, #tpu.memory_space<vmem>>, %arg7: memref<1x128xf32, #tpu.memory_space<vmem>>, %arg8: memref<10000x128xf32, #tpu.memory_space<vmem>>) attributes {dimension_semantics = [], scalar_prefetch = 0 : i64, scratch_operands = 0 : i64, tpu.core_type = #tpu.core_type<tc>} {
    %get3A = arith.constant 0 : index
    %get3A_0 = arith.constant 0 : index
    %get3A_1 = arith.constant 0 : index
    %get3A_2 = vector.load %arg1[%get3A, %get3A_0, %get3A_1] : memref<2x10112x128xf32, #tpu.memory_space<vmem>>, vector<1x10000x1xf32>
    %get3A_3 = vector.shape_cast %get3A_2 : vector<1x10000x1xf32> to vector<10000x1xf32>
    %max3A = arith.constant 1.000000e+00 : f32
    %max3A_4 = vector.broadcast %max3A : f32 to vector<10000x1xf32>
    %max3A_5 = arith.maximumf %get3A_3, %max3A_4 : vector<10000x1xf32>
    %div3A = arith.constant 1.000000e+00 : f32
    %div3A_6 = vector.broadcast %div3A : f32 to vector<10000x1xf32>
    %div3A_7 = arith.divf %div3A_6, %max3A_5 : vector<10000x1xf32>
    %get3A_8 = arith.constant 1 : index
    %get3A_9 = arith.constant 0 : index
    %get3A_10 = arith.constant 0 : index
    %get3A_11 = vector.load %arg1[%get3A_8, %get3A_9, %get3A_10] : memref<2x10112x128xf32, #tpu.memory_space<vmem>>, vector<1x10000x1xf32>
    %get3A_12 = vector.shape_cast %get3A_11 : vector<1x10000x1xf32> to vector<10000x1xf32>
    %max3A_13 = arith.constant 1.000000e+00 : f32
    %max3A_14 = vector.broadcast %max3A_13 : f32 to vector<10000x1xf32>
    %max3A_15 = arith.maximumf %get3A_12, %max3A_14 : vector<10000x1xf32>
    %div3A_16 = arith.constant 1.000000e+00 : f32
    %div3A_17 = vector.broadcast %div3A_16 : f32 to vector<10000x1xf32>
    %div3A_18 = arith.divf %div3A_17, %max3A_15 : vector<10000x1xf32>
    %get3A_19 = arith.constant 0 : index
    %get3A_20 = arith.constant 0 : index
    %get3A_21 = vector.load %arg2[%get3A_19, %get3A_20] : memref<10000x128xf32, #tpu.memory_space<vmem>>, vector<10000x128xf32>
    %get3A_22 = arith.constant 0 : index
    %get3A_23 = arith.constant 0 : index
    %get3A_24 = arith.constant 0 : index
    %get3A_25 = vector.load %arg0[%get3A_22, %get3A_23, %get3A_24] : memref<2x10112x128xf32, #tpu.memory_space<vmem>>, vector<1x10000x128xf32>
    %get3A_26 = vector.shape_cast %get3A_25 : vector<1x10000x128xf32> to vector<10000x128xf32>
    %mul3A = vector.broadcast %div3A_7 : vector<10000x1xf32> to vector<10000x128xf32>
    %mul3A_27 = arith.mulf %get3A_26, %mul3A : vector<10000x128xf32>
    %get3A_28 = arith.constant 0 : index
    %get3A_29 = arith.constant 0 : index
    %get3A_30 = vector.load %arg3[%get3A_28, %get3A_29] : memref<128x128xf32, #tpu.memory_space<vmem>>, vector<128x128xf32>
    %dot_general3A = arith.constant dense<0.000000e+00> : vector<10000x128xf32>
    %dot_general3A_31 = tpu.matmul %mul3A_27, %get3A_30, %dot_general3A {dimension_numbers = #tpu.dot_dimension_numbers<[1], [0], [0], [1], [0, 0, 1, 1], [], []>, transpose_lhs_hint = false} : vector<10000x128xf32>, vector<128x128xf32>, vector<10000x128xf32> -> vector<10000x128xf32>
    %get3A_32 = arith.constant 1 : index
    %get3A_33 = arith.constant 0 : index
    %get3A_34 = arith.constant 0 : index
    %get3A_35 = vector.load %arg0[%get3A_32, %get3A_33, %get3A_34] : memref<2x10112x128xf32, #tpu.memory_space<vmem>>, vector<1x10000x128xf32>
    %get3A_36 = vector.shape_cast %get3A_35 : vector<1x10000x128xf32> to vector<10000x128xf32>
    %mul3A_37 = vector.broadcast %div3A_18 : vector<10000x1xf32> to vector<10000x128xf32>
    %mul3A_38 = arith.mulf %get3A_36, %mul3A_37 : vector<10000x128xf32>
    %get3A_39 = arith.constant 0 : index
    %get3A_40 = arith.constant 0 : index
    %get3A_41 = vector.load %arg4[%get3A_39, %get3A_40] : memref<128x128xf32, #tpu.memory_space<vmem>>, vector<128x128xf32>
    %dot_general3A_42 = arith.constant dense<0.000000e+00> : vector<10000x128xf32>
    %dot_general3A_43 = tpu.matmul %mul3A_38, %get3A_41, %dot_general3A_42 {dimension_numbers = #tpu.dot_dimension_numbers<[1], [0], [0], [1], [0, 0, 1, 1], [], []>, transpose_lhs_hint = false} : vector<10000x128xf32>, vector<128x128xf32>, vector<10000x128xf32> -> vector<10000x128xf32>
    %add3A = arith.addf %dot_general3A_31, %dot_general3A_43 : vector<10000x128xf32>
    %get3A_44 = arith.constant 0 : index
    %get3A_45 = arith.constant 0 : index
    %get3A_46 = vector.load %arg6[%get3A_44, %get3A_45] : memref<1x128xf32, #tpu.memory_space<vmem>>, vector<1x128xf32>
    %sub3A = vector.broadcast %get3A_46 : vector<1x128xf32> to vector<10000x128xf32>
    %sub3A_47 = arith.subf %get3A_21, %sub3A : vector<10000x128xf32>
    %get3A_48 = arith.constant 0 : index
    %get3A_49 = arith.constant 0 : index
    %get3A_50 = vector.load %arg5[%get3A_48, %get3A_49] : memref<128x128xf32, #tpu.memory_space<vmem>>, vector<128x128xf32>
    %dot_general3A_51 = arith.constant dense<0.000000e+00> : vector<10000x128xf32>
    %dot_general3A_52 = tpu.matmul %sub3A_47, %get3A_50, %dot_general3A_51 {dimension_numbers = #tpu.dot_dimension_numbers<[1], [0], [0], [1], [0, 0, 1, 1], [], []>, transpose_lhs_hint = false} : vector<10000x128xf32>, vector<128x128xf32>, vector<10000x128xf32> -> vector<10000x128xf32>
    %add3A_53 = arith.addf %add3A, %dot_general3A_52 : vector<10000x128xf32>
    %mul3A_54 = arith.constant 0.333333343 : f32
    %mul3A_55 = vector.broadcast %mul3A_54 : f32 to vector<10000x128xf32>
    %mul3A_56 = arith.mulf %add3A_53, %mul3A_55 : vector<10000x128xf32>
    %get3A_57 = arith.constant 0 : index
    %get3A_58 = arith.constant 0 : index
    %get3A_59 = vector.load %arg7[%get3A_57, %get3A_58] : memref<1x128xf32, #tpu.memory_space<vmem>>, vector<1x128xf32>
    %add3A_60 = vector.broadcast %get3A_59 : vector<1x128xf32> to vector<10000x128xf32>
    %add3A_61 = arith.addf %mul3A_56, %add3A_60 : vector<10000x128xf32>
    %tanh3A = math.tanh %add3A_61 : vector<10000x128xf32>
    %swap3A = arith.constant 0 : index
    %swap3A_62 = arith.constant 0 : index
    %swap3A_63 = vector.load %arg8[%swap3A, %swap3A_62] : memref<10000x128xf32, #tpu.memory_space<vmem>>, vector<10000x128xf32>
    tpu.vector_store %arg8[%swap3A, %swap3A_62], %tanh3A {strides = array<i32>} : memref<10000x128xf32, #tpu.memory_space<vmem>>, vector<10000x128xf32>,
    return
  }
}

module attributes {stable_mosaic.version = 14 : i64} {
  func.func @_tc_dense_body(%arg0: memref<2x10112x128xf32, #tpu.memory_space<vmem>>, %arg1: memref<2x10112x128xf32, #tpu.memory_space<vmem>>, %arg2: memref<10000x128xf32, #tpu.memory_space<vmem>>, %arg3: memref<128x128xf32, #tpu.memory_space<vmem>>, %arg4: memref<128x128xf32, #tpu.memory_space<vmem>>, %arg5: memref<128x128xf32, #tpu.memory_space<vmem>>, %arg6: memref<1x128xf32, #tpu.memory_space<vmem>>, %arg7: memref<1x128xf32, #tpu.memory_space<vmem>>, %arg8: memref<10000x128xf32, #tpu.memory_space<vmem>>) attributes {dimension_semantics = [], scalar_prefetch = 0 : i64, scratch_operands = 0 : i64, tpu.core_type = #tpu.core_type<tc>} {
    %get3A = arith.constant 0 : index
    %get3A_0 = arith.constant 0 : index
    %get3A_1 = arith.constant 0 : index
    %get3A_2 = vector.load %arg1[%get3A, %get3A_0, %get3A_1] : memref<2x10112x128xf32, #tpu.memory_space<vmem>>, vector<1x10000x1xf32>
    %get3A_3 = vector.shape_cast %get3A_2 : vector<1x10000x1xf32> to vector<10000x1xf32>
    %max3A = arith.constant 1.000000e+00 : f32
    %max3A_4 = vector.broadcast %max3A : f32 to vector<10000x1xf32>
    %max3A_5 = arith.maximumf %get3A_3, %max3A_4 : vector<10000x1xf32>
    %div3A = arith.constant 1.000000e+00 : f32
    %div3A_6 = vector.broadcast %div3A : f32 to vector<10000x1xf32>
    %div3A_7 = arith.divf %div3A_6, %max3A_5 : vector<10000x1xf32>
    %get3A_8 = arith.constant 1 : index
    %get3A_9 = arith.constant 0 : index
    %get3A_10 = arith.constant 0 : index
    %get3A_11 = vector.load %arg1[%get3A_8, %get3A_9, %get3A_10] : memref<2x10112x128xf32, #tpu.memory_space<vmem>>, vector<1x10000x1xf32>
    %get3A_12 = vector.shape_cast %get3A_11 : vector<1x10000x1xf32> to vector<10000x1xf32>
    %max3A_13 = arith.constant 1.000000e+00 : f32
    %max3A_14 = vector.broadcast %max3A_13 : f32 to vector<10000x1xf32>
    %max3A_15 = arith.maximumf %get3A_12, %max3A_14 : vector<10000x1xf32>
    %div3A_16 = arith.constant 1.000000e+00 : f32
    %div3A_17 = vector.broadcast %div3A_16 : f32 to vector<10000x1xf32>
    %div3A_18 = arith.divf %div3A_17, %max3A_15 : vector<10000x1xf32>
    %get3A_19 = arith.constant 0 : index
    %get3A_20 = arith.constant 0 : index
    %get3A_21 = vector.load %arg2[%get3A_19, %get3A_20] : memref<10000x128xf32, #tpu.memory_space<vmem>>, vector<10000x128xf32>
    %get3A_22 = arith.constant 0 : index
    %get3A_23 = arith.constant 0 : index
    %get3A_24 = arith.constant 0 : index
    %get3A_25 = vector.load %arg0[%get3A_22, %get3A_23, %get3A_24] : memref<2x10112x128xf32, #tpu.memory_space<vmem>>, vector<1x10000x128xf32>
    %get3A_26 = vector.shape_cast %get3A_25 : vector<1x10000x128xf32> to vector<10000x128xf32>
    %mul3A = vector.broadcast %div3A_7 : vector<10000x1xf32> to vector<10000x128xf32>
    %mul3A_27 = arith.mulf %get3A_26, %mul3A : vector<10000x128xf32>
    %get3A_28 = arith.constant 0 : index
    %get3A_29 = arith.constant 0 : index
    %get3A_30 = vector.load %arg3[%get3A_28, %get3A_29] : memref<128x128xf32, #tpu.memory_space<vmem>>, vector<128x128xf32>
    %dot_general3A = arith.constant dense<0.000000e+00> : vector<10000x128xf32>
    %dot_general3A_31 = tpu.matmul %mul3A_27, %get3A_30, %dot_general3A {dimension_numbers = #tpu.dot_dimension_numbers<[1], [0], [0], [1], [0, 0, 1, 1], [], []>, transpose_lhs_hint = false} : vector<10000x128xf32>, vector<128x128xf32>, vector<10000x128xf32> -> vector<10000x128xf32>
    %get3A_32 = arith.constant 1 : index
    %get3A_33 = arith.constant 0 : index
    %get3A_34 = arith.constant 0 : index
    %get3A_35 = vector.load %arg0[%get3A_32, %get3A_33, %get3A_34] : memref<2x10112x128xf32, #tpu.memory_space<vmem>>, vector<1x10000x128xf32>
    %get3A_36 = vector.shape_cast %get3A_35 : vector<1x10000x128xf32> to vector<10000x128xf32>
    %mul3A_37 = vector.broadcast %div3A_18 : vector<10000x1xf32> to vector<10000x128xf32>
    %mul3A_38 = arith.mulf %get3A_36, %mul3A_37 : vector<10000x128xf32>
    %get3A_39 = arith.constant 0 : index
    %get3A_40 = arith.constant 0 : index
    %get3A_41 = vector.load %arg4[%get3A_39, %get3A_40] : memref<128x128xf32, #tpu.memory_space<vmem>>, vector<128x128xf32>
    %dot_general3A_42 = arith.constant dense<0.000000e+00> : vector<10000x128xf32>
    %dot_general3A_43 = tpu.matmul %mul3A_38, %get3A_41, %dot_general3A_42 {dimension_numbers = #tpu.dot_dimension_numbers<[1], [0], [0], [1], [0, 0, 1, 1], [], []>, transpose_lhs_hint = false} : vector<10000x128xf32>, vector<128x128xf32>, vector<10000x128xf32> -> vector<10000x128xf32>
    %add3A = arith.addf %dot_general3A_31, %dot_general3A_43 : vector<10000x128xf32>
    %get3A_44 = arith.constant 0 : index
    %get3A_45 = arith.constant 0 : index
    %get3A_46 = vector.load %arg6[%get3A_44, %get3A_45] : memref<1x128xf32, #tpu.memory_space<vmem>>, vector<1x128xf32>
    %sub3A = vector.broadcast %get3A_46 : vector<1x128xf32> to vector<10000x128xf32>
    %sub3A_47 = arith.subf %get3A_21, %sub3A : vector<10000x128xf32>
    %get3A_48 = arith.constant 0 : index
    %get3A_49 = arith.constant 0 : index
    %get3A_50 = vector.load %arg5[%get3A_48, %get3A_49] : memref<128x128xf32, #tpu.memory_space<vmem>>, vector<128x128xf32>
    %dot_general3A_51 = arith.constant dense<0.000000e+00> : vector<10000x128xf32>
    %dot_general3A_52 = tpu.matmul %sub3A_47, %get3A_50, %dot_general3A_51 {dimension_numbers = #tpu.dot_dimension_numbers<[1], [0], [0], [1], [0, 0, 1, 1], [], []>, transpose_lhs_hint = false} : vector<10000x128xf32>, vector<128x128xf32>, vector<10000x128xf32> -> vector<10000x128xf32>
    %add3A_53 = arith.addf %add3A, %dot_general3A_52 : vector<10000x128xf32>
    %mul3A_54 = arith.constant 0.333333343 : f32
    %mul3A_55 = vector.broadcast %mul3A_54 : f32 to vector<10000x128xf32>
    %mul3A_56 = arith.mulf %add3A_53, %mul3A_55 : vector<10000x128xf32>
    %get3A_57 = arith.constant 0 : index
    %get3A_58 = arith.constant 0 : index
    %get3A_59 = vector.load %arg7[%get3A_57, %get3A_58] : memref<1x128xf32, #tpu.memory_space<vmem>>, vector<1x128xf32>
    %add3A_60 = vector.broadcast %get3A_59 : vector<1x128xf32> to vector<10000x128xf32>
    %add3A_61 = arith.addf %mul3A_56, %add3A_60 : vector<10000x128xf32>
    %tanh3A = math.tanh %add3A_61 : vector<10000x128xf32>
    %swap3A = arith.constant 0 : index
    %swap3A_62 = arith.constant 0 : index
    %swap3A_63 = vector.load %arg8[%swap3A, %swap3A_62] : memref<10000x128xf32, #tpu.memory_space<vmem>>, vector<10000x128xf32>
    tpu.vector_store %arg8[%swap3A, %swap3A_62], %tanh3A {strides = array<i32>} : memref<10000x128xf32, #tpu.memory_space<vmem>>, vector<10000x128xf32>,
    return
  }
}

</mosaic_0001>

<sc_bundles>
// kernel: gather_offload_async_start
scs
__scs_entry_jumppad:
0x0: {  	(pc) =	sbr.rel $0x88, $3  }
0x1: {  	(tag) =	ssettag $0x0;
	lr =	simm.s32 $0x1  }
0x2: {  	[smem:$0x3F8D] =	sst lr;
	_ =	strace $0xD0000000  }
0x3: {  	_ = 	snop  }
0x4: {  	_ = 	snop  }
0x5: {  	_ = 	snop  }
0x6: {  	_ = 	snop  }
0x7: {  	_ = 	snop  }
__scs_overlays_trampoline_lowered:
0x8: {  	[smem:$0x3F9C] =	sst s0  }
0x9: {  	[smem:$0x3F9D] =	sst s1  }
0xa: {  	[smem:$0x3F9E] =	sst s2  }
0xb: {  	[smem:$0x3F9F] =	sst s3  }
0xc: {  	[smem:$0x3FA0] =	sst s4  }
0xd: {  	[smem:$0x3FA1] =	sst s5  }
0xe: {  	[smem:$0x3FA2] =	sst s6  }
0xf: {  	[smem:$0x3FA3] =	sst s7  }
0x10: {  	[smem:$0x3FA4] =	sst s8  }
0x11: {  	[smem:$0x3FA5] =	sst s9;
	s0 =	simm.s32 @!p0 $0x0  }
0x12: {  	s1 =	sld [smem:$0x3F8B];
	s0 =	simm.s32 @p0 $0x1  }
0x13: {  	[smem:$0x3FA6] =	sst s0;
	s0 =	simm.s32 @!p1 $0x0  }
0x14: {  	s2 =	sld [smem:$0x3F8A];
	s0 =	simm.s32 @p1 $0x1  }
0x15: {  	[smem:$0x3FA7] =	sst s0;
	s0 =	simm.s32 @!p2 $0x0  }
0x16: {  	s3 =	sld [smem:$0x3FDB];
	s0 =	simm.s32 @p2 $0x1  }
0x17: {  	s4 =	simm.s32 $0x1BF5;
	[smem:$0x3FA9] =	sst s0  }
0x18: {  	s0 =	sld [smem:$0x3F8C];
	_ =	swait.ge [sflag:s4], $0x0  }
0x19: {  	s7 =	sld [smem:$0x3F8D]  }
0x1a: {  	s8 =	sadd.s32 $0xFFFFE003, lr  }
0x1b: {  	s9 =	sadd.s32 $0xFFFFFEF7, lr;
	s5 =	simm.s32 $0xFFFFFFFF;
	p2 =	slt.u32 s8, $0xFFFFF086  }
0x1c: {  	p1 =	slt.u32 s9, $0xF7A;
	s5 =	simm.s32 @!p2 $0x0  }
0x1d: {  	s5 =	simm.s32 @p1 $0x1;
	p0 =	seq.s32 s7, s2  }
0x1e: {  	s7 =	smul.u32 @!p0 $0xF7A, s2;
	p2 =	seq.s32 @!p0 s5, $0x0  }
0x1f: {  	s9 =	smul.u32 $0xF7A, s1;
	s8 =	simm.s32 @!p0 $0x1BF5;
	p2 =	por !p2, p0  }
0x20: {  	[sflag:s8] =	ssyncset.s32 @!p0 $0xFFFFF086;
	s6 =	sadd.s32 @!p0 s3, s7;
	s7 =	simm.s32 @!p0 $0x108  }
0x21: {  	s3 =	sadd.s32 s3, s9;
	s6 =	sadd.s32 @!p0 $0x88, s6;
	s7 =	simm.s32 @p2 $0x1082  }
0x22: {  	[simem:s7], [sflag:s8] =	dma.local @!p0 [hbm:s6], $0xF7A  }
0x23: {  	s9 =	sor.u32 $0xD0000000, s2;
	s6 =	simm.s32 $0x108;
	_ =	swait.ge @!p0 [sflag:s8], $0x0  }
0x24: {  	s3 =	sadd.s32 $0x88, s3;
	s6 =	simm.s32 @!p1 $0x1082;
	[sflag:s4] =	ssyncset.s32 $0xFFFFF086  }
0x25: {  	[simem:s6], [sflag:s4] =	dma.local [hbm:s3], $0xF7A  }
0x26: {  	[smem:$0x3F8D] =	sst s1;
	(tag) =	ssettag s2;
	_ =	strace s9  }
0x27: {  	s1 =	sld [smem:$0x3F9D]  }
0x28: {  	s2 =	sld [smem:$0x3F9E]  }
0x29: {  	s4 =	sld [smem:$0x3FA0]  }
0x2a: {  	p0 =	seq.s32 s5, $0x0;
	s5 =	sld [smem:$0x3FA1]  }
0x2b: {  	s6 =	sld [smem:$0x3FA2]  }
0x2c: {  	s7 =	sld [smem:$0x3FA3]  }
0x2d: {  	s3 =	simm.s32 $0x108;
	s8 =	sld [smem:$0x3FA4]  }
0x2e: {  	s3 =	simm.s32 @!p0 $0x1082;
	s9 =	sld [smem:$0x3FA5]  }
0x2f: {  	lr =	sadd.s32 s0, s3;
	s0 =	sld [smem:$0x3F9C]  }
0x30: {  	s3 =	sld [smem:$0x3F9F]  }
0x31: {  	[smem:$0x3FA8] =	sst s10  }
0x32: {  	s10 =	sld [smem:$0x3FA6];
	_ =	sdelay $0x3  }
0x33: {  	p0 =	seq.s32 s10, $0x1;
	s10 =	sld [smem:$0x3FA8];
	_ =	sdelay $0x3  }
0x34: {  	[smem:$0x3FA8] =	sst s10  }
0x35: {  	s10 =	sld [smem:$0x3FA7];
	_ =	sdelay $0x3  }
0x36: {  	p1 =	seq.s32 s10, $0x1;
	s10 =	sld [smem:$0x3FA8];
	_ =	sdelay $0x3  }
0x37: {  	[smem:$0x3FA8] =	sst s10  }
0x38: {  	s10 =	sld [smem:$0x3FA9]  }
0x39: {  	_ = 	snop;
	(pc) =	sbr.ind lr, $3  }
0x3a: {  	_ = 	snop  }
0x3b: {  	_ = 	snop  }
0x3c: {  	p2 =	seq.s32 s10, $0x1;
	s10 =	sld [smem:$0x3FA8]  }
0x3d: {  	_ =	shalt  }
0x3e: {  	_ =	shalt  }
0x3f: {  	_ =	shalt  }
0x40: {  	_ =	shalt  }
0x41: {  	_ =	shalt  }
0x42: {  	_ =	shalt  }
0x43: {  	_ =	shalt  }
0x44: {  	_ =	shalt  }
0x45: {  	_ =	shalt  }
0x46: {  	_ =	shalt  }
0x47: {  	_ =	shalt  }
0x48: {  	_ =	shalt  }
0x49: {  	_ =	shalt  }
0x4a: {  	_ =	shalt  }
0x4b: {  	_ =	shalt  }
0x4c: {  	_ =	shalt  }
0x4d: {  	_ =	shalt  }
0x4e: {  	_ =	shalt  }
0x4f: {  	_ =	shalt  }
0x50: {  	_ =	shalt  }
0x51: {  	_ =	shalt  }
0x52: {  	_ =	shalt  }
0x53: {  	_ =	shalt  }
0x54: {  	_ =	shalt  }
0x55: {  	_ =	shalt  }
0x56: {  	_ =	shalt  }
0x57: {  	_ =	shalt  }
0x58: {  	_ =	shalt  }
0x59: {  	_ =	shalt  }
0x5a: {  	_ =	shalt  }
0x5b: {  	_ =	shalt  }
0x5c: {  	_ =	shalt  }
0x5d: {  	_ =	shalt  }
0x5e: {  	_ =	shalt  }
0x5f: {  	_ =	shalt  }
0x60: {  	_ =	shalt  }
0x61: {  	_ =	shalt  }
0x62: {  	_ =	shalt  }
0x63: {  	_ =	shalt  }
0x64: {  	_ =	shalt  }
0x65: {  	_ =	shalt  }
0x66: {  	_ =	shalt  }
0x67: {  	_ =	shalt  }
0x68: {  	_ =	shalt  }
0x69: {  	_ =	shalt  }
0x6a: {  	_ =	shalt  }
0x6b: {  	_ =	shalt  }
0x6c: {  	_ =	shalt  }
0x6d: {  	_ =	shalt  }
0x6e: {  	_ =	shalt  }
0x6f: {  	_ =	shalt  }
0x70: {  	_ =	shalt  }
0x71: {  	_ =	shalt  }
0x72: {  	_ =	shalt  }
0x73: {  	_ =	shalt  }
0x74: {  	_ =	shalt  }
0x75: {  	_ =	shalt  }
0x76: {  	_ =	shalt  }
0x77: {  	_ =	shalt  }
0x78: {  	_ =	shalt  }
0x79: {  	_ =	shalt  }
0x7a: {  	_ =	shalt  }
0x7b: {  	_ =	shalt  }
0x7c: {  	_ =	shalt  }
0x7d: {  	_ =	shalt  }
0x7e: {  	_ =	shalt  }
0x7f: {  	_ =	shalt  }
0x80: {  	_ =	shalt  }
0x81: {  	_ =	shalt  }
0x82: {  	_ =	shalt  }
0x83: {  	_ =	shalt  }
0x84: {  	_ =	shalt  }
0x85: {  	_ =	shalt  }
0x86: {  	_ =	shalt  }
0x87: {  	_ =	shalt  }
.Lfunc_end0:
.L_simem_size_0:
called_computation_lowered:
.L_overlay_start_0:
0x88: {  	s2 =	sld [smem:$0x3FD9]  }
0x89: {  	s3 =	sld [smem:$0x3FFE];
	_ =	sdelay $0x1  }
0x8a: {  	s1 =	srdreg.scid  }
0x8b: {  	s0 =	sand.u32 $0x1, s1  }
0x8c: {  	s14 =	sshll.u32 s0, $0xA;
	s2 =	sadd.s32 s3, s2  }
0x8d: {  	s2 =	sadd.s32 s2, s14  }
0x8e: {  	[smem:$0x3FB4] =	sst s2  }
0x8f: {  	_ = 	snop  }
0x90: {  	s2 =	sld [smem:$0x3FD0];
	_ =	sdelay $0x2  }
0x91: {  	s15 =	simm.s32 $0xB;
	s4 =	simm.s32 $0x10  }
0x92: {  	[smem:s4], [sflag:s15] =	dma.local [hbm:s2], $0x1  }
0x93: {  	_ =	swait.eq [sflag:s15], $0x1  }
0x94: {  	[sflag:s15] =	ssyncset.done $0x0  }
0x95: {  	[sflag:s15] =	ssyncadd.s32 $0xFFFFFFFF  }
0x96: {  	s16 =	sld [smem:$0x12];
	(tm) =	ssettm $0x1  }
0x97: {  	s17 =	sld [smem:$0x3FFB];
	_ =	sdelay $0x3  }
0x98: {  	_ =	strace s17  }
0x99: {  	s3 =	sld [smem:$0x3FFC];
	_ =	sdelay $0x3  }
0x9a: {  	_ =	strace s3  }
0x9b: {  	s3 =	sld [smem:$0x3FFD];
	_ =	sdelay $0x3  }
0x9c: {  	_ =	strace s3  }
0x9d: {  	_ =	strace $0x8FFFFFFF  }
0x9e: {  	s18 =	sld [smem:$0x3FDB];
	_ =	sdelay $0x1  }
0x9f: {  	s19 =	simm.s32 $_scs_section_size  }
0xa0: {  	s5 =	simm.s32 $_size__tile_overlayer_lowered;
	s6 =	simm.s32 $_tile_overlayer_lowered  }
0xa1: {  	s22 =	simm.s32 $0x1BFF;
	s21 =	sshll.u32 s6, $0x1;
	s3 =	sadd.s32 s19, s18  }
0xa2: {  	s7 =	simm.s32 $0x0;
	s20 =	sshll.u32 s5, $0x1;
	s5 =	sadd.s32 s21, s3  }
0xa3: {  	[timem:s7], [sflag:s22] =	dma.local [hbm:s5], s20  }
0xa4: {  	_ =	swait.ge [sflag:s22], s20  }
0xa5: {  	s4 =	ssub.s32 $0x0, s20;
	[sflag:s22] =	ssyncset.done $0x0  }
0xa6: {  	[sflag:s22] =	ssyncadd.s32 s4;
	_ =	sdelay $0x1  }
0xa7: {  	s23 =	simm.s32 $0x1B8B  }
0xa8: {  	_ =	swait.ge [sflag:s23], $0x1  }
0xa9: {  	[sflag:s23] =	ssyncset.done $0x0  }
0xaa: {  	s25 =	simm.s32 $0x1B8E;
	s24 =	sld [smem:$0x3FFE];
	[sflag:s23] =	ssyncadd.s32 $0xFFFFFFFF  }
0xab: {  	s26 =	simm.s32 $execute0_lowered;
	[smem:$0x3FD2] =	sst s25  }
0xac: {  	s5 =	sshll.u32 s26, $0x1;
	_ =	strace $0x80000046;
	[dreg:$0x1] =	wrdreg $0xFFFFFFFF  }
0xad: {  	s28 =	simm.s32 $_size_execute0_lowered;
	s3 =	sadd.s32 s3, s5;
	[dreg:$0x0] =	wrdreg $0x0  }
0xae: {  	s5 =	sshll.u32 s28, $0x1;
	[dreg:$0x2] =	wrdreg s3  }
0xaf: {  	[dreg:$0x3] =	wrdreg s5  }
0xb0: {  	[dreg:$0x4] =	wrdreg $0xC0  }
0xb1: {  	_ =	task [dreg:s7], $0x5FFFF  }
0xb2: {  	[dreg:$0x1] =	wrdreg $0xFFFFFFFF  }
0xb3: {  	[dreg:$0x0] =	wrdreg $0x60  }
0xb4: {  	[dreg:$0x2] =	wrdreg s16  }
0xb5: {  	[dreg:$0x3] =	wrdreg s24  }
0xb6: {  	[dreg:$0x4] =	wrdreg $0xA  }
0xb7: {  	_ =	task.clear_ibuf [dreg:s7], $0x5FFFF;
	_ =	strace $0x90000046  }
0xb8: {  	s29 =	simm.s32 $0xA;
	_ =	strace $0x80000048  }
0xb9: {  	_ =	swait.ge [sflag:s29], $0x1  }
0xba: {  	[sflag:s29] =	ssyncadd.s32 $0xFFFFFFFF  }
0xbb: {  	_ =	strace $0x90000048  }
0xbc: {  	_ =	sfence  }
0xbd: {  	s30 =	sld [smem:$0x0];
	_ =	sdelay $0x2  }
0xbe: {  	s31 =	sshll.u32 s1, $0xD;
	s1 =	sshrl.u32 s1, $0x2  }
0xbf: {  	s3 =	sand.u32 $0x4000, s31;
	s1 =	sadd.s32 s1, s30  }
0xc0: {  	s0 =	sor.u32 s3, s0;
	s1 =	sshll.u32 s1, $0x11  }
0xc1: {  	s0 =	sor.u32 s1, s0  }
0xc2: {  	s0 =	sadd.s32 $0x8F2B, s0  }
0xc3: {  	[sflag:s0] =	ssyncadd.remote.s32 $0x1  }
0xc4: {  	_ =	sfence.sel $0xFFFF  }
0xc5: {  	[dreg:$0x0] =	wrdreg $0xFFFFFFFF;
	(pc) =	sbr.abs _section_cstart, $3  }
0xc6: {  	[dreg:$0x1] =	wrdreg $0xFFFFFFFF  }
0xc7: {  	_ =	task.clear_ibuf [dreg:s7], $0x2FFFF;
	_ =	strace $0x9FFFFFFF  }
0xc8: {  	(tm) =	ssettm $0x7FFFFFFF  }
0xc9: {  	_ =	shalt  }
tec
execute0_lowered:
.L_overlay_start_1:
0x0: {  	(tag) =	ssettag $0x1  }
0x1: {  	s2 =	rddreg [dreg:$0x0]  }
0x2: {  	s8 =	rddreg [dreg:$0x1]  }
0x3: {  	s0 =	rddreg [dreg:$0x2];
	s1 =	stileid.u32  }
0x4: {  	s3 =	srdreg.scid;
	_ =	strace $0x80000047;
	s4 =	simm.s32 $0x1  }
0x5: {  	s7 =	simm.s32 $0x1;
	s9 =	simm.s32 $0x1;
	s10 =	simm.s32 $0x3  }
0x6: {  	s13 =	simm.s32 $0x0;
	s5 =	sand.u32 $0x1, s3;
	s6 =	sshll.u32 s1, $0x1  }
0x7: {  	s12 =	simm.s32 $0x0;
	s3 =	sadd.s32 $0x9400, s8;
	s5 =	sor.u32 s6, s5  }
.Ltmp0:
0x8: {  	[sflag:s4] =	ssyncpa.u1 $0x0;
	p0 =	slt.u32 s5, $0x13;
	(pc) =	sbr.rel .LBB2_1-.Ltmp0, $4  }
0x9: {  	s6 =	simm.s32 $0x2;
	s7 =	simm.s32 @!p0 $0x0;
	p0 =	sne.s32 s5, $0x12  }
0xa: {  	[sflag:s6] =	ssyncpa.u1 $0x0;
	s5 =	smul.u32 $0x320, s5;
	s9 =	simm.s32 @!p0 $0x0  }
0xb: {  	s8 =	sadd.s32 $0xA800, s8;
	[sflag:s10] =	ssyncpa.u1 $0x0;
	s7 =	sadd.s32 s9, s7  }
0xc: {  	vm0 =	vmmov $0xffff;
	s10 =	simm.s32 $0x0;
	s11 =	smov.u32 s5;
	s9 =	sadd.s32 $0x1, s7  }
.LBB2_4:
0xd: {  	v2 =	vnsel vm1, $0x0, v2  }
0xe: {  	vm1 =	vgt.s32 v0, $0x0;
	v2 =	vmin.u32 v2, $0x270FF  }
0xf: {  	v0 =	vnsel vm1, $0x0, v0  }
0x10: {  	v0 =	vmin.u32 v0, $0x270FF  }
0x11: {  	[tilespmem:s18], [sflag:$0x1] =	stream.indirect_vreg.gather [hbm4b:s2+s10], $0x1, v1, vm0, $0x4038;
	[tilespmem:$0xC80] =	vst v63  }
0x12: {  	(ifvalue) =	ssetifvalue $0x7FFFFFFF  }
0x13: {  	[tilespmem:s15], [sflag:$0x1] =	stream.indirect_vreg.gather [hbm4b:s2+s10], $0x1, v2, vm0, $0x4038;
	[tilespmem:$0xC80] =	vst v63  }
0x14: {  	s29 =	sadd.s32 $0x10, s15;
	(ifvalue) =	ssetifvalue $0x7FFFFFFF  }
0x15: {  	[tilespmem:s29], [sflag:$0x1] =	stream.indirect_vreg.gather [hbm4b:s2+s10], $0x1, v0, vm0, $0x4038;
	[tilespmem:$0xC80] =	vst v63  }
0x16: {  	_ =	swait.ge [sflag:s4], $0x320  }
0x17: {  	s30 =	sshrl.u32 s13, $0x3;
	[sflag:s4] =	ssyncset.done $0x0  }
0x18: {  	s31 =	sand.u32 $0x7, s13;
	s15 =	sadd.s32 s8, s30;
	[sflag:s4] =	ssyncadd.s32 $0xFFFFFCE0  }
0x19: {  	[hbm4b:s15+s31] =	stream.linear.scatter [tilespmem:s14], [sflag:$0x3], $0x320, $0x38;
	[tilespmem:$0xC80] =	vst v63  }
.LBB2_5:
0x1a: {  	s15 =	sadd.s32 $0x6400, s11  }
0x1b: {  	p1 =	sgt.s32 s15, $0x9C3F  }
0x1c: {  	s15 =	smov.u32 @p1 s5;
	p1 =	sne.s32 s12, s9  }
.Ltmp1:
0x1d: {  	p0 =	slt.u32 s12, $0x2;
	(pc) =	sbr.rel @!p1 .LBB2_6-.Ltmp1, $4  }
0x1e: {  	s14 =	simm.s32 @!p0 $0x3  }
0x1f: {  	_ =	swait.ge @!p0 [sflag:s14], $0x320  }
0x20: {  	s16 =	sadd.s32 $0x1, s12;
	s13 =	smov.u32 s11;
	[sflag:s14] =	ssyncset.done @!p0 $0x0  }
0x21: {  	s12 =	smov.u32 s16;
	s11 =	smov.u32 s15;
	[sflag:s14] =	ssyncadd.s32 @!p0 $0xFFFFFCE0  }
.LBB2_1:
0x22: {  	p0 =	sge.u32 s12, s7  }
0x23: {  	s14 =	sxor.u32 @!p0 $0x1, s12  }
0x24: {  	s14 =	smul.u32 @!p0 $0xC80, s14  }
0x25: {  	s31 =	sadd.s32 $0xFFFFFFFF, s12;
	s15 =	sshrl.u32 @!p0 s11, $0x3  }
0x26: {  	s16 =	sand.u32 @!p0 $0x7, s11;
	s15 =	sadd.s32 @!p0 s3, s15;
	s14 =	sshra.s32 @!p0 s14, $0x2  }
0x27: {  	[tilespmem:s14], [sflag:$0x2] =	stream.linear.gather @!p0 [hbm4b:s15+s16], $0x320, $0x38;
	[tilespmem:$0xC80] =	vst v63  }
0x28: {  	p0 =	sge.u32 s31, s7  }
.Ltmp2:
0x29: {  	_ = 	snop;
	(pc) =	sbr.rel @p0 .LBB2_5-.Ltmp2, $1  }
0x2a: {  	_ =	sdelay $0x3  }
0x2b: {  	s14 =	sand.u32 $0x1, s12  }
0x2c: {  	_ =	swait.ge [sflag:s6], $0x320;
	p0 =	seq.s32 s14, $0x1;
	s14 =	simm.s32 $0x320  }
0x2d: {  	[sflag:s6] =	ssyncset.done $0x0;
	s14 =	simm.s32 @!p0 $0x0  }
0x2e: {  	[sflag:s6] =	ssyncadd.s32 $0xFFFFFCE0;
	(ifvalue) =	ssetifvalue $0x7FFFFFFF;
	v0 =	vld.msk [tilespmem:s14+$0x0 ss:$0x1], $0xffff;
	_ =	sdelay $0x4  }
0x2f: {  	s15 =	sadd.s32 $0x10, s14;
	vm1 =	vgt.s32 v0, $0x0  }
0x30: {  	v2 =	vld.msk [tilespmem:s15+$0x0 ss:$0x1], $0xffff;
	v1 =	vnsel vm1, $0x0, v0  }
0x31: {  	v1 =	vmin.u32 v1, $0x270FF;
	_ =	sdelay $0x2  }
0x32: {  	s17 =	simm.s32 $0x20;
	s14 =	sadd.s32 $0x640, s14;
	s16 =	sadd.s32 $0x10, s15  }
0x33: {  	s15 =	sadd.s32 $0x10, s14;
	s18 =	smov.u32 s14;
	v0 =	vld.msk [tilespmem:s16+$0x0 ss:$0x1], $0xffff;
	vm1 =	vgt.s32 v2, $0x0;
	(ifvalue) =	ssetifvalue $0x7FFFFFFF  }
.LBB2_3:
0x34: {  	[tilespmem:s18], [sflag:$0x1] =	stream.indirect_vreg.gather [hbm4b:s2+s10], $0x1, v1, vm0, $0x4038;
	[tilespmem:$0xC80] =	vst v63  }
0x35: {  	s17 =	sadd.s32 $0x10, s17  }
0x36: {  	v2 =	vnsel vm1, $0x0, v2;
	p0 =	slt.u32 s17, $0x310  }
.Ltmp3:
0x37: {  	s18 =	smov.u32 s15;
	v1 =	vmin.u32 v2, $0x270FF;
	(pc) =	sbr.rel @p0 .LBB2_3-.Ltmp3, $3  }
0x38: {  	_ =	sdelay $0x1  }
0x39: {  	s16 =	sadd.s32 $0x10, s16  }
0x3a: {  	vm1 =	vgt.s32 v0, $0x0;
	s15 =	sadd.s32 $0x10, s15;
	v2 =	vmov v0;
	(ifvalue) =	ssetifvalue $0x7FFFFFFF;
	v0 =	vld.msk [tilespmem:s16+$0x0 ss:$0x1], $0xffff  }
.Ltmp4:
0x3b: {  	_ = 	snop;
	(pc) =	sbr.rel .LBB2_4-.Ltmp4, $1  }
0x3c: {  	_ =	sdelay $0x3  }
.LBB2_6:
0x3d: {  	_ =	sfence.sel $0x180000  }
0x3e: {  	s2 =	simm.s32 $0x2;
	[bflag:$0x0] =	sbarrier.arrive $0xFFFF  }
0x3f: {  	s30 =	simm.s32 $0x3;
	[sflag:s2] =	ssyncpa.u1 $0x1  }
0x40: {  	s31 =	simm.s32 $0x1;
	[sflag:s30] =	ssyncpa.u1 $0x1  }
0x41: {  	[sflag:s31] =	ssyncpa.u1 $0x1  }
0x42: {  	p0 =	sne.s32 s1, $0x0;
	_ =	strace $0x90000047  }
0x43: {  	s0 =	sadd.s32 @!p0 $0x100000, s0;
	[bflag:$0x2] =	sbarrier.arrive $0xFFFF  }
0x44: {  	[sflag:s0] =	ssyncadd.tile.s32 @!p0 $0x1;
	_ =	shalt  }
.Lfunc_end2:
_tile_overlayer_lowered:
.L_overlay_start_2:
0x45: {  	(tag) =	ssettag $0x2  }
0x46: {  	s0 =	rddreg [dreg:$0x0];
	s2 =	stileid.u32  }
0x47: {  	s1 =	rddreg [dreg:$0x1];
	p0 =	sne.s32 s2, $0x0  }
0x48: {  	s3 =	rddreg [dreg:$0x2];
	[bflag:$0x3] =	sbarrier.arrive $0xFFFF;
	s2 =	simm.s32 @!p0 $0x1C01  }
0x49: {  	[timem:s3], [sflag:s2] =	dma.local @!p0 [hbm:s0], s1  }
0x4a: {  	s0 =	simm.s32 @!p0 $0x1  }
0x4b: {  	_ =	swait.ge @!p0 [sflag:s0], s1  }
0x4c: {  	s1 =	ssub.s32 @!p0 $0x0, s1;
	[sflag:s0] =	ssyncset.done @!p0 $0x0  }
0x4d: {  	[sflag:s0] =	ssyncadd.s32 @!p0 s1  }
0x4e: {  	[bflag:$0x3] =	sbarrier.arrive $0xFFFF  }
0x4f: {  	_ =	shalt  }

// kernel: kernel.12.cloned.1.call-start
scs
__scs_entry_jumppad:
0x0: {  	(pc) =	sbr.rel $0x88, $3  }
0x1: {  	(tag) =	ssettag $0x0;
	lr =	simm.s32 $0x1  }
0x2: {  	[smem:$0x3F8D] =	sst lr;
	_ =	strace $0xD0000000  }
0x3: {  	_ = 	snop  }
0x4: {  	_ = 	snop  }
0x5: {  	_ = 	snop  }
0x6: {  	_ = 	snop  }
0x7: {  	_ = 	snop  }
__scs_overlays_trampoline_lowered:
0x8: {  	[smem:$0x3F9C] =	sst s0  }
0x9: {  	[smem:$0x3F9D] =	sst s1  }
0xa: {  	[smem:$0x3F9E] =	sst s2  }
0xb: {  	[smem:$0x3F9F] =	sst s3  }
0xc: {  	[smem:$0x3FA0] =	sst s4  }
0xd: {  	[smem:$0x3FA1] =	sst s5  }
0xe: {  	[smem:$0x3FA2] =	sst s6  }
0xf: {  	[smem:$0x3FA3] =	sst s7  }
0x10: {  	[smem:$0x3FA4] =	sst s8  }
0x11: {  	[smem:$0x3FA5] =	sst s9;
	s0 =	simm.s32 @!p0 $0x0  }
0x12: {  	s1 =	sld [smem:$0x3F8B];
	s0 =	simm.s32 @p0 $0x1  }
0x13: {  	[smem:$0x3FA6] =	sst s0;
	s0 =	simm.s32 @!p1 $0x0  }
0x14: {  	s2 =	sld [smem:$0x3F8A];
	s0 =	simm.s32 @p1 $0x1  }
0x15: {  	[smem:$0x3FA7] =	sst s0;
	s0 =	simm.s32 @!p2 $0x0  }
0x16: {  	s3 =	sld [smem:$0x3FDB];
	s0 =	simm.s32 @p2 $0x1  }
0x17: {  	s4 =	simm.s32 $0x1BF5;
	[smem:$0x3FA9] =	sst s0  }
0x18: {  	s0 =	sld [smem:$0x3F8C];
	_ =	swait.ge [sflag:s4], $0x0  }
0x19: {  	s7 =	sld [smem:$0x3F8D]  }
0x1a: {  	s8 =	sadd.s32 $0xFFFFE003, lr  }
0x1b: {  	s9 =	sadd.s32 $0xFFFFFEF7, lr;
	s5 =	simm.s32 $0xFFFFFFFF;
	p2 =	slt.u32 s8, $0xFFFFF086  }
0x1c: {  	p1 =	slt.u32 s9, $0xF7A;
	s5 =	simm.s32 @!p2 $0x0  }
0x1d: {  	s5 =	simm.s32 @p1 $0x1;
	p0 =	seq.s32 s7, s2  }
0x1e: {  	s7 =	smul.u32 @!p0 $0xF7A, s2;
	p2 =	seq.s32 @!p0 s5, $0x0  }
0x1f: {  	s9 =	smul.u32 $0xF7A, s1;
	s8 =	simm.s32 @!p0 $0x1BF5;
	p2 =	por !p2, p0  }
0x20: {  	[sflag:s8] =	ssyncset.s32 @!p0 $0xFFFFF086;
	s6 =	sadd.s32 @!p0 s3, s7;
	s7 =	simm.s32 @!p0 $0x108  }
0x21: {  	s3 =	sadd.s32 s3, s9;
	s6 =	sadd.s32 @!p0 $0x88, s6;
	s7 =	simm.s32 @p2 $0x1082  }
0x22: {  	[simem:s7], [sflag:s8] =	dma.local @!p0 [hbm:s6], $0xF7A  }
0x23: {  	s9 =	sor.u32 $0xD0000000, s2;
	s6 =	simm.s32 $0x108;
	_ =	swait.ge @!p0 [sflag:s8], $0x0  }
0x24: {  	s3 =	sadd.s32 $0x88, s3;
	s6 =	simm.s32 @!p1 $0x1082;
	[sflag:s4] =	ssyncset.s32 $0xFFFFF086  }
0x25: {  	[simem:s6], [sflag:s4] =	dma.local [hbm:s3], $0xF7A  }
0x26: {  	[smem:$0x3F8D] =	sst s1;
	(tag) =	ssettag s2;
	_ =	strace s9  }
0x27: {  	s1 =	sld [smem:$0x3F9D]  }
0x28: {  	s2 =	sld [smem:$0x3F9E]  }
0x29: {  	s4 =	sld [smem:$0x3FA0]  }
0x2a: {  	p0 =	seq.s32 s5, $0x0;
	s5 =	sld [smem:$0x3FA1]  }
0x2b: {  	s6 =	sld [smem:$0x3FA2]  }
0x2c: {  	s7 =	sld [smem:$0x3FA3]  }
0x2d: {  	s3 =	simm.s32 $0x108;
	s8 =	sld [smem:$0x3FA4]  }
0x2e: {  	s3 =	simm.s32 @!p0 $0x1082;
	s9 =	sld [smem:$0x3FA5]  }
0x2f: {  	lr =	sadd.s32 s0, s3;
	s0 =	sld [smem:$0x3F9C]  }
0x30: {  	s3 =	sld [smem:$0x3F9F]  }
0x31: {  	[smem:$0x3FA8] =	sst s10  }
0x32: {  	s10 =	sld [smem:$0x3FA6];
	_ =	sdelay $0x3  }
0x33: {  	p0 =	seq.s32 s10, $0x1;
	s10 =	sld [smem:$0x3FA8];
	_ =	sdelay $0x3  }
0x34: {  	[smem:$0x3FA8] =	sst s10  }
0x35: {  	s10 =	sld [smem:$0x3FA7];
	_ =	sdelay $0x3  }
0x36: {  	p1 =	seq.s32 s10, $0x1;
	s10 =	sld [smem:$0x3FA8];
	_ =	sdelay $0x3  }
0x37: {  	[smem:$0x3FA8] =	sst s10  }
0x38: {  	s10 =	sld [smem:$0x3FA9]  }
0x39: {  	_ = 	snop;
	(pc) =	sbr.ind lr, $3  }
0x3a: {  	_ = 	snop  }
0x3b: {  	_ = 	snop  }
0x3c: {  	p2 =	seq.s32 s10, $0x1;
	s10 =	sld [smem:$0x3FA8]  }
0x3d: {  	_ =	shalt  }
0x3e: {  	_ =	shalt  }
0x3f: {  	_ =	shalt  }
0x40: {  	_ =	shalt  }
0x41: {  	_ =	shalt  }
0x42: {  	_ =	shalt  }
0x43: {  	_ =	shalt  }
0x44: {  	_ =	shalt  }
0x45: {  	_ =	shalt  }
0x46: {  	_ =	shalt  }
0x47: {  	_ =	shalt  }
0x48: {  	_ =	shalt  }
0x49: {  	_ =	shalt  }
0x4a: {  	_ =	shalt  }
0x4b: {  	_ =	shalt  }
0x4c: {  	_ =	shalt  }
0x4d: {  	_ =	shalt  }
0x4e: {  	_ =	shalt  }
0x4f: {  	_ =	shalt  }
0x50: {  	_ =	shalt  }
0x51: {  	_ =	shalt  }
0x52: {  	_ =	shalt  }
0x53: {  	_ =	shalt  }
0x54: {  	_ =	shalt  }
0x55: {  	_ =	shalt  }
0x56: {  	_ =	shalt  }
0x57: {  	_ =	shalt  }
0x58: {  	_ =	shalt  }
0x59: {  	_ =	shalt  }
0x5a: {  	_ =	shalt  }
0x5b: {  	_ =	shalt  }
0x5c: {  	_ =	shalt  }
0x5d: {  	_ =	shalt  }
0x5e: {  	_ =	shalt  }
0x5f: {  	_ =	shalt  }
0x60: {  	_ =	shalt  }
0x61: {  	_ =	shalt  }
0x62: {  	_ =	shalt  }
0x63: {  	_ =	shalt  }
0x64: {  	_ =	shalt  }
0x65: {  	_ =	shalt  }
0x66: {  	_ =	shalt  }
0x67: {  	_ =	shalt  }
0x68: {  	_ =	shalt  }
0x69: {  	_ =	shalt  }
0x6a: {  	_ =	shalt  }
0x6b: {  	_ =	shalt  }
0x6c: {  	_ =	shalt  }
0x6d: {  	_ =	shalt  }
0x6e: {  	_ =	shalt  }
0x6f: {  	_ =	shalt  }
0x70: {  	_ =	shalt  }
0x71: {  	_ =	shalt  }
0x72: {  	_ =	shalt  }
0x73: {  	_ =	shalt  }
0x74: {  	_ =	shalt  }
0x75: {  	_ =	shalt  }
0x76: {  	_ =	shalt  }
0x77: {  	_ =	shalt  }
0x78: {  	_ =	shalt  }
0x79: {  	_ =	shalt  }
0x7a: {  	_ =	shalt  }
0x7b: {  	_ =	shalt  }
0x7c: {  	_ =	shalt  }
0x7d: {  	_ =	shalt  }
0x7e: {  	_ =	shalt  }
0x7f: {  	_ =	shalt  }
0x80: {  	_ =	shalt  }
0x81: {  	_ =	shalt  }
0x82: {  	_ =	shalt  }
0x83: {  	_ =	shalt  }
0x84: {  	_ =	shalt  }
0x85: {  	_ =	shalt  }
0x86: {  	_ =	shalt  }
0x87: {  	_ =	shalt  }
.Lfunc_end0:
.L_simem_size_0:
called_computation.2_lowered:
.L_overlay_start_0:
0x88: {  	s2 =	sld [smem:$0x3FD9]  }
0x89: {  	s3 =	sld [smem:$0x3FFE];
	_ =	sdelay $0x1  }
0x8a: {  	s1 =	srdreg.scid  }
0x8b: {  	s0 =	sand.u32 $0x1, s1  }
0x8c: {  	s15 =	sshll.u32 s0, $0xA;
	s2 =	sadd.s32 s3, s2  }
0x8d: {  	s2 =	sadd.s32 s2, s15  }
0x8e: {  	[smem:$0x3FB4] =	sst s2  }
0x8f: {  	_ = 	snop  }
0x90: {  	s2 =	sld [smem:$0x3FD0];
	_ =	sdelay $0x2  }
0x91: {  	s6 =	simm.s32 $0xB;
	s4 =	simm.s32 $0x10;
	s16 =	sld [smem:$0x3FC6]  }
0x92: {  	[smem:s4], [sflag:s6] =	dma.local [hbm:s2], $0x1  }
0x93: {  	_ =	swait.eq [sflag:s6], $0x1  }
0x94: {  	s5 =	sld [smem:$0x11];
	[sflag:s6] =	ssyncset.done $0x0  }
0x95: {  	s17 =	sld [smem:$0x12];
	[sflag:s6] =	ssyncadd.s32 $0xFFFFFFFF  }
0x96: {  	s18 =	sld [smem:$0x13];
	(tm) =	ssettm $0x1  }
0x97: {  	s19 =	sld [smem:$0x3FFB];
	_ =	sdelay $0x3  }
0x98: {  	_ =	strace s19  }
0x99: {  	s2 =	sld [smem:$0x3FFC];
	_ =	sdelay $0x3  }
0x9a: {  	_ =	strace s2  }
0x9b: {  	s2 =	sld [smem:$0x3FFD];
	_ =	sdelay $0x3  }
0x9c: {  	_ =	strace s2  }
0x9d: {  	_ =	strace $0x8FFFFFFF  }
0x9e: {  	s20 =	sld [smem:$0x3FDB];
	_ =	sdelay $0x1  }
0x9f: {  	s7 =	simm.s32 $_scs_section_size  }
0xa0: {  	s8 =	simm.s32 $_size__tile_overlayer_lowered;
	s9 =	simm.s32 $_tile_overlayer_lowered  }
0xa1: {  	s10 =	simm.s32 $0x1BFF;
	s21 =	sshll.u32 s9, $0x1;
	s7 =	sadd.s32 s7, s20  }
0xa2: {  	s22 =	simm.s32 $0x0;
	s8 =	sshll.u32 s8, $0x1;
	s9 =	sadd.s32 s21, s7  }
0xa3: {  	[timem:s22], [sflag:s10] =	dma.local [hbm:s9], s8  }
0xa4: {  	_ =	swait.ge [sflag:s10], s8  }
0xa5: {  	s8 =	ssub.s32 $0x0, s8;
	[sflag:s10] =	ssyncset.done $0x0  }
0xa6: {  	[sflag:s10] =	ssyncadd.s32 s8;
	_ =	sdelay $0x1  }
0xa7: {  	s23 =	simm.s32 $0x1B8B  }
0xa8: {  	_ =	swait.ge [sflag:s23], $0x1  }
0xa9: {  	[sflag:s23] =	ssyncset.done $0x0  }
0xaa: {  	[sflag:s23] =	ssyncadd.s32 $0xFFFFFFFF  }
0xab: {  	s8 =	sld [smem:$0x0]  }
0xac: {  	s9 =	sand.u32 $0xFFFFFFFE, s1  }
0xad: {  	p0 =	sne.s32 s1, s9  }
0xae: {  	s9 =	sshll.u32 @p0 s9, $0xE  }
0xaf: {  	s9 =	sadd.s32 @p0 $0x11B8D, s9;
	s10 =	sshll.u32 @p0 s8, $0x11  }
0xb0: {  	s9 =	sor.u32 @p0 s10, s9  }
0xb1: {  	[sflag:s9] =	ssyncadd.remote.s32 @p0 $0x1;
	_ =	sdelay $0x1  }
0xb2: {  	s9 =	simm.s32 @p0 $0x1B8D  }
0xb3: {  	_ =	swait.eq @p0 [sflag:s9], $0x1  }
0xb4: {  	[sflag:s9] =	ssyncadd.s32 @p0 $0xFFFFFFFF  }
0xb5: {  	s10 =	sshll.u32 @!p0 s1, $0xE  }
0xb6: {  	s10 =	sor.u32 @!p0 $0x4000, s10;
	s9 =	simm.s32 @!p0 $0x1B8D  }
0xb7: {  	s8 =	sshll.u32 @!p0 s8, $0x11;
	s10 =	sadd.s32 @!p0 $0x11B8D, s10;
	_ =	swait.eq @!p0 [sflag:s9], $0x1  }
0xb8: {  	s8 =	sor.u32 @!p0 s8, s10;
	[sflag:s9] =	ssyncadd.s32 @!p0 $0xFFFFFFFF  }
0xb9: {  	s25 =	simm.s32 $0x1B8E;
	s24 =	sld [smem:$0x3FFE];
	[sflag:s8] =	ssyncadd.remote.s32 @!p0 $0x1  }
0xba: {  	s26 =	simm.s32 $execute0_lowered;
	[smem:$0x3FD2] =	sst s25  }
0xbb: {  	s9 =	sshll.u32 s26, $0x1;
	_ =	strace $0x8000004C;
	[dreg:$0x1] =	wrdreg $0xFFFFFFFF  }
0xbc: {  	s28 =	simm.s32 $_size_execute0_lowered;
	s7 =	sadd.s32 s7, s9;
	[dreg:$0x0] =	wrdreg $0x0  }
0xbd: {  	s9 =	sshll.u32 s28, $0x1;
	[dreg:$0x2] =	wrdreg s7  }
0xbe: {  	[dreg:$0x3] =	wrdreg s9  }
0xbf: {  	[dreg:$0x4] =	wrdreg $0xC0  }
0xc0: {  	_ =	task [dreg:s22], $0x5FFFF  }
0xc1: {  	[dreg:$0x1] =	wrdreg $0xFFFFFFFF  }
0xc2: {  	[dreg:$0x0] =	wrdreg $0x60  }
0xc3: {  	[dreg:$0x2] =	wrdreg s16  }
0xc4: {  	[dreg:$0x3] =	wrdreg s5  }
0xc5: {  	[dreg:$0x4] =	wrdreg s18  }
0xc6: {  	[dreg:$0x5] =	wrdreg s17  }
0xc7: {  	[dreg:$0x6] =	wrdreg s24  }
0xc8: {  	[dreg:$0x7] =	wrdreg $0x0  }
0xc9: {  	[dreg:$0x8] =	wrdreg $0x13C000  }
0xca: {  	[dreg:$0x9] =	wrdreg $0xA  }
0xcb: {  	_ =	task.clear_ibuf [dreg:s22], $0xAFFFF;
	_ =	strace $0x9000004C  }
0xcc: {  	s29 =	simm.s32 $0xA;
	_ =	strace $0x8000004E  }
0xcd: {  	_ =	swait.ge [sflag:s29], $0x1  }
0xce: {  	[sflag:s29] =	ssyncadd.s32 $0xFFFFFFFF  }
0xcf: {  	_ =	strace $0x9000004E  }
0xd0: {  	_ =	sfence  }
0xd1: {  	s30 =	sld [smem:$0x0];
	_ =	sdelay $0x2  }
0xd2: {  	s31 =	sshll.u32 s1, $0xD;
	s1 =	sshrl.u32 s1, $0x2  }
0xd3: {  	s4 =	sand.u32 $0x4000, s31;
	s1 =	sadd.s32 s1, s30  }
0xd4: {  	s0 =	sor.u32 s4, s0;
	s1 =	sshll.u32 s1, $0x11  }
0xd5: {  	s0 =	sor.u32 s1, s0  }
0xd6: {  	s0 =	sadd.s32 $0x8F2B, s0  }
0xd7: {  	[sflag:s0] =	ssyncadd.remote.s32 $0x1  }
0xd8: {  	_ =	sfence.sel $0xFFFF  }
0xd9: {  	[dreg:$0x0] =	wrdreg $0xFFFFFFFF;
	(pc) =	sbr.abs _section_cstart, $3  }
0xda: {  	[dreg:$0x1] =	wrdreg $0xFFFFFFFF  }
0xdb: {  	_ =	task.clear_ibuf [dreg:s22], $0x2FFFF;
	_ =	strace $0x9FFFFFFF  }
0xdc: {  	(tm) =	ssettm $0x7FFFFFFF  }
0xdd: {  	_ =	shalt  }
tec
execute0_lowered:
.L_overlay_start_1:
0x0: {  	(tag) =	ssettag $0x1  }
0x1: {  	s0 =	rddreg [dreg:$0x0]  }
0x2: {  	s1 =	rddreg [dreg:$0x2]  }
0x3: {  	s2 =	rddreg [dreg:$0x3]  }
0x4: {  	s4 =	rddreg [dreg:$0x4];
	s5 =	srdreg.scid  }
0x5: {  	s3 =	rddreg [dreg:$0x5];
	s11 =	stileid.u32  }
0x6: {  	s6 =	simm.s32 $0x0;
	s28 =	simm.s32 $0x1;
	s29 =	simm.s32 $0x1C980  }
0x7: {  	s30 =	simm.s32 $0x2;
	s9 =	sand.u32 $0x1, s5;
	s5 =	rddreg [dreg:$0x6]  }
0x8: {  	s31 =	simm.s32 $0x28000;
	s8 =	smul.u32 $0x13C00, s11;
	[smem:$0x7FF] =	sst s6  }
0x9: {  	s10 =	smul.u32 $0x4F000, s11;
	s21 =	sshll.u32 s11, $0x6;
	s13 =	ssub.s32 $0x280, s11  }
0xa: {  	s15 =	sshll.u32 s11, $0x7;
	s23 =	sshll.u32 s11, $0x9;
	s7 =	smul.u32 $0x13C000, s9  }
0xb: {  	p0 =	sne.s32 s11, $0x0;
	_ =	strace $0x8000004D;
	s22 =	smul.u32 $0x13880, s9  }
0xc: {  	s20 =	ssub.s32 $0x2, s9;
	s19 =	smul.u32 $0x28000, s9;
	s9 =	sshrl.u32 s13, $0x4  }
0xd: {  	s10 =	sshrl.u32 s10, $0x2;
	s12 =	sshrl.u32 s20, $0x1;
	s8 =	sadd.s32 s8, s7  }
0xe: {  	s7 =	sadd.s32 $0xBC00, s4;
	s14 =	sadd.s32 s10, s3;
	s12 =	ssub.s32 s20, s12  }
0xf: {  	s15 =	sadd.s32 s15, s22;
	s10 =	sor.u32 s23, s19;
	s19 =	sshrl.u32 @!p0 s5, $0x3  }
0x10: {  	s20 =	simm.s32 $0x200;
	s22 =	simm.s32 $0x1C880;
	s23 =	simm.s32 $0x80  }
0x11: {  	s8 =	sshrl.u32 s8, $0x3;
	s16 =	sadd.s32 $0x4F00, s14;
	s17 =	sadd.s32 $0x9E00, s14  }
0x12: {  	s18 =	sadd.s32 $0xED00, s14;
	s24 =	sshrl.u32 s15, $0x1;
	s12 =	smax.u32 s12, $0x1  }
0x13: {  	s14 =	sshrl.u32 s14, $0x3;
	s15 =	simm.s32 $0x3;
	s4 =	sadd.s32 s8, s4  }
0x14: {  	s8 =	sor.u32 $0x1C03, s21;
	[dreg:$0x9] =	wrdreg s12;
	s13 =	sadd.s32 s24, s1  }
0x15: {  	s25 =	sshrl.u32 s16, $0x3;
	s26 =	sshrl.u32 s17, $0x3;
	s18 =	sshrl.u32 s18, $0x3  }
0x16: {  	s21 =	simm.s32 $0x9C400;
	s24 =	simm.s32 $0x14880;
	[dreg:$0xa] =	wrdreg s25  }
0x17: {  	s4 =	sadd.s32 $0x5BE00, s4;
	[dreg:$0xb] =	wrdreg s26;
	s25 =	simm.s32 $0x1C900  }
0x18: {  	s26 =	simm.s32 $0x18880;
	[dreg:$0x8] =	wrdreg s4;
	s4 =	simm.s32 $0x0  }
.LBB2_1:
0x19: {  	[spmem:s14], [sflag:s8] =	dma.local [hbm:s7], $0x9E0  }
0x1a: {  	_ =	swait.ge [sflag:s15], $0x9E0  }
0x1b: {  	[sflag:s15] =	ssyncset.done $0x0  }
0x1c: {  	s1 =	rddreg [dreg:$0xa];
	[sflag:s15] =	ssyncadd.s32 $0xFFFFF620  }
0x1d: {  	[spmem:s1], [sflag:s8] =	dma.local [hbm:s7], $0x9E0  }
0x1e: {  	_ =	swait.ge [sflag:s15], $0x9E0  }
0x1f: {  	[sflag:s15] =	ssyncset.done $0x0  }
0x20: {  	s17 =	rddreg [dreg:$0xb];
	[sflag:s15] =	ssyncadd.s32 $0xFFFFF620  }
0x21: {  	[spmem:s17], [sflag:s8] =	dma.local [hbm:s7], $0x9E0  }
0x22: {  	_ =	swait.ge [sflag:s15], $0x9E0  }
0x23: {  	[sflag:s15] =	ssyncset.done $0x0  }
0x24: {  	[sflag:s15] =	ssyncadd.s32 $0xFFFFF620  }
0x25: {  	[spmem:s18], [sflag:s8] =	dma.local [hbm:s7], $0x9E0  }
0x26: {  	_ =	swait.ge [sflag:s15], $0x9E0  }
0x27: {  	[sflag:s15] =	ssyncset.done $0x0  }
0x28: {  	[sflag:s15] =	ssyncadd.s32 $0xFFFFF620  }
0x29: {  	s1 =	rddreg [dreg:$0x1]  }
0x2a: {  	[spmem:s19], [sflag:s8] =	dma.local @!p0 [hbm:s1], $0x1900  }
0x2b: {  	s1 =	simm.s32 @!p0 $0x3  }
0x2c: {  	_ =	swait.ge @!p0 [sflag:s1], $0x1900  }
0x2d: {  	[sflag:s1] =	ssyncset.done @!p0 $0x0  }
0x2e: {  	[sflag:s1] =	ssyncadd.s32 @!p0 $0xFFFFE700  }
0x2f: {  	[bflag:$0x0] =	sbarrier.arrive $0xFFFF  }
0x30: {  	[tilespmem:s22], [sflag:$0x3] =	stream.strided.gather [hbm4b:s13+s20], $0x0, s21, s20, $0x38;
	[tilespmem:$0x1CA80] =	vst v63  }
0x31: {  	_ = 	snop  }
0x32: {  	[tilespmem:s22], [sflag:$0x3] =	stream.linear.gather [hbm4b:s13+s6], $0x180, $0x38;
	[tilespmem:$0x1CA80] =	vst v63  }
0x33: {  	_ =	swait.ge [sflag:s15], $0x180  }
0x34: {  	[sflag:s15] =	ssyncset.done $0x0  }
0x35: {  	[sflag:s15] =	ssyncadd.s32 $0xFFFFFE80  }
0x36: {  	[tilespmem:s24], [sflag:$0x1] =	stream.indirect.gather [hbm4b:s0+s23], $0x80, s22, s23, $0xb8;
	[tilespmem:$0x1CA80] =	vst v63  }
0x37: {  	_ = 	snop  }
0x38: {  	[tilespmem:s26], [sflag:$0x2] =	stream.indirect.gather [spmem:s5], $0x80, s25, s23, $0xb8;
	[tilespmem:$0x1CA80] =	vst v63  }
0x39: {  	_ =	swait.ge [sflag:s28], $0x4000  }
0x3a: {  	[sflag:s28] =	ssyncset.done $0x0  }
0x3b: {  	[sflag:s28] =	ssyncadd.s32 $0xFFFFC000  }
0x3c: {  	[spmem:s3] =	stream.indirect.scatter.add.f32 [tilespmem:s24], [sflag:$0x1], $0x80, s29, s23, $0xb8;
	[tilespmem:$0x1CA80] =	vst v63  }
0x3d: {  	_ =	swait.ge [sflag:s30], $0x4000  }
0x3e: {  	[sflag:s30] =	ssyncset.done $0x0  }
0x3f: {  	p1 =	sne.s32 s9, $0x1;
	[sflag:s30] =	ssyncadd.s32 $0xFFFFC000  }
0x40: {  	[spmem:s3] =	stream.indirect.scatter.add.f32 [tilespmem:s26], [sflag:$0x2], $0x80, s29, s23, $0xb8;
	[tilespmem:$0x1CA80] =	vst v63  }
.Ltmp0:
0x41: {  	_ =	swait.ge [sflag:s28], $0x4000;
	(pc) =	sbr.rel @!p1 .LBB2_3-.Ltmp0, $4  }
0x42: {  	[sflag:s28] =	ssyncset.done $0x0  }
0x43: {  	[sflag:s28] =	ssyncadd.s32 $0xFFFFC000  }
0x44: {  	s11 =	sadd.s32 $0xFFFFFFFF, s9;
	_ =	swait.ge [sflag:s30], $0x4000  }
0x45: {  	s12 =	smov.u32 s13;
	s1 =	simm.s32 $0x0;
	[sflag:s30] =	ssyncset.done $0x0  }
.LBB2_2:
0x46: {  	p1 =	sne.s32 s11, $0x1;
	[sflag:s30] =	ssyncadd.s32 $0xFFFFC000;
	s12 =	sadd.s32 $0x400, s12  }
0x47: {  	[tilespmem:s22], [sflag:$0x3] =	stream.strided.gather [hbm4b:s12+s20], $0x0, s21, s20, $0x38;
	[tilespmem:$0x1CA80] =	vst v63  }
0x48: {  	s1 =	simm.s32 $0x0;
	s11 =	sadd.s32 $0xFFFFFFFF, s11  }
0x49: {  	[tilespmem:s22], [sflag:$0x3] =	stream.linear.gather [hbm4b:s12+s1], $0x180, $0x38;
	[tilespmem:$0x1CA80] =	vst v63  }
0x4a: {  	_ =	swait.ge [sflag:s15], $0x180  }
0x4b: {  	[sflag:s15] =	ssyncset.done $0x0  }
0x4c: {  	[sflag:s15] =	ssyncadd.s32 $0xFFFFFE80  }
0x4d: {  	[tilespmem:s24], [sflag:$0x1] =	stream.indirect.gather [hbm4b:s0+s23], $0x80, s22, s23, $0xb8;
	[tilespmem:$0x1CA80] =	vst v63  }
0x4e: {  	_ = 	snop  }
0x4f: {  	[tilespmem:s26], [sflag:$0x2] =	stream.indirect.gather [spmem:s5], $0x80, s25, s23, $0xb8;
	[tilespmem:$0x1CA80] =	vst v63  }
0x50: {  	_ =	swait.ge [sflag:s28], $0x4000  }
0x51: {  	[sflag:s28] =	ssyncset.done $0x0  }
0x52: {  	[sflag:s28] =	ssyncadd.s32 $0xFFFFC000  }
0x53: {  	[spmem:s3] =	stream.indirect.scatter.add.f32 [tilespmem:s24], [sflag:$0x1], $0x80, s29, s23, $0xb8;
	[tilespmem:$0x1CA80] =	vst v63  }
0x54: {  	_ =	swait.ge [sflag:s30], $0x4000  }
0x55: {  	[sflag:s30] =	ssyncset.done $0x0  }
0x56: {  	[sflag:s30] =	ssyncadd.s32 $0xFFFFC000  }
0x57: {  	[spmem:s3] =	stream.indirect.scatter.add.f32 [tilespmem:s26], [sflag:$0x2], $0x80, s29, s23, $0xb8;
	[tilespmem:$0x1CA80] =	vst v63  }
.Ltmp1:
0x58: {  	_ =	swait.ge [sflag:s28], $0x4000;
	(pc) =	sbr.rel @p1 .LBB2_2-.Ltmp1, $4  }
0x59: {  	[sflag:s28] =	ssyncset.done $0x0  }
0x5a: {  	[sflag:s28] =	ssyncadd.s32 $0xFFFFC000  }
0x5b: {  	_ =	swait.ge [sflag:s30], $0x4000  }
0x5c: {  	[sflag:s30] =	ssyncset.done $0x0  }
.LBB2_3:
0x5d: {  	[sflag:s30] =	ssyncadd.s32 $0xFFFFC000  }
.LBB2_4:
0x5e: {  	s11 =	sshll.u32 s1, $0xD  }
0x5f: {  	s11 =	sadd.s32 s11, s10  }
0x60: {  	s11 =	sshrl.u32 s11, $0x3  }
0x61: {  	s11 =	sadd.s32 s2, s11  }
0x62: {  	[tilespmem:s22], [sflag:$0x3] =	stream.strided.gather [hbm4b:s11+s20], $0x0, s31, s20, $0x38;
	[tilespmem:$0x1CA80] =	vst v63  }
0x63: {  	_ = 	snop  }
0x64: {  	[tilespmem:s22], [sflag:$0x3] =	stream.linear.gather [hbm4b:s11+s6], $0x180, $0x38;
	[tilespmem:$0x1CA80] =	vst v63  }
0x65: {  	_ =	swait.ge [sflag:s15], $0x180  }
0x66: {  	[sflag:s15] =	ssyncset.done $0x0  }
0x67: {  	[sflag:s15] =	ssyncadd.s32 $0xFFFFFE80  }
0x68: {  	[tilespmem:s26], [sflag:$0x2] =	stream.indirect.gather [spmem:s5], $0x80, s22, s23, $0xb8;
	[tilespmem:$0x1CA80] =	vst v63  }
0x69: {  	_ = 	snop  }
0x6a: {  	[tilespmem:s24], [sflag:$0x1] =	stream.indirect.gather [hbm4b:s0+s23], $0x80, s25, s23, $0xb8;
	[tilespmem:$0x1CA80] =	vst v63  }
0x6b: {  	_ =	swait.ge [sflag:s30], $0x4000  }
0x6c: {  	[sflag:s30] =	ssyncset.done $0x0  }
0x6d: {  	[sflag:s30] =	ssyncadd.s32 $0xFFFFC000  }
0x6e: {  	_ =	swait.ge [sflag:s28], $0x4000  }
0x6f: {  	[sflag:s28] =	ssyncset.done $0x0  }
0x70: {  	s11 =	simm.s32 $0x148C0;
	[sflag:s28] =	ssyncadd.s32 $0xFFFFC000  }
0x71: {  	s12 =	simm.s32 $0x188C0;
	v1 =	vld [tilespmem:s11+$0x30]  }
0x72: {  	v2 =	vld [tilespmem:s12+$0x30]  }
0x73: {  	v0 =	vld [tilespmem:s12+$0xFFFFFFC0]  }
0x74: {  	v3 =	vld [tilespmem:s11+$0xFFFFFFD0]  }
0x75: {  	v4 =	vld [tilespmem:s12+$0xFFFFFFD0]  }
0x76: {  	v5 =	vld [tilespmem:s11+$0xFFFFFFE0]  }
0x77: {  	v6 =	vld [tilespmem:s12+$0xFFFFFFE0]  }
0x78: {  	v7 =	vld [tilespmem:s11+$0xFFFFFFF0]  }
0x79: {  	v8 =	vld [tilespmem:s12+$0xFFFFFFF0]  }
0x7a: {  	v9 =	vld [tilespmem:s11+$0x0];
	v1 =	vmul.f32 v2, v1  }
0x7b: {  	v10 =	vld [tilespmem:s12+$0x0];
	v2 =	vmul.f32 v4, v3  }
0x7c: {  	v5 =	vmul.f32 v6, v5;
	v3 =	vld [tilespmem:s12+$0x10];
	v4 =	vmul.f32 $2.500000000e-01, v1  }
0x7d: {  	v1 =	vld [tilespmem:s11+$0x10];
	v6 =	vmul.f32 $2.500000000e-01, v2  }
0x7e: {  	v7 =	vmul.f32 v8, v7;
	v11 =	vmul.f32 $2.500000000e-01, v5;
	v2 =	vld [tilespmem:s11+$0x20];
	[tilespmem:s11+$0x30] =	vst v4  }
0x7f: {  	v5 =	vld [tilespmem:s12+$0x20];
	[tilespmem:s11+$0xFFFFFFD0] =	vst v6  }
0x80: {  	s16 =	simm.s32 $0x0;
	s17 =	simm.s32 $0x14940;
	v4 =	vld [tilespmem:s11+$0xFFFFFFC0];
	[tilespmem:s11+$0xFFFFFFE0] =	vst v11;
	v6 =	vmul.f32 $2.500000000e-01, v7;
	v7 =	vmul.f32 v10, v9  }
.LBB2_5:
0x81: {  	v8 =	vld [tilespmem:s17+$0x30];
	s12 =	sadd.s32 $0x80, s12  }
0x82: {  	s16 =	sadd.s32 $0x80, s16;
	v9 =	vld [tilespmem:s12+$0x30];
	[tilespmem:s11+$0xFFFFFFF0] =	vst v6;
	v6 =	vmul.f32 $2.500000000e-01, v7;
	v1 =	vmul.f32 v3, v1  }
0x83: {  	p1 =	slt.u32 s16, $0x3F80;
	v3 =	vld [tilespmem:s12+$0xFFFFFFC0]  }
0x84: {  	v7 =	vld [tilespmem:s17+$0xFFFFFFD0];
	[tilespmem:s11+$0x0] =	vst v6;
	v1 =	vmul.f32 $2.500000000e-01, v1;
	v2 =	vmul.f32 v5, v2  }
0x85: {  	v5 =	vld [tilespmem:s12+$0xFFFFFFD0];
	v10 =	vmul.f32 v0, v4  }
0x86: {  	v4 =	vld [tilespmem:s17+$0xFFFFFFE0];
	[tilespmem:s11+$0x10] =	vst v1;
	v1 =	vmul.f32 $2.500000000e-01, v2  }
0x87: {  	v2 =	vld [tilespmem:s12+$0xFFFFFFE0];
	v6 =	vmul.f32 v9, v8;
	v8 =	vmul.f32 $2.500000000e-01, v10  }
0x88: {  	v9 =	vld [tilespmem:s17+$0xFFFFFFF0];
	[tilespmem:s11+$0x20] =	vst v1;
	v0 =	vmov v3  }
0x89: {  	v10 =	vld [tilespmem:s12+$0xFFFFFFF0];
	v1 =	vmul.f32 $2.500000000e-01, v6;
	[tilespmem:s11+$0xFFFFFFC0] =	vst v8;
	s11 =	smov.u32 s17  }
0x8a: {  	v3 =	vmul.f32 v5, v7;
	v7 =	vld [tilespmem:s17+$0x0]  }
0x8b: {  	v8 =	vld [tilespmem:s12+$0x0];
	[tilespmem:s17+$0x30] =	vst v1  }
.Ltmp2:
0x8c: {  	v5 =	vmul.f32 $2.500000000e-01, v3;
	v2 =	vmul.f32 v2, v4;
	v1 =	vld [tilespmem:s17+$0x10];
	(pc) =	sbr.rel @p1 .LBB2_5-.Ltmp2, $4  }
0x8d: {  	v3 =	vld [tilespmem:s12+$0x10]  }
0x8e: {  	[tilespmem:s17+$0xFFFFFFD0] =	vst v5;
	v6 =	vmul.f32 $2.500000000e-01, v2;
	v9 =	vmul.f32 v10, v9;
	v2 =	vld [tilespmem:s17+$0x20]  }
0x8f: {  	v5 =	vld [tilespmem:s12+$0x20]  }
0x90: {  	s17 =	sadd.s32 $0x80, s17;
	v4 =	vld [tilespmem:s11+$0xFFFFFFC0];
	[tilespmem:s11+$0xFFFFFFE0] =	vst v6;
	v6 =	vmul.f32 $2.500000000e-01, v9;
	v7 =	vmul.f32 v8, v7  }
0x91: {  	_ =	sdelay $0x1  }
0x92: {  	v1 =	vmul.f32 v3, v1  }
0x93: {  	v63 =	vmul.f32 $2.500000000e-01, v7;
	v2 =	vmul.f32 v5, v2  }
0x94: {  	[tilespmem:s11+$0xFFFFFFF0] =	vst v6;
	v1 =	vmul.f32 $2.500000000e-01, v1;
	v0 =	vmul.f32 v0, v4  }
0x95: {  	[tilespmem:s11+$0x0] =	vst v63;
	v2 =	vmul.f32 $2.500000000e-01, v2  }
0x96: {  	s1 =	sadd.s32 $0x1, s1;
	[tilespmem:s11+$0x10] =	vst v1;
	v0 =	vmul.f32 $2.500000000e-01, v0  }
0x97: {  	p1 =	sne.s32 s1, $0x14;
	[tilespmem:s11+$0x20] =	vst v2  }
.Ltmp3:
0x98: {  	[tilespmem:s11+$0xFFFFFFC0] =	vst v0;
	(pc) =	sbr.rel @p1 .LBB2_4-.Ltmp3, $4  }
0x99: {  	[spmem:s3] =	stream.indirect.scatter.add.f32 [tilespmem:s24], [sflag:$0x3], $0x80, s29, s23, $0xb8;
	[tilespmem:$0x1CA80] =	vst v63  }
0x9a: {  	_ =	swait.ge [sflag:s15], $0x4000  }
0x9b: {  	[sflag:s15] =	ssyncset.done $0x0  }
0x9c: {  	[sflag:s15] =	ssyncadd.s32 $0xFFFFC000  }
0x9d: {  	[bflag:$0x0] =	sbarrier.arrive $0xFFFF  }
0x9e: {  	s1 =	rddreg [dreg:$0x8]  }
0x9f: {  	[hbm:s1], [sflag:s8] =	dma.local [spmem:s14], $0x2780  }
0xa0: {  	_ =	swait.ge [sflag:s15], $0x2780  }
0xa1: {  	s4 =	sadd.s32 $0x1, s4;
	s17 =	rddreg [dreg:$0x9]  }
0xa2: {  	p1 =	sne.s32 s4, s17  }
.Ltmp4:
0xa3: {  	_ = 	snop;
	(pc) =	sbr.rel @p1 .LBB2_1-.Ltmp4, $3  }
0xa4: {  	_ =	sdelay $0x1  }
0xa5: {  	[sflag:s15] =	ssyncset.done $0x0  }
0xa6: {  	[sflag:s15] =	ssyncadd.s32 $0xFFFFD880  }
0xa7: {  	_ =	sfence.sel $0x180000  }
0xa8: {  	[bflag:$0x0] =	sbarrier.arrive $0xFFFF  }
0xa9: {  	_ =	strace $0x9000004D  }
0xaa: {  	[bflag:$0x2] =	sbarrier.arrive $0xFFFF  }
0xab: {  	s0 =	rddreg [dreg:$0x7]  }
0xac: {  	s0 =	sadd.s32 @!p0 $0x100000, s0  }
0xad: {  	[sflag:s0] =	ssyncadd.tile.s32 @!p0 $0x1;
	_ =	shalt  }
.Lfunc_end2:
_tile_overlayer_lowered:
.L_overlay_start_2:
0xae: {  	(tag) =	ssettag $0x2  }
0xaf: {  	s0 =	rddreg [dreg:$0x0];
	s2 =	stileid.u32  }
0xb0: {  	s1 =	rddreg [dreg:$0x1];
	p0 =	sne.s32 s2, $0x0  }
0xb1: {  	s3 =	rddreg [dreg:$0x2];
	[bflag:$0x3] =	sbarrier.arrive $0xFFFF;
	s2 =	simm.s32 @!p0 $0x1C03  }
0xb2: {  	[timem:s3], [sflag:s2] =	dma.local @!p0 [hbm:s0], s1  }
0xb3: {  	s0 =	simm.s32 @!p0 $0x3  }
0xb4: {  	_ =	swait.ge @!p0 [sflag:s0], s1  }
0xb5: {  	s1 =	ssub.s32 @!p0 $0x0, s1;
	[sflag:s0] =	ssyncset.done @!p0 $0x0  }
0xb6: {  	[sflag:s0] =	ssyncadd.s32 @!p0 s1  }
0xb7: {  	[bflag:$0x3] =	sbarrier.arrive $0xFFFF  }
0xb8: {  	_ =	shalt  }

// kernel: kernel.15.cloned.1.call-start
scs
__scs_entry_jumppad:
0x0: {  	(pc) =	sbr.rel $0x88, $3  }
0x1: {  	(tag) =	ssettag $0x0;
	lr =	simm.s32 $0x1  }
0x2: {  	[smem:$0x3F8D] =	sst lr;
	_ =	strace $0xD0000000  }
0x3: {  	_ = 	snop  }
0x4: {  	_ = 	snop  }
0x5: {  	_ = 	snop  }
0x6: {  	_ = 	snop  }
0x7: {  	_ = 	snop  }
__scs_overlays_trampoline_lowered:
0x8: {  	[smem:$0x3F9C] =	sst s0  }
0x9: {  	[smem:$0x3F9D] =	sst s1  }
0xa: {  	[smem:$0x3F9E] =	sst s2  }
0xb: {  	[smem:$0x3F9F] =	sst s3  }
0xc: {  	[smem:$0x3FA0] =	sst s4  }
0xd: {  	[smem:$0x3FA1] =	sst s5  }
0xe: {  	[smem:$0x3FA2] =	sst s6  }
0xf: {  	[smem:$0x3FA3] =	sst s7  }
0x10: {  	[smem:$0x3FA4] =	sst s8  }
0x11: {  	[smem:$0x3FA5] =	sst s9;
	s0 =	simm.s32 @!p0 $0x0  }
0x12: {  	s1 =	sld [smem:$0x3F8B];
	s0 =	simm.s32 @p0 $0x1  }
0x13: {  	[smem:$0x3FA6] =	sst s0;
	s0 =	simm.s32 @!p1 $0x0  }
0x14: {  	s2 =	sld [smem:$0x3F8A];
	s0 =	simm.s32 @p1 $0x1  }
0x15: {  	[smem:$0x3FA7] =	sst s0;
	s0 =	simm.s32 @!p2 $0x0  }
0x16: {  	s3 =	sld [smem:$0x3FDB];
	s0 =	simm.s32 @p2 $0x1  }
0x17: {  	s4 =	simm.s32 $0x1BF5;
	[smem:$0x3FA9] =	sst s0  }
0x18: {  	s0 =	sld [smem:$0x3F8C];
	_ =	swait.ge [sflag:s4], $0x0  }
0x19: {  	s7 =	sld [smem:$0x3F8D]  }
0x1a: {  	s8 =	sadd.s32 $0xFFFFE003, lr  }
0x1b: {  	s9 =	sadd.s32 $0xFFFFFEF7, lr;
	s5 =	simm.s32 $0xFFFFFFFF;
	p2 =	slt.u32 s8, $0xFFFFF086  }
0x1c: {  	p1 =	slt.u32 s9, $0xF7A;
	s5 =	simm.s32 @!p2 $0x0  }
0x1d: {  	s5 =	simm.s32 @p1 $0x1;
	p0 =	seq.s32 s7, s2  }
0x1e: {  	s7 =	smul.u32 @!p0 $0xF7A, s2;
	p2 =	seq.s32 @!p0 s5, $0x0  }
0x1f: {  	s9 =	smul.u32 $0xF7A, s1;
	s8 =	simm.s32 @!p0 $0x1BF5;
	p2 =	por !p2, p0  }
0x20: {  	[sflag:s8] =	ssyncset.s32 @!p0 $0xFFFFF086;
	s6 =	sadd.s32 @!p0 s3, s7;
	s7 =	simm.s32 @!p0 $0x108  }
0x21: {  	s3 =	sadd.s32 s3, s9;
	s6 =	sadd.s32 @!p0 $0x88, s6;
	s7 =	simm.s32 @p2 $0x1082  }
0x22: {  	[simem:s7], [sflag:s8] =	dma.local @!p0 [hbm:s6], $0xF7A  }
0x23: {  	s9 =	sor.u32 $0xD0000000, s2;
	s6 =	simm.s32 $0x108;
	_ =	swait.ge @!p0 [sflag:s8], $0x0  }
0x24: {  	s3 =	sadd.s32 $0x88, s3;
	s6 =	simm.s32 @!p1 $0x1082;
	[sflag:s4] =	ssyncset.s32 $0xFFFFF086  }
0x25: {  	[simem:s6], [sflag:s4] =	dma.local [hbm:s3], $0xF7A  }
0x26: {  	[smem:$0x3F8D] =	sst s1;
	(tag) =	ssettag s2;
	_ =	strace s9  }
0x27: {  	s1 =	sld [smem:$0x3F9D]  }
0x28: {  	s2 =	sld [smem:$0x3F9E]  }
0x29: {  	s4 =	sld [smem:$0x3FA0]  }
0x2a: {  	p0 =	seq.s32 s5, $0x0;
	s5 =	sld [smem:$0x3FA1]  }
0x2b: {  	s6 =	sld [smem:$0x3FA2]  }
0x2c: {  	s7 =	sld [smem:$0x3FA3]  }
0x2d: {  	s3 =	simm.s32 $0x108;
	s8 =	sld [smem:$0x3FA4]  }
0x2e: {  	s3 =	simm.s32 @!p0 $0x1082;
	s9 =	sld [smem:$0x3FA5]  }
0x2f: {  	lr =	sadd.s32 s0, s3;
	s0 =	sld [smem:$0x3F9C]  }
0x30: {  	s3 =	sld [smem:$0x3F9F]  }
0x31: {  	[smem:$0x3FA8] =	sst s10  }
0x32: {  	s10 =	sld [smem:$0x3FA6];
	_ =	sdelay $0x3  }
0x33: {  	p0 =	seq.s32 s10, $0x1;
	s10 =	sld [smem:$0x3FA8];
	_ =	sdelay $0x3  }
0x34: {  	[smem:$0x3FA8] =	sst s10  }
0x35: {  	s10 =	sld [smem:$0x3FA7];
	_ =	sdelay $0x3  }
0x36: {  	p1 =	seq.s32 s10, $0x1;
	s10 =	sld [smem:$0x3FA8];
	_ =	sdelay $0x3  }
0x37: {  	[smem:$0x3FA8] =	sst s10  }
0x38: {  	s10 =	sld [smem:$0x3FA9]  }
0x39: {  	_ = 	snop;
	(pc) =	sbr.ind lr, $3  }
0x3a: {  	_ = 	snop  }
0x3b: {  	_ = 	snop  }
0x3c: {  	p2 =	seq.s32 s10, $0x1;
	s10 =	sld [smem:$0x3FA8]  }
0x3d: {  	_ =	shalt  }
0x3e: {  	_ =	shalt  }
0x3f: {  	_ =	shalt  }
0x40: {  	_ =	shalt  }
0x41: {  	_ =	shalt  }
0x42: {  	_ =	shalt  }
0x43: {  	_ =	shalt  }
0x44: {  	_ =	shalt  }
0x45: {  	_ =	shalt  }
0x46: {  	_ =	shalt  }
0x47: {  	_ =	shalt  }
0x48: {  	_ =	shalt  }
0x49: {  	_ =	shalt  }
0x4a: {  	_ =	shalt  }
0x4b: {  	_ =	shalt  }
0x4c: {  	_ =	shalt  }
0x4d: {  	_ =	shalt  }
0x4e: {  	_ =	shalt  }
0x4f: {  	_ =	shalt  }
0x50: {  	_ =	shalt  }
0x51: {  	_ =	shalt  }
0x52: {  	_ =	shalt  }
0x53: {  	_ =	shalt  }
0x54: {  	_ =	shalt  }
0x55: {  	_ =	shalt  }
0x56: {  	_ =	shalt  }
0x57: {  	_ =	shalt  }
0x58: {  	_ =	shalt  }
0x59: {  	_ =	shalt  }
0x5a: {  	_ =	shalt  }
0x5b: {  	_ =	shalt  }
0x5c: {  	_ =	shalt  }
0x5d: {  	_ =	shalt  }
0x5e: {  	_ =	shalt  }
0x5f: {  	_ =	shalt  }
0x60: {  	_ =	shalt  }
0x61: {  	_ =	shalt  }
0x62: {  	_ =	shalt  }
0x63: {  	_ =	shalt  }
0x64: {  	_ =	shalt  }
0x65: {  	_ =	shalt  }
0x66: {  	_ =	shalt  }
0x67: {  	_ =	shalt  }
0x68: {  	_ =	shalt  }
0x69: {  	_ =	shalt  }
0x6a: {  	_ =	shalt  }
0x6b: {  	_ =	shalt  }
0x6c: {  	_ =	shalt  }
0x6d: {  	_ =	shalt  }
0x6e: {  	_ =	shalt  }
0x6f: {  	_ =	shalt  }
0x70: {  	_ =	shalt  }
0x71: {  	_ =	shalt  }
0x72: {  	_ =	shalt  }
0x73: {  	_ =	shalt  }
0x74: {  	_ =	shalt  }
0x75: {  	_ =	shalt  }
0x76: {  	_ =	shalt  }
0x77: {  	_ =	shalt  }
0x78: {  	_ =	shalt  }
0x79: {  	_ =	shalt  }
0x7a: {  	_ =	shalt  }
0x7b: {  	_ =	shalt  }
0x7c: {  	_ =	shalt  }
0x7d: {  	_ =	shalt  }
0x7e: {  	_ =	shalt  }
0x7f: {  	_ =	shalt  }
0x80: {  	_ =	shalt  }
0x81: {  	_ =	shalt  }
0x82: {  	_ =	shalt  }
0x83: {  	_ =	shalt  }
0x84: {  	_ =	shalt  }
0x85: {  	_ =	shalt  }
0x86: {  	_ =	shalt  }
0x87: {  	_ =	shalt  }
.Lfunc_end0:
.L_simem_size_0:
called_computation.3_lowered:
.L_overlay_start_0:
0x88: {  	s2 =	sld [smem:$0x3FD9]  }
0x89: {  	s3 =	sld [smem:$0x3FFE];
	_ =	sdelay $0x1  }
0x8a: {  	s1 =	srdreg.scid  }
0x8b: {  	s0 =	sand.u32 $0x1, s1  }
0x8c: {  	s14 =	sshll.u32 s0, $0xA;
	s2 =	sadd.s32 s3, s2  }
0x8d: {  	s2 =	sadd.s32 s2, s14  }
0x8e: {  	[smem:$0x3FB4] =	sst s2  }
0x8f: {  	_ = 	snop  }
0x90: {  	s2 =	sld [smem:$0x3FD0];
	_ =	sdelay $0x2  }
0x91: {  	s15 =	simm.s32 $0xB;
	s4 =	simm.s32 $0x10  }
0x92: {  	[smem:s4], [sflag:s15] =	dma.local [hbm:s2], $0x1  }
0x93: {  	_ =	swait.eq [sflag:s15], $0x1  }
0x94: {  	s16 =	sld [smem:$0x10]  }
0x95: {  	s17 =	sld [smem:$0x12];
	[sflag:s15] =	ssyncset.done $0x0  }
0x96: {  	s5 =	sld [smem:$0x13];
	[sflag:s15] =	ssyncadd.s32 $0xFFFFFFFF  }
0x97: {  	s18 =	sld [smem:$0x14];
	(tm) =	ssettm $0x1  }
0x98: {  	s6 =	sld [smem:$0x3FFB];
	_ =	sdelay $0x3  }
0x99: {  	_ =	strace s6  }
0x9a: {  	s6 =	sld [smem:$0x3FFC];
	_ =	sdelay $0x3  }
0x9b: {  	_ =	strace s6  }
0x9c: {  	s6 =	sld [smem:$0x3FFD];
	_ =	sdelay $0x3  }
0x9d: {  	_ =	strace s6  }
0x9e: {  	_ =	strace $0x8FFFFFFF  }
0x9f: {  	s19 =	sld [smem:$0x3FDB];
	_ =	sdelay $0x1  }
0xa0: {  	s7 =	simm.s32 $_scs_section_size  }
0xa1: {  	s8 =	simm.s32 $_size__tile_overlayer_lowered;
	s9 =	simm.s32 $_tile_overlayer_lowered  }
0xa2: {  	s22 =	simm.s32 $0x1BFF;
	s21 =	sshll.u32 s9, $0x1;
	s6 =	sadd.s32 s7, s19  }
0xa3: {  	s10 =	simm.s32 $0x0;
	s20 =	sshll.u32 s8, $0x1;
	s8 =	sadd.s32 s21, s6  }
0xa4: {  	[timem:s10], [sflag:s22] =	dma.local [hbm:s8], s20  }
0xa5: {  	_ =	swait.ge [sflag:s22], s20  }
0xa6: {  	s7 =	ssub.s32 $0x0, s20;
	[sflag:s22] =	ssyncset.done $0x0  }
0xa7: {  	[sflag:s22] =	ssyncadd.s32 s7;
	_ =	sdelay $0x1  }
0xa8: {  	s23 =	simm.s32 $0x1B8B  }
0xa9: {  	_ =	swait.ge [sflag:s23], $0x1  }
0xaa: {  	[sflag:s23] =	ssyncset.done $0x0  }
0xab: {  	s25 =	simm.s32 $0x1B8E;
	s24 =	sld [smem:$0x3FFE];
	[sflag:s23] =	ssyncadd.s32 $0xFFFFFFFF  }
0xac: {  	s26 =	simm.s32 $execute0_lowered;
	[smem:$0x3FD2] =	sst s25  }
0xad: {  	s8 =	sshll.u32 s26, $0x1;
	_ =	strace $0x8000004F;
	[dreg:$0x1] =	wrdreg $0xFFFFFFFF  }
0xae: {  	s28 =	simm.s32 $_size_execute0_lowered;
	s6 =	sadd.s32 s6, s8;
	[dreg:$0x0] =	wrdreg $0x0  }
0xaf: {  	s8 =	sshll.u32 s28, $0x1;
	[dreg:$0x2] =	wrdreg s6  }
0xb0: {  	[dreg:$0x3] =	wrdreg s8  }
0xb1: {  	[dreg:$0x4] =	wrdreg $0xC0  }
0xb2: {  	_ =	task [dreg:s10], $0x5FFFF  }
0xb3: {  	[dreg:$0x1] =	wrdreg $0xFFFFFFFF  }
0xb4: {  	[dreg:$0x0] =	wrdreg $0x60  }
0xb5: {  	[dreg:$0x2] =	wrdreg s18  }
0xb6: {  	[dreg:$0x3] =	wrdreg s16  }
0xb7: {  	[dreg:$0x4] =	wrdreg s5  }
0xb8: {  	[dreg:$0x5] =	wrdreg s17  }
0xb9: {  	[dreg:$0x6] =	wrdreg s24  }
0xba: {  	[dreg:$0x7] =	wrdreg $0x0  }
0xbb: {  	[dreg:$0x8] =	wrdreg $0x13C000  }
0xbc: {  	[dreg:$0x9] =	wrdreg $0x9  }
0xbd: {  	_ =	task.clear_ibuf [dreg:s10], $0xAFFFF;
	_ =	strace $0x9000004F  }
0xbe: {  	s29 =	simm.s32 $0x9;
	_ =	strace $0x80000051  }
0xbf: {  	_ =	swait.ge [sflag:s29], $0x1  }
0xc0: {  	[sflag:s29] =	ssyncadd.s32 $0xFFFFFFFF  }
0xc1: {  	_ =	strace $0x90000051  }
0xc2: {  	_ =	sfence  }
0xc3: {  	s30 =	sld [smem:$0x0];
	_ =	sdelay $0x2  }
0xc4: {  	s31 =	sshll.u32 s1, $0xD;
	s1 =	sshrl.u32 s1, $0x2  }
0xc5: {  	s3 =	sand.u32 $0x4000, s31;
	s1 =	sadd.s32 s1, s30  }
0xc6: {  	s0 =	sor.u32 s3, s0;
	s1 =	sshll.u32 s1, $0x11  }
0xc7: {  	s0 =	sor.u32 s1, s0  }
0xc8: {  	s0 =	sadd.s32 $0x8F2B, s0  }
0xc9: {  	[sflag:s0] =	ssyncadd.remote.s32 $0x1  }
0xca: {  	_ =	sfence.sel $0xFFFF  }
0xcb: {  	[dreg:$0x0] =	wrdreg $0xFFFFFFFF;
	(pc) =	sbr.abs _section_cstart, $3  }
0xcc: {  	[dreg:$0x1] =	wrdreg $0xFFFFFFFF  }
0xcd: {  	_ =	task.clear_ibuf [dreg:s10], $0x2FFFF;
	_ =	strace $0x9FFFFFFF  }
0xce: {  	(tm) =	ssettm $0x7FFFFFFF  }
0xcf: {  	_ =	shalt  }
tec
execute0_lowered:
.L_overlay_start_1:
0x0: {  	(tag) =	ssettag $0x1  }
0x1: {  	s0 =	rddreg [dreg:$0x0]  }
0x2: {  	s1 =	rddreg [dreg:$0x2]  }
0x3: {  	s2 =	rddreg [dreg:$0x3]  }
0x4: {  	s4 =	rddreg [dreg:$0x4];
	s5 =	srdreg.scid  }
0x5: {  	s3 =	rddreg [dreg:$0x5];
	s11 =	stileid.u32  }
0x6: {  	s6 =	simm.s32 $0x0;
	s28 =	simm.s32 $0x1;
	s29 =	simm.s32 $0x1C980  }
0x7: {  	s30 =	simm.s32 $0x2;
	s9 =	sand.u32 $0x1, s5;
	s5 =	rddreg [dreg:$0x6]  }
0x8: {  	s31 =	simm.s32 $0x28000;
	s8 =	smul.u32 $0x13C00, s11;
	[smem:$0x7FF] =	sst s6  }
0x9: {  	s10 =	smul.u32 $0x4F000, s11;
	s21 =	sshll.u32 s11, $0x6;
	s13 =	ssub.s32 $0x280, s11  }
0xa: {  	s15 =	sshll.u32 s11, $0x7;
	s23 =	sshll.u32 s11, $0x9;
	s7 =	smul.u32 $0x13C000, s9  }
0xb: {  	p0 =	sne.s32 s11, $0x0;
	_ =	strace $0x80000050;
	s22 =	smul.u32 $0x13880, s9  }
0xc: {  	s20 =	ssub.s32 $0x2, s9;
	s19 =	smul.u32 $0x28000, s9;
	s9 =	sshrl.u32 s13, $0x4  }
0xd: {  	s10 =	sshrl.u32 s10, $0x2;
	s12 =	sshrl.u32 s20, $0x1;
	s8 =	sadd.s32 s8, s7  }
0xe: {  	s7 =	sadd.s32 $0xBC00, s4;
	s14 =	sadd.s32 s10, s3;
	s12 =	ssub.s32 s20, s12  }
0xf: {  	s15 =	sadd.s32 s15, s22;
	s10 =	sor.u32 s23, s19;
	s19 =	sshrl.u32 @!p0 s5, $0x3  }
0x10: {  	s20 =	simm.s32 $0x200;
	s22 =	simm.s32 $0x1C880;
	s23 =	simm.s32 $0x80  }
0x11: {  	s8 =	sshrl.u32 s8, $0x3;
	s16 =	sadd.s32 $0x4F00, s14;
	s17 =	sadd.s32 $0x9E00, s14  }
0x12: {  	s18 =	sadd.s32 $0xED00, s14;
	s24 =	sshrl.u32 s15, $0x1;
	s12 =	smax.u32 s12, $0x1  }
0x13: {  	s14 =	sshrl.u32 s14, $0x3;
	s15 =	simm.s32 $0x3;
	s4 =	sadd.s32 s8, s4  }
0x14: {  	s8 =	sor.u32 $0x1C03, s21;
	[dreg:$0x9] =	wrdreg s12;
	s13 =	sadd.s32 s24, s1  }
0x15: {  	s25 =	sshrl.u32 s16, $0x3;
	s26 =	sshrl.u32 s17, $0x3;
	s18 =	sshrl.u32 s18, $0x3  }
0x16: {  	s21 =	simm.s32 $0x9C400;
	s24 =	simm.s32 $0x14880;
	[dreg:$0xa] =	wrdreg s25  }
0x17: {  	s4 =	sadd.s32 $0x5BE00, s4;
	[dreg:$0xb] =	wrdreg s26;
	s25 =	simm.s32 $0x1C900  }
0x18: {  	s26 =	simm.s32 $0x18880;
	[dreg:$0x8] =	wrdreg s4;
	s4 =	simm.s32 $0x0  }
.LBB2_1:
0x19: {  	[spmem:s14], [sflag:s8] =	dma.local [hbm:s7], $0x9E0  }
0x1a: {  	_ =	swait.ge [sflag:s15], $0x9E0  }
0x1b: {  	[sflag:s15] =	ssyncset.done $0x0  }
0x1c: {  	s1 =	rddreg [dreg:$0xa];
	[sflag:s15] =	ssyncadd.s32 $0xFFFFF620  }
0x1d: {  	[spmem:s1], [sflag:s8] =	dma.local [hbm:s7], $0x9E0  }
0x1e: {  	_ =	swait.ge [sflag:s15], $0x9E0  }
0x1f: {  	[sflag:s15] =	ssyncset.done $0x0  }
0x20: {  	s17 =	rddreg [dreg:$0xb];
	[sflag:s15] =	ssyncadd.s32 $0xFFFFF620  }
0x21: {  	[spmem:s17], [sflag:s8] =	dma.local [hbm:s7], $0x9E0  }
0x22: {  	_ =	swait.ge [sflag:s15], $0x9E0  }
0x23: {  	[sflag:s15] =	ssyncset.done $0x0  }
0x24: {  	[sflag:s15] =	ssyncadd.s32 $0xFFFFF620  }
0x25: {  	[spmem:s18], [sflag:s8] =	dma.local [hbm:s7], $0x9E0  }
0x26: {  	_ =	swait.ge [sflag:s15], $0x9E0  }
0x27: {  	[sflag:s15] =	ssyncset.done $0x0  }
0x28: {  	[sflag:s15] =	ssyncadd.s32 $0xFFFFF620  }
0x29: {  	s1 =	rddreg [dreg:$0x1]  }
0x2a: {  	[spmem:s19], [sflag:s8] =	dma.local @!p0 [hbm:s1], $0x1900  }
0x2b: {  	s1 =	simm.s32 @!p0 $0x3  }
0x2c: {  	_ =	swait.ge @!p0 [sflag:s1], $0x1900  }
0x2d: {  	[sflag:s1] =	ssyncset.done @!p0 $0x0  }
0x2e: {  	[sflag:s1] =	ssyncadd.s32 @!p0 $0xFFFFE700  }
0x2f: {  	[bflag:$0x0] =	sbarrier.arrive $0xFFFF  }
0x30: {  	[tilespmem:s22], [sflag:$0x3] =	stream.strided.gather [hbm4b:s13+s20], $0x0, s21, s20, $0x38;
	[tilespmem:$0x1CA80] =	vst v63  }
0x31: {  	_ = 	snop  }
0x32: {  	[tilespmem:s22], [sflag:$0x3] =	stream.linear.gather [hbm4b:s13+s6], $0x180, $0x38;
	[tilespmem:$0x1CA80] =	vst v63  }
0x33: {  	_ =	swait.ge [sflag:s15], $0x180  }
0x34: {  	[sflag:s15] =	ssyncset.done $0x0  }
0x35: {  	[sflag:s15] =	ssyncadd.s32 $0xFFFFFE80  }
0x36: {  	[tilespmem:s24], [sflag:$0x1] =	stream.indirect.gather [hbm4b:s0+s23], $0x80, s22, s23, $0xb8;
	[tilespmem:$0x1CA80] =	vst v63  }
0x37: {  	_ = 	snop  }
0x38: {  	[tilespmem:s26], [sflag:$0x2] =	stream.indirect.gather [spmem:s5], $0x80, s25, s23, $0xb8;
	[tilespmem:$0x1CA80] =	vst v63  }
0x39: {  	_ =	swait.ge [sflag:s28], $0x4000  }
0x3a: {  	[sflag:s28] =	ssyncset.done $0x0  }
0x3b: {  	[sflag:s28] =	ssyncadd.s32 $0xFFFFC000  }
0x3c: {  	[spmem:s3] =	stream.indirect.scatter.add.f32 [tilespmem:s24], [sflag:$0x1], $0x80, s29, s23, $0xb8;
	[tilespmem:$0x1CA80] =	vst v63  }
0x3d: {  	_ =	swait.ge [sflag:s30], $0x4000  }
0x3e: {  	[sflag:s30] =	ssyncset.done $0x0  }
0x3f: {  	p1 =	sne.s32 s9, $0x1;
	[sflag:s30] =	ssyncadd.s32 $0xFFFFC000  }
0x40: {  	[spmem:s3] =	stream.indirect.scatter.add.f32 [tilespmem:s26], [sflag:$0x2], $0x80, s29, s23, $0xb8;
	[tilespmem:$0x1CA80] =	vst v63  }
.Ltmp0:
0x41: {  	_ =	swait.ge [sflag:s28], $0x4000;
	(pc) =	sbr.rel @!p1 .LBB2_3-.Ltmp0, $4  }
0x42: {  	[sflag:s28] =	ssyncset.done $0x0  }
0x43: {  	[sflag:s28] =	ssyncadd.s32 $0xFFFFC000  }
0x44: {  	s11 =	sadd.s32 $0xFFFFFFFF, s9;
	_ =	swait.ge [sflag:s30], $0x4000  }
0x45: {  	s12 =	smov.u32 s13;
	s1 =	simm.s32 $0x0;
	[sflag:s30] =	ssyncset.done $0x0  }
.LBB2_2:
0x46: {  	p1 =	sne.s32 s11, $0x1;
	[sflag:s30] =	ssyncadd.s32 $0xFFFFC000;
	s12 =	sadd.s32 $0x400, s12  }
0x47: {  	[tilespmem:s22], [sflag:$0x3] =	stream.strided.gather [hbm4b:s12+s20], $0x0, s21, s20, $0x38;
	[tilespmem:$0x1CA80] =	vst v63  }
0x48: {  	s1 =	simm.s32 $0x0;
	s11 =	sadd.s32 $0xFFFFFFFF, s11  }
0x49: {  	[tilespmem:s22], [sflag:$0x3] =	stream.linear.gather [hbm4b:s12+s1], $0x180, $0x38;
	[tilespmem:$0x1CA80] =	vst v63  }
0x4a: {  	_ =	swait.ge [sflag:s15], $0x180  }
0x4b: {  	[sflag:s15] =	ssyncset.done $0x0  }
0x4c: {  	[sflag:s15] =	ssyncadd.s32 $0xFFFFFE80  }
0x4d: {  	[tilespmem:s24], [sflag:$0x1] =	stream.indirect.gather [hbm4b:s0+s23], $0x80, s22, s23, $0xb8;
	[tilespmem:$0x1CA80] =	vst v63  }
0x4e: {  	_ = 	snop  }
0x4f: {  	[tilespmem:s26], [sflag:$0x2] =	stream.indirect.gather [spmem:s5], $0x80, s25, s23, $0xb8;
	[tilespmem:$0x1CA80] =	vst v63  }
0x50: {  	_ =	swait.ge [sflag:s28], $0x4000  }
0x51: {  	[sflag:s28] =	ssyncset.done $0x0  }
0x52: {  	[sflag:s28] =	ssyncadd.s32 $0xFFFFC000  }
0x53: {  	[spmem:s3] =	stream.indirect.scatter.add.f32 [tilespmem:s24], [sflag:$0x1], $0x80, s29, s23, $0xb8;
	[tilespmem:$0x1CA80] =	vst v63  }
0x54: {  	_ =	swait.ge [sflag:s30], $0x4000  }
0x55: {  	[sflag:s30] =	ssyncset.done $0x0  }
0x56: {  	[sflag:s30] =	ssyncadd.s32 $0xFFFFC000  }
0x57: {  	[spmem:s3] =	stream.indirect.scatter.add.f32 [tilespmem:s26], [sflag:$0x2], $0x80, s29, s23, $0xb8;
	[tilespmem:$0x1CA80] =	vst v63  }
.Ltmp1:
0x58: {  	_ =	swait.ge [sflag:s28], $0x4000;
	(pc) =	sbr.rel @p1 .LBB2_2-.Ltmp1, $4  }
0x59: {  	[sflag:s28] =	ssyncset.done $0x0  }
0x5a: {  	[sflag:s28] =	ssyncadd.s32 $0xFFFFC000  }
0x5b: {  	_ =	swait.ge [sflag:s30], $0x4000  }
0x5c: {  	[sflag:s30] =	ssyncset.done $0x0  }
.LBB2_3:
0x5d: {  	[sflag:s30] =	ssyncadd.s32 $0xFFFFC000  }
.LBB2_4:
0x5e: {  	s11 =	sshll.u32 s1, $0xD  }
0x5f: {  	s11 =	sadd.s32 s11, s10  }
0x60: {  	s11 =	sshrl.u32 s11, $0x3  }
0x61: {  	s11 =	sadd.s32 s2, s11  }
0x62: {  	[tilespmem:s22], [sflag:$0x3] =	stream.strided.gather [hbm4b:s11+s20], $0x0, s31, s20, $0x38;
	[tilespmem:$0x1CA80] =	vst v63  }
0x63: {  	_ = 	snop  }
0x64: {  	[tilespmem:s22], [sflag:$0x3] =	stream.linear.gather [hbm4b:s11+s6], $0x180, $0x38;
	[tilespmem:$0x1CA80] =	vst v63  }
0x65: {  	_ =	swait.ge [sflag:s15], $0x180  }
0x66: {  	[sflag:s15] =	ssyncset.done $0x0  }
0x67: {  	[sflag:s15] =	ssyncadd.s32 $0xFFFFFE80  }
0x68: {  	[tilespmem:s26], [sflag:$0x2] =	stream.indirect.gather [spmem:s5], $0x80, s22, s23, $0xb8;
	[tilespmem:$0x1CA80] =	vst v63  }
0x69: {  	_ = 	snop  }
0x6a: {  	[tilespmem:s24], [sflag:$0x1] =	stream.indirect.gather [hbm4b:s0+s23], $0x80, s25, s23, $0xb8;
	[tilespmem:$0x1CA80] =	vst v63  }
0x6b: {  	_ =	swait.ge [sflag:s30], $0x4000  }
0x6c: {  	[sflag:s30] =	ssyncset.done $0x0  }
0x6d: {  	[sflag:s30] =	ssyncadd.s32 $0xFFFFC000  }
0x6e: {  	_ =	swait.ge [sflag:s28], $0x4000  }
0x6f: {  	[sflag:s28] =	ssyncset.done $0x0  }
0x70: {  	s11 =	simm.s32 $0x148C0;
	[sflag:s28] =	ssyncadd.s32 $0xFFFFC000  }
0x71: {  	s12 =	simm.s32 $0x188C0;
	v1 =	vld [tilespmem:s11+$0x30]  }
0x72: {  	v2 =	vld [tilespmem:s12+$0x30]  }
0x73: {  	v0 =	vld [tilespmem:s12+$0xFFFFFFC0]  }
0x74: {  	v3 =	vld [tilespmem:s11+$0xFFFFFFD0]  }
0x75: {  	v4 =	vld [tilespmem:s12+$0xFFFFFFD0]  }
0x76: {  	v5 =	vld [tilespmem:s11+$0xFFFFFFE0]  }
0x77: {  	v6 =	vld [tilespmem:s12+$0xFFFFFFE0]  }
0x78: {  	v7 =	vld [tilespmem:s11+$0xFFFFFFF0]  }
0x79: {  	v8 =	vld [tilespmem:s12+$0xFFFFFFF0]  }
0x7a: {  	v9 =	vld [tilespmem:s11+$0x0];
	v1 =	vmul.f32 v2, v1  }
0x7b: {  	v10 =	vld [tilespmem:s12+$0x0];
	v2 =	vmul.f32 v4, v3  }
0x7c: {  	v5 =	vmul.f32 v6, v5;
	v3 =	vld [tilespmem:s12+$0x10];
	v4 =	vmul.f32 $2.500000000e-01, v1  }
0x7d: {  	v1 =	vld [tilespmem:s11+$0x10];
	v6 =	vmul.f32 $2.500000000e-01, v2  }
0x7e: {  	v7 =	vmul.f32 v8, v7;
	v11 =	vmul.f32 $2.500000000e-01, v5;
	v2 =	vld [tilespmem:s11+$0x20];
	[tilespmem:s11+$0x30] =	vst v4  }
0x7f: {  	v5 =	vld [tilespmem:s12+$0x20];
	[tilespmem:s11+$0xFFFFFFD0] =	vst v6  }
0x80: {  	s16 =	simm.s32 $0x0;
	s17 =	simm.s32 $0x14940;
	v4 =	vld [tilespmem:s11+$0xFFFFFFC0];
	[tilespmem:s11+$0xFFFFFFE0] =	vst v11;
	v6 =	vmul.f32 $2.500000000e-01, v7;
	v7 =	vmul.f32 v10, v9  }
.LBB2_5:
0x81: {  	v8 =	vld [tilespmem:s17+$0x30];
	s12 =	sadd.s32 $0x80, s12  }
0x82: {  	s16 =	sadd.s32 $0x80, s16;
	v9 =	vld [tilespmem:s12+$0x30];
	[tilespmem:s11+$0xFFFFFFF0] =	vst v6;
	v6 =	vmul.f32 $2.500000000e-01, v7;
	v1 =	vmul.f32 v3, v1  }
0x83: {  	p1 =	slt.u32 s16, $0x3F80;
	v3 =	vld [tilespmem:s12+$0xFFFFFFC0]  }
0x84: {  	v7 =	vld [tilespmem:s17+$0xFFFFFFD0];
	[tilespmem:s11+$0x0] =	vst v6;
	v1 =	vmul.f32 $2.500000000e-01, v1;
	v2 =	vmul.f32 v5, v2  }
0x85: {  	v5 =	vld [tilespmem:s12+$0xFFFFFFD0];
	v10 =	vmul.f32 v0, v4  }
0x86: {  	v4 =	vld [tilespmem:s17+$0xFFFFFFE0];
	[tilespmem:s11+$0x10] =	vst v1;
	v1 =	vmul.f32 $2.500000000e-01, v2  }
0x87: {  	v2 =	vld [tilespmem:s12+$0xFFFFFFE0];
	v6 =	vmul.f32 v9, v8;
	v8 =	vmul.f32 $2.500000000e-01, v10  }
0x88: {  	v9 =	vld [tilespmem:s17+$0xFFFFFFF0];
	[tilespmem:s11+$0x20] =	vst v1;
	v0 =	vmov v3  }
0x89: {  	v10 =	vld [tilespmem:s12+$0xFFFFFFF0];
	v1 =	vmul.f32 $2.500000000e-01, v6;
	[tilespmem:s11+$0xFFFFFFC0] =	vst v8;
	s11 =	smov.u32 s17  }
0x8a: {  	v3 =	vmul.f32 v5, v7;
	v7 =	vld [tilespmem:s17+$0x0]  }
0x8b: {  	v8 =	vld [tilespmem:s12+$0x0];
	[tilespmem:s17+$0x30] =	vst v1  }
.Ltmp2:
0x8c: {  	v5 =	vmul.f32 $2.500000000e-01, v3;
	v2 =	vmul.f32 v2, v4;
	v1 =	vld [tilespmem:s17+$0x10];
	(pc) =	sbr.rel @p1 .LBB2_5-.Ltmp2, $4  }
0x8d: {  	v3 =	vld [tilespmem:s12+$0x10]  }
0x8e: {  	[tilespmem:s17+$0xFFFFFFD0] =	vst v5;
	v6 =	vmul.f32 $2.500000000e-01, v2;
	v9 =	vmul.f32 v10, v9;
	v2 =	vld [tilespmem:s17+$0x20]  }
0x8f: {  	v5 =	vld [tilespmem:s12+$0x20]  }
0x90: {  	s17 =	sadd.s32 $0x80, s17;
	v4 =	vld [tilespmem:s11+$0xFFFFFFC0];
	[tilespmem:s11+$0xFFFFFFE0] =	vst v6;
	v6 =	vmul.f32 $2.500000000e-01, v9;
	v7 =	vmul.f32 v8, v7  }
0x91: {  	_ =	sdelay $0x1  }
0x92: {  	v1 =	vmul.f32 v3, v1  }
0x93: {  	v63 =	vmul.f32 $2.500000000e-01, v7;
	v2 =	vmul.f32 v5, v2  }
0x94: {  	[tilespmem:s11+$0xFFFFFFF0] =	vst v6;
	v1 =	vmul.f32 $2.500000000e-01, v1;
	v0 =	vmul.f32 v0, v4  }
0x95: {  	[tilespmem:s11+$0x0] =	vst v63;
	v2 =	vmul.f32 $2.500000000e-01, v2  }
0x96: {  	s1 =	sadd.s32 $0x1, s1;
	[tilespmem:s11+$0x10] =	vst v1;
	v0 =	vmul.f32 $2.500000000e-01, v0  }
0x97: {  	p1 =	sne.s32 s1, $0x14;
	[tilespmem:s11+$0x20] =	vst v2  }
.Ltmp3:
0x98: {  	[tilespmem:s11+$0xFFFFFFC0] =	vst v0;
	(pc) =	sbr.rel @p1 .LBB2_4-.Ltmp3, $4  }
0x99: {  	[spmem:s3] =	stream.indirect.scatter.add.f32 [tilespmem:s24], [sflag:$0x3], $0x80, s29, s23, $0xb8;
	[tilespmem:$0x1CA80] =	vst v63  }
0x9a: {  	_ =	swait.ge [sflag:s15], $0x4000  }
0x9b: {  	[sflag:s15] =	ssyncset.done $0x0  }
0x9c: {  	[sflag:s15] =	ssyncadd.s32 $0xFFFFC000  }
0x9d: {  	[bflag:$0x0] =	sbarrier.arrive $0xFFFF  }
0x9e: {  	s1 =	rddreg [dreg:$0x8]  }
0x9f: {  	[hbm:s1], [sflag:s8] =	dma.local [spmem:s14], $0x2780  }
0xa0: {  	_ =	swait.ge [sflag:s15], $0x2780  }
0xa1: {  	s4 =	sadd.s32 $0x1, s4;
	s17 =	rddreg [dreg:$0x9]  }
0xa2: {  	p1 =	sne.s32 s4, s17  }
.Ltmp4:
0xa3: {  	_ = 	snop;
	(pc) =	sbr.rel @p1 .LBB2_1-.Ltmp4, $3  }
0xa4: {  	_ =	sdelay $0x1  }
0xa5: {  	[sflag:s15] =	ssyncset.done $0x0  }
0xa6: {  	[sflag:s15] =	ssyncadd.s32 $0xFFFFD880  }
0xa7: {  	_ =	sfence.sel $0x180000  }
0xa8: {  	[bflag:$0x0] =	sbarrier.arrive $0xFFFF  }
0xa9: {  	_ =	strace $0x90000050  }
0xaa: {  	[bflag:$0x2] =	sbarrier.arrive $0xFFFF  }
0xab: {  	s0 =	rddreg [dreg:$0x7]  }
0xac: {  	s0 =	sadd.s32 @!p0 $0x100000, s0  }
0xad: {  	[sflag:s0] =	ssyncadd.tile.s32 @!p0 $0x1;
	_ =	shalt  }
.Lfunc_end2:
_tile_overlayer_lowered:
.L_overlay_start_2:
0xae: {  	(tag) =	ssettag $0x2  }
0xaf: {  	s0 =	rddreg [dreg:$0x0];
	s2 =	stileid.u32  }
0xb0: {  	s1 =	rddreg [dreg:$0x1];
	p0 =	sne.s32 s2, $0x0  }
0xb1: {  	s3 =	rddreg [dreg:$0x2];
	[bflag:$0x3] =	sbarrier.arrive $0xFFFF;
	s2 =	simm.s32 @!p0 $0x1C03  }
0xb2: {  	[timem:s3], [sflag:s2] =	dma.local @!p0 [hbm:s0], s1  }
0xb3: {  	s0 =	simm.s32 @!p0 $0x3  }
0xb4: {  	_ =	swait.ge @!p0 [sflag:s0], s1  }
0xb5: {  	s1 =	ssub.s32 @!p0 $0x0, s1;
	[sflag:s0] =	ssyncset.done @!p0 $0x0  }
0xb6: {  	[sflag:s0] =	ssyncadd.s32 @!p0 s1  }
0xb7: {  	[bflag:$0x3] =	sbarrier.arrive $0xFFFF  }
0xb8: {  	_ =	shalt  }

// kernel: kernel.18.cloned.1.call-start
scs
__scs_entry_jumppad:
0x0: {  	(pc) =	sbr.rel $0x88, $3  }
0x1: {  	(tag) =	ssettag $0x0;
	lr =	simm.s32 $0x1  }
0x2: {  	[smem:$0x3F8D] =	sst lr;
	_ =	strace $0xD0000000  }
0x3: {  	_ = 	snop  }
0x4: {  	_ = 	snop  }
0x5: {  	_ = 	snop  }
0x6: {  	_ = 	snop  }
0x7: {  	_ = 	snop  }
__scs_overlays_trampoline_lowered:
0x8: {  	[smem:$0x3F9C] =	sst s0  }
0x9: {  	[smem:$0x3F9D] =	sst s1  }
0xa: {  	[smem:$0x3F9E] =	sst s2  }
0xb: {  	[smem:$0x3F9F] =	sst s3  }
0xc: {  	[smem:$0x3FA0] =	sst s4  }
0xd: {  	[smem:$0x3FA1] =	sst s5  }
0xe: {  	[smem:$0x3FA2] =	sst s6  }
0xf: {  	[smem:$0x3FA3] =	sst s7  }
0x10: {  	[smem:$0x3FA4] =	sst s8  }
0x11: {  	[smem:$0x3FA5] =	sst s9;
	s0 =	simm.s32 @!p0 $0x0  }
0x12: {  	s1 =	sld [smem:$0x3F8B];
	s0 =	simm.s32 @p0 $0x1  }
0x13: {  	[smem:$0x3FA6] =	sst s0;
	s0 =	simm.s32 @!p1 $0x0  }
0x14: {  	s2 =	sld [smem:$0x3F8A];
	s0 =	simm.s32 @p1 $0x1  }
0x15: {  	[smem:$0x3FA7] =	sst s0;
	s0 =	simm.s32 @!p2 $0x0  }
0x16: {  	s3 =	sld [smem:$0x3FDB];
	s0 =	simm.s32 @p2 $0x1  }
0x17: {  	s4 =	simm.s32 $0x1BF5;
	[smem:$0x3FA9] =	sst s0  }
0x18: {  	s0 =	sld [smem:$0x3F8C];
	_ =	swait.ge [sflag:s4], $0x0  }
0x19: {  	s7 =	sld [smem:$0x3F8D]  }
0x1a: {  	s8 =	sadd.s32 $0xFFFFE003, lr  }
0x1b: {  	s9 =	sadd.s32 $0xFFFFFEF7, lr;
	s5 =	simm.s32 $0xFFFFFFFF;
	p2 =	slt.u32 s8, $0xFFFFF086  }
0x1c: {  	p1 =	slt.u32 s9, $0xF7A;
	s5 =	simm.s32 @!p2 $0x0  }
0x1d: {  	s5 =	simm.s32 @p1 $0x1;
	p0 =	seq.s32 s7, s2  }
0x1e: {  	s7 =	smul.u32 @!p0 $0xF7A, s2;
	p2 =	seq.s32 @!p0 s5, $0x0  }
0x1f: {  	s9 =	smul.u32 $0xF7A, s1;
	s8 =	simm.s32 @!p0 $0x1BF5;
	p2 =	por !p2, p0  }
0x20: {  	[sflag:s8] =	ssyncset.s32 @!p0 $0xFFFFF086;
	s6 =	sadd.s32 @!p0 s3, s7;
	s7 =	simm.s32 @!p0 $0x108  }
0x21: {  	s3 =	sadd.s32 s3, s9;
	s6 =	sadd.s32 @!p0 $0x88, s6;
	s7 =	simm.s32 @p2 $0x1082  }
0x22: {  	[simem:s7], [sflag:s8] =	dma.local @!p0 [hbm:s6], $0xF7A  }
0x23: {  	s9 =	sor.u32 $0xD0000000, s2;
	s6 =	simm.s32 $0x108;
	_ =	swait.ge @!p0 [sflag:s8], $0x0  }
0x24: {  	s3 =	sadd.s32 $0x88, s3;
	s6 =	simm.s32 @!p1 $0x1082;
	[sflag:s4] =	ssyncset.s32 $0xFFFFF086  }
0x25: {  	[simem:s6], [sflag:s4] =	dma.local [hbm:s3], $0xF7A  }
0x26: {  	[smem:$0x3F8D] =	sst s1;
	(tag) =	ssettag s2;
	_ =	strace s9  }
0x27: {  	s1 =	sld [smem:$0x3F9D]  }
0x28: {  	s2 =	sld [smem:$0x3F9E]  }
0x29: {  	s4 =	sld [smem:$0x3FA0]  }
0x2a: {  	p0 =	seq.s32 s5, $0x0;
	s5 =	sld [smem:$0x3FA1]  }
0x2b: {  	s6 =	sld [smem:$0x3FA2]  }
0x2c: {  	s7 =	sld [smem:$0x3FA3]  }
0x2d: {  	s3 =	simm.s32 $0x108;
	s8 =	sld [smem:$0x3FA4]  }
0x2e: {  	s3 =	simm.s32 @!p0 $0x1082;
	s9 =	sld [smem:$0x3FA5]  }
0x2f: {  	lr =	sadd.s32 s0, s3;
	s0 =	sld [smem:$0x3F9C]  }
0x30: {  	s3 =	sld [smem:$0x3F9F]  }
0x31: {  	[smem:$0x3FA8] =	sst s10  }
0x32: {  	s10 =	sld [smem:$0x3FA6];
	_ =	sdelay $0x3  }
0x33: {  	p0 =	seq.s32 s10, $0x1;
	s10 =	sld [smem:$0x3FA8];
	_ =	sdelay $0x3  }
0x34: {  	[smem:$0x3FA8] =	sst s10  }
0x35: {  	s10 =	sld [smem:$0x3FA7];
	_ =	sdelay $0x3  }
0x36: {  	p1 =	seq.s32 s10, $0x1;
	s10 =	sld [smem:$0x3FA8];
	_ =	sdelay $0x3  }
0x37: {  	[smem:$0x3FA8] =	sst s10  }
0x38: {  	s10 =	sld [smem:$0x3FA9]  }
0x39: {  	_ = 	snop;
	(pc) =	sbr.ind lr, $3  }
0x3a: {  	_ = 	snop  }
0x3b: {  	_ = 	snop  }
0x3c: {  	p2 =	seq.s32 s10, $0x1;
	s10 =	sld [smem:$0x3FA8]  }
0x3d: {  	_ =	shalt  }
0x3e: {  	_ =	shalt  }
0x3f: {  	_ =	shalt  }
0x40: {  	_ =	shalt  }
0x41: {  	_ =	shalt  }
0x42: {  	_ =	shalt  }
0x43: {  	_ =	shalt  }
0x44: {  	_ =	shalt  }
0x45: {  	_ =	shalt  }
0x46: {  	_ =	shalt  }
0x47: {  	_ =	shalt  }
0x48: {  	_ =	shalt  }
0x49: {  	_ =	shalt  }
0x4a: {  	_ =	shalt  }
0x4b: {  	_ =	shalt  }
0x4c: {  	_ =	shalt  }
0x4d: {  	_ =	shalt  }
0x4e: {  	_ =	shalt  }
0x4f: {  	_ =	shalt  }
0x50: {  	_ =	shalt  }
0x51: {  	_ =	shalt  }
0x52: {  	_ =	shalt  }
0x53: {  	_ =	shalt  }
0x54: {  	_ =	shalt  }
0x55: {  	_ =	shalt  }
0x56: {  	_ =	shalt  }
0x57: {  	_ =	shalt  }
0x58: {  	_ =	shalt  }
0x59: {  	_ =	shalt  }
0x5a: {  	_ =	shalt  }
0x5b: {  	_ =	shalt  }
0x5c: {  	_ =	shalt  }
0x5d: {  	_ =	shalt  }
0x5e: {  	_ =	shalt  }
0x5f: {  	_ =	shalt  }
0x60: {  	_ =	shalt  }
0x61: {  	_ =	shalt  }
0x62: {  	_ =	shalt  }
0x63: {  	_ =	shalt  }
0x64: {  	_ =	shalt  }
0x65: {  	_ =	shalt  }
0x66: {  	_ =	shalt  }
0x67: {  	_ =	shalt  }
0x68: {  	_ =	shalt  }
0x69: {  	_ =	shalt  }
0x6a: {  	_ =	shalt  }
0x6b: {  	_ =	shalt  }
0x6c: {  	_ =	shalt  }
0x6d: {  	_ =	shalt  }
0x6e: {  	_ =	shalt  }
0x6f: {  	_ =	shalt  }
0x70: {  	_ =	shalt  }
0x71: {  	_ =	shalt  }
0x72: {  	_ =	shalt  }
0x73: {  	_ =	shalt  }
0x74: {  	_ =	shalt  }
0x75: {  	_ =	shalt  }
0x76: {  	_ =	shalt  }
0x77: {  	_ =	shalt  }
0x78: {  	_ =	shalt  }
0x79: {  	_ =	shalt  }
0x7a: {  	_ =	shalt  }
0x7b: {  	_ =	shalt  }
0x7c: {  	_ =	shalt  }
0x7d: {  	_ =	shalt  }
0x7e: {  	_ =	shalt  }
0x7f: {  	_ =	shalt  }
0x80: {  	_ =	shalt  }
0x81: {  	_ =	shalt  }
0x82: {  	_ =	shalt  }
0x83: {  	_ =	shalt  }
0x84: {  	_ =	shalt  }
0x85: {  	_ =	shalt  }
0x86: {  	_ =	shalt  }
0x87: {  	_ =	shalt  }
.Lfunc_end0:
.L_simem_size_0:
called_computation.4_lowered:
.L_overlay_start_0:
0x88: {  	s2 =	sld [smem:$0x3FD9]  }
0x89: {  	s3 =	sld [smem:$0x3FFE];
	_ =	sdelay $0x1  }
0x8a: {  	s1 =	srdreg.scid  }
0x8b: {  	s0 =	sand.u32 $0x1, s1  }
0x8c: {  	s14 =	sshll.u32 s0, $0xA;
	s2 =	sadd.s32 s3, s2  }
0x8d: {  	s2 =	sadd.s32 s2, s14  }
0x8e: {  	[smem:$0x3FB4] =	sst s2  }
0x8f: {  	_ = 	snop  }
0x90: {  	s2 =	sld [smem:$0x3FD0];
	_ =	sdelay $0x2  }
0x91: {  	s15 =	simm.s32 $0xB;
	s4 =	simm.s32 $0x10  }
0x92: {  	[smem:s4], [sflag:s15] =	dma.local [hbm:s2], $0x1  }
0x93: {  	_ =	swait.eq [sflag:s15], $0x1  }
0x94: {  	s16 =	sld [smem:$0x11];
	[sflag:s15] =	ssyncset.done $0x0  }
0x95: {  	s17 =	sld [smem:$0x14];
	[sflag:s15] =	ssyncadd.s32 $0xFFFFFFFF  }
0x96: {  	s18 =	sld [smem:$0x15];
	(tm) =	ssettm $0x1  }
0x97: {  	s5 =	sld [smem:$0x3FFB];
	_ =	sdelay $0x3  }
0x98: {  	_ =	strace s5  }
0x99: {  	s5 =	sld [smem:$0x3FFC];
	_ =	sdelay $0x3  }
0x9a: {  	_ =	strace s5  }
0x9b: {  	s5 =	sld [smem:$0x3FFD];
	_ =	sdelay $0x3  }
0x9c: {  	_ =	strace s5  }
0x9d: {  	_ =	strace $0x8FFFFFFF  }
0x9e: {  	s19 =	sld [smem:$0x3FDB];
	_ =	sdelay $0x1  }
0x9f: {  	s6 =	simm.s32 $_scs_section_size  }
0xa0: {  	s7 =	simm.s32 $_size__tile_overlayer_lowered;
	s8 =	simm.s32 $_tile_overlayer_lowered  }
0xa1: {  	s22 =	simm.s32 $0x1BFF;
	s21 =	sshll.u32 s8, $0x1;
	s5 =	sadd.s32 s6, s19  }
0xa2: {  	s9 =	simm.s32 $0x0;
	s20 =	sshll.u32 s7, $0x1;
	s7 =	sadd.s32 s21, s5  }
0xa3: {  	[timem:s9], [sflag:s22] =	dma.local [hbm:s7], s20  }
0xa4: {  	_ =	swait.ge [sflag:s22], s20  }
0xa5: {  	s6 =	ssub.s32 $0x0, s20;
	[sflag:s22] =	ssyncset.done $0x0  }
0xa6: {  	[sflag:s22] =	ssyncadd.s32 s6;
	_ =	sdelay $0x1  }
0xa7: {  	s23 =	simm.s32 $0x1B8B  }
0xa8: {  	_ =	swait.ge [sflag:s23], $0x1  }
0xa9: {  	[sflag:s23] =	ssyncset.done $0x0  }
0xaa: {  	s25 =	simm.s32 $0x1B8E;
	s24 =	sld [smem:$0x3FFE];
	[sflag:s23] =	ssyncadd.s32 $0xFFFFFFFF  }
0xab: {  	s26 =	simm.s32 $execute0_lowered;
	[smem:$0x3FD2] =	sst s25  }
0xac: {  	s7 =	sshll.u32 s26, $0x1;
	_ =	strace $0x80000052;
	[dreg:$0x1] =	wrdreg $0xFFFFFFFF  }
0xad: {  	s28 =	simm.s32 $_size_execute0_lowered;
	s5 =	sadd.s32 s5, s7;
	[dreg:$0x0] =	wrdreg $0x0  }
0xae: {  	s7 =	sshll.u32 s28, $0x1;
	[dreg:$0x2] =	wrdreg s5  }
0xaf: {  	[dreg:$0x3] =	wrdreg s7  }
0xb0: {  	[dreg:$0x4] =	wrdreg $0xC0  }
0xb1: {  	_ =	task [dreg:s9], $0x5FFFF  }
0xb2: {  	[dreg:$0x1] =	wrdreg $0xFFFFFFFF  }
0xb3: {  	[dreg:$0x0] =	wrdreg $0x60  }
0xb4: {  	[dreg:$0x2] =	wrdreg s17  }
0xb5: {  	[dreg:$0x3] =	wrdreg s18  }
0xb6: {  	[dreg:$0x4] =	wrdreg s16  }
0xb7: {  	[dreg:$0x5] =	wrdreg s24  }
0xb8: {  	[dreg:$0x6] =	wrdreg $0x9  }
0xb9: {  	_ =	task.clear_ibuf [dreg:s9], $0x7FFFF;
	_ =	strace $0x90000052  }
0xba: {  	s29 =	simm.s32 $0x9;
	_ =	strace $0x80000054  }
0xbb: {  	_ =	swait.ge [sflag:s29], $0x1  }
0xbc: {  	[sflag:s29] =	ssyncadd.s32 $0xFFFFFFFF  }
0xbd: {  	_ =	strace $0x90000054  }
0xbe: {  	_ =	sfence  }
0xbf: {  	s30 =	sld [smem:$0x0];
	_ =	sdelay $0x2  }
0xc0: {  	s31 =	sshll.u32 s1, $0xD;
	s1 =	sshrl.u32 s1, $0x2  }
0xc1: {  	s3 =	sand.u32 $0x4000, s31;
	s1 =	sadd.s32 s1, s30  }
0xc2: {  	s0 =	sor.u32 s3, s0;
	s1 =	sshll.u32 s1, $0x11  }
0xc3: {  	s0 =	sor.u32 s1, s0  }
0xc4: {  	s0 =	sadd.s32 $0x8F2B, s0  }
0xc5: {  	[sflag:s0] =	ssyncadd.remote.s32 $0x1  }
0xc6: {  	_ =	sfence.sel $0xFFFF  }
0xc7: {  	[dreg:$0x0] =	wrdreg $0xFFFFFFFF;
	(pc) =	sbr.abs _section_cstart, $3  }
0xc8: {  	[dreg:$0x1] =	wrdreg $0xFFFFFFFF  }
0xc9: {  	_ =	task.clear_ibuf [dreg:s9], $0x2FFFF;
	_ =	strace $0x9FFFFFFF  }
0xca: {  	(tm) =	ssettm $0x7FFFFFFF  }
0xcb: {  	_ =	shalt  }
tec
execute0_lowered:
.L_overlay_start_1:
0x0: {  	(tag) =	ssettag $0x1  }
0x1: {  	s1 =	rddreg [dreg:$0x0]  }
0x2: {  	s2 =	rddreg [dreg:$0x1]  }
0x3: {  	s3 =	rddreg [dreg:$0x2]  }
0x4: {  	s7 =	rddreg [dreg:$0x3]  }
0x5: {  	s0 =	rddreg [dreg:$0x4]  }
0x6: {  	s5 =	simm.s32 $0x0;
	s6 =	srdreg.scid;
	s4 =	stileid.u32  }
0x7: {  	s13 =	simm.s32 $0x80;
	s14 =	simm.s32 $0x0;
	[smem:$0x7FF] =	sst s5  }
0x8: {  	s9 =	sand.u32 $0x1, s6;
	s6 =	sadd.s32 $0xC600, s7;
	s10 =	sshll.u32 s4, $0x1  }
0x9: {  	s11 =	sshll.u32 s4, $0xC;
	s30 =	sshll.u32 s4, $0x8;
	_ =	strace $0x80000053  }
0xa: {  	s8 =	ssub.s32 $0x2, s9;
	s10 =	sor.u32 s10, s9;
	s11 =	sadd.s32 s11, s7  }
0xb: {  	s29 =	sshll.u32 s9, $0xB;
	s31 =	sshll.u32 s9, $0x7;
	s12 =	sshrl.u32 s8, $0x1  }
0xc: {  	s28 =	ssub.s32 $0x57, s10;
	s11 =	sadd.s32 s29, s11;
	s10 =	sor.u32 s31, s30  }
0xd: {  	s26 =	ssub.s32 s8, s12;
	s8 =	sshrl.u32 s28, $0x5;
	s9 =	sadd.s32 $0xCA00, s11  }
0xe: {  	s11 =	sadd.s32 $0x28A00, s11;
	s12 =	simm.s32 $0x1;
	s7 =	smax.u32 s26, $0x1  }
.LBB2_1:
0xf: {  	p1 =	sne.s32 s8, $0x1  }
.Ltmp0:
0x10: {  	_ = 	snop;
	(pc) =	sbr.rel @!p1 .LBB2_5-.Ltmp0, $3  }
0x11: {  	_ =	sdelay $0x1  }
0x12: {  	s15 =	sshrl.u32 s10, $0x3;
	s16 =	sadd.s32 $0xFFFFFFFF, s8;
	p0 =	por $0x0, $0x0  }
0x13: {  	s17 =	smov.u32 s9;
	p2 =	por $0x0, $0x0;
	s20 =	smov.u32 s15  }
0x14: {  	s17 =	sadd.s32 s3, s15  }
0x15: {  	[tilespmem:s5], [sflag:$0x1] =	stream.linear.gather [hbm4b:s17+s5], $0x80, $0x38;
	[tilespmem:$0x4080] =	vst v63  }
0x16: {  	_ =	swait.ge [sflag:s12], $0x80  }
0x17: {  	[sflag:s12] =	ssyncset.done $0x0  }
0x18: {  	[sflag:s12] =	ssyncadd.s32 $0xFFFFFF80  }
0x19: {  	[tilespmem:s13], [sflag:$0x1] =	stream.indirect.gather [hbm4b:s1+s13], $0x80, s5, s13, $0xb8;
	[tilespmem:$0x4080] =	vst v63  }
0x1a: {  	p3 =	sne.s32 s16, $0x1;
	_ =	swait.ge [sflag:s12], $0x4000  }
.Ltmp1:
0x1b: {  	[sflag:s12] =	ssyncset.done $0x0;
	(pc) =	sbr.rel @!p3 .LBB2_3-.Ltmp1, $4  }
0x1c: {  	s18 =	sadd.s32 $0xFFFFFFFF, s16;
	[sflag:s12] =	ssyncadd.s32 $0xFFFFC000  }
0x1d: {  	[hbm4b:s9+s5] =	stream.linear.scatter [tilespmem:s13], [sflag:$0x1], $0x4000, $0x38;
	[tilespmem:$0x4080] =	vst v63  }
0x1e: {  	s19 =	sadd.s32 $0x1000, s10;
	p2 =	por $0x1, $0x1;
	_ =	swait.ge [sflag:s12], $0x4000  }
0x1f: {  	s20 =	sshrl.u32 s19, $0x3;
	s17 =	smov.u32 s9;
	[sflag:s12] =	ssyncset.done $0x0  }
.LBB2_4:
0x20: {  	s20 =	sadd.s32 s3, s20;
	[sflag:s12] =	ssyncadd.s32 $0xFFFFC000;
	s17 =	sadd.s32 $0x10000, s17  }
0x21: {  	[tilespmem:s5], [sflag:$0x1] =	stream.linear.gather [hbm4b:s20+s5], $0x80, $0x38;
	[tilespmem:$0x4080] =	vst v63  }
0x22: {  	p3 =	sne.s32 s18, $0x1;
	s18 =	sadd.s32 $0xFFFFFFFF, s18;
	_ =	swait.ge [sflag:s12], $0x80  }
0x23: {  	[sflag:s12] =	ssyncset.done $0x0  }
0x24: {  	[sflag:s12] =	ssyncadd.s32 $0xFFFFFF80  }
0x25: {  	[tilespmem:s13], [sflag:$0x1] =	stream.indirect.gather [hbm4b:s1+s13], $0x80, s5, s13, $0xb8;
	[tilespmem:$0x4080] =	vst v63  }
0x26: {  	_ =	swait.ge [sflag:s12], $0x4000  }
.Ltmp2:
0x27: {  	[sflag:s12] =	ssyncset.done $0x0;
	(pc) =	sbr.rel @p3 .LBB2_4-.Ltmp2, $4  }
0x28: {  	[sflag:s12] =	ssyncadd.s32 $0xFFFFC000  }
0x29: {  	[hbm4b:s17+s5] =	stream.linear.scatter [tilespmem:s13], [sflag:$0x1], $0x4000, $0x38;
	[tilespmem:$0x4080] =	vst v63  }
0x2a: {  	s19 =	sadd.s32 $0x1000, s19;
	_ =	swait.ge [sflag:s12], $0x4000  }
0x2b: {  	s20 =	sshrl.u32 s19, $0x3;
	[sflag:s12] =	ssyncset.done $0x0  }
.LBB2_5:
0x2c: {  	s18 =	sadd.s32 s3, s20;
	[sflag:s12] =	ssyncadd.s32 @p2 $0xFFFFC000  }
0x2d: {  	[tilespmem:s5], [sflag:$0x1] =	stream.linear.gather [hbm4b:s18+s5], $0x80, $0x38;
	[tilespmem:$0x4080] =	vst v63  }
0x2e: {  	_ =	swait.ge [sflag:s12], $0x80  }
0x2f: {  	[sflag:s12] =	ssyncset.done $0x0  }
0x30: {  	[sflag:s12] =	ssyncadd.s32 $0xFFFFFF80  }
0x31: {  	[tilespmem:s13], [sflag:$0x1] =	stream.indirect.gather [hbm4b:s1+s13], $0x80, s5, s13, $0xb8;
	[tilespmem:$0x4080] =	vst v63  }
0x32: {  	_ =	swait.ge [sflag:s12], $0x4000  }
0x33: {  	s17 =	sadd.s32 @p2 $0x10000, s17;
	s18 =	smov.u32 s9;
	[sflag:s12] =	ssyncset.done $0x0  }
.Ltmp3:
0x34: {  	s18 =	smov.u32 @p2 s17;
	[sflag:s12] =	ssyncadd.s32 $0xFFFFC000;
	(pc) =	sbr.rel @!p1 .LBB2_6-.Ltmp3, $4  }
0x35: {  	[hbm4b:s18+s5] =	stream.linear.scatter [tilespmem:s13], [sflag:$0x1], $0x4000, $0x38;
	[tilespmem:$0x4080] =	vst v63  }
0x36: {  	_ =	swait.ge [sflag:s12], $0x4000  }
0x37: {  	[sflag:s12] =	ssyncset.done $0x0  }
0x38: {  	[sflag:s12] =	ssyncadd.s32 $0xFFFFC000  }
0x39: {  	s15 =	sadd.s32 s6, s15  }
0x3a: {  	[tilespmem:s5], [sflag:$0x1] =	stream.linear.gather [hbm4b:s15+s5], $0x80, $0x38;
	[tilespmem:$0x4080] =	vst v63  }
0x3b: {  	_ =	swait.ge [sflag:s12], $0x80  }
0x3c: {  	[sflag:s12] =	ssyncset.done $0x0  }
0x3d: {  	[sflag:s12] =	ssyncadd.s32 $0xFFFFFF80  }
0x3e: {  	[tilespmem:s13], [sflag:$0x1] =	stream.indirect.gather [hbm4b:s2+s13], $0x80, s5, s13, $0xb8;
	[tilespmem:$0x4080] =	vst v63  }
0x3f: {  	p1 =	sne.s32 s16, $0x1;
	_ =	swait.ge [sflag:s12], $0x4000  }
.Ltmp4:
0x40: {  	[sflag:s12] =	ssyncset.done $0x0;
	(pc) =	sbr.rel @!p1 .LBB2_8-.Ltmp4, $4  }
0x41: {  	s17 =	sadd.s32 $0xFFFFFFFF, s16;
	[sflag:s12] =	ssyncadd.s32 $0xFFFFC000  }
0x42: {  	[hbm4b:s11+s5] =	stream.linear.scatter [tilespmem:s13], [sflag:$0x1], $0x4000, $0x38;
	[tilespmem:$0x4080] =	vst v63  }
0x43: {  	s18 =	sadd.s32 $0x1000, s10;
	p0 =	por $0x1, $0x1;
	_ =	swait.ge [sflag:s12], $0x4000  }
0x44: {  	s16 =	smov.u32 s11;
	s15 =	sshrl.u32 s18, $0x3;
	[sflag:s12] =	ssyncset.done $0x0  }
.LBB2_9:
0x45: {  	s15 =	sadd.s32 s6, s15;
	[sflag:s12] =	ssyncadd.s32 $0xFFFFC000;
	s16 =	sadd.s32 $0x10000, s16  }
0x46: {  	[tilespmem:s5], [sflag:$0x1] =	stream.linear.gather [hbm4b:s15+s5], $0x80, $0x38;
	[tilespmem:$0x4080] =	vst v63  }
0x47: {  	p1 =	sne.s32 s17, $0x1;
	s17 =	sadd.s32 $0xFFFFFFFF, s17;
	_ =	swait.ge [sflag:s12], $0x80  }
0x48: {  	[sflag:s12] =	ssyncset.done $0x0  }
0x49: {  	[sflag:s12] =	ssyncadd.s32 $0xFFFFFF80  }
0x4a: {  	[tilespmem:s13], [sflag:$0x1] =	stream.indirect.gather [hbm4b:s2+s13], $0x80, s5, s13, $0xb8;
	[tilespmem:$0x4080] =	vst v63  }
0x4b: {  	_ =	swait.ge [sflag:s12], $0x4000  }
.Ltmp5:
0x4c: {  	[sflag:s12] =	ssyncset.done $0x0;
	(pc) =	sbr.rel @p1 .LBB2_9-.Ltmp5, $4  }
0x4d: {  	[sflag:s12] =	ssyncadd.s32 $0xFFFFC000  }
0x4e: {  	[hbm4b:s16+s5] =	stream.linear.scatter [tilespmem:s13], [sflag:$0x1], $0x4000, $0x38;
	[tilespmem:$0x4080] =	vst v63  }
0x4f: {  	s18 =	sadd.s32 $0x1000, s18;
	_ =	swait.ge [sflag:s12], $0x4000  }
0x50: {  	s15 =	sshrl.u32 s18, $0x3;
	[sflag:s12] =	ssyncset.done $0x0  }
.LBB2_10:
0x51: {  	s15 =	sadd.s32 s6, s15;
	[sflag:s12] =	ssyncadd.s32 @p0 $0xFFFFC000  }
0x52: {  	[tilespmem:s5], [sflag:$0x1] =	stream.linear.gather [hbm4b:s15+s5], $0x80, $0x38;
	[tilespmem:$0x4080] =	vst v63  }
0x53: {  	_ =	swait.ge [sflag:s12], $0x80  }
0x54: {  	[sflag:s12] =	ssyncset.done $0x0  }
0x55: {  	[sflag:s12] =	ssyncadd.s32 $0xFFFFFF80  }
0x56: {  	[tilespmem:s13], [sflag:$0x1] =	stream.indirect.gather [hbm4b:s2+s13], $0x80, s5, s13, $0xb8;
	[tilespmem:$0x4080] =	vst v63  }
0x57: {  	s14 =	sadd.s32 $0x1, s14;
	_ =	swait.ge [sflag:s12], $0x4000  }
0x58: {  	s15 =	sadd.s32 @p0 $0x10000, s16;
	s16 =	smov.u32 s11;
	[sflag:s12] =	ssyncset.done $0x0  }
0x59: {  	s16 =	smov.u32 @p0 s15;
	p0 =	sne.s32 s14, s7;
	[sflag:s12] =	ssyncadd.s32 $0xFFFFC000  }
0x5a: {  	[hbm4b:s16+s5] =	stream.linear.scatter [tilespmem:s13], [sflag:$0x1], $0x4000, $0x38;
	[tilespmem:$0x4080] =	vst v63  }
.Ltmp6:
0x5b: {  	_ = 	snop;
	(pc) =	sbr.rel @p0 .LBB2_1-.Ltmp6, $4  }
.Ltmp7:
0x5c: {  	_ = 	snop;
	(pc) =	sbr.rel @!p0 .LBB2_11-.Ltmp7, $4  }
0x5d: {  	_ =	swait.ge [sflag:s12], $0x4000  }
0x5e: {  	[sflag:s12] =	ssyncset.done $0x0  }
0x5f: {  	[sflag:s12] =	ssyncadd.s32 $0xFFFFC000  }
0x60: {  	_ = 	snop  }
.LBB2_6:
.Ltmp8:
0x61: {  	(pc) =	sbr.rel .LBB2_10-.Ltmp8, $2  }
0x62: {  	_ =	sdelay $0x2  }
0x63: {  	s16 =	smov.u32 s11  }
.LBB2_3:
.Ltmp9:
0x64: {  	(pc) =	sbr.rel .LBB2_5-.Ltmp9, $2  }
0x65: {  	_ =	sdelay $0x2  }
0x66: {  	s17 =	smov.u32 s9  }
.LBB2_8:
.Ltmp10:
0x67: {  	(pc) =	sbr.rel .LBB2_10-.Ltmp10, $2  }
0x68: {  	_ =	sdelay $0x2  }
0x69: {  	s16 =	smov.u32 s11  }
.LBB2_11:
0x6a: {  	_ =	sfence.sel $0x180000  }
0x6b: {  	[bflag:$0x0] =	sbarrier.arrive $0xFFFF  }
0x6c: {  	p0 =	sne.s32 s4, $0x0;
	_ =	strace $0x90000053  }
0x6d: {  	s0 =	sadd.s32 @!p0 $0x100000, s0;
	[bflag:$0x2] =	sbarrier.arrive $0xFFFF  }
0x6e: {  	[sflag:s0] =	ssyncadd.tile.s32 @!p0 $0x1;
	_ =	shalt  }
.Lfunc_end2:
_tile_overlayer_lowered:
.L_overlay_start_2:
0x6f: {  	(tag) =	ssettag $0x2  }
0x70: {  	s0 =	rddreg [dreg:$0x0];
	s2 =	stileid.u32  }
0x71: {  	s1 =	rddreg [dreg:$0x1];
	p0 =	sne.s32 s2, $0x0  }
0x72: {  	s3 =	rddreg [dreg:$0x2];
	[bflag:$0x3] =	sbarrier.arrive $0xFFFF;
	s2 =	simm.s32 @!p0 $0x1C01  }
0x73: {  	[timem:s3], [sflag:s2] =	dma.local @!p0 [hbm:s0], s1  }
0x74: {  	s0 =	simm.s32 @!p0 $0x1  }
0x75: {  	_ =	swait.ge @!p0 [sflag:s0], s1  }
0x76: {  	s1 =	ssub.s32 @!p0 $0x0, s1;
	[sflag:s0] =	ssyncset.done @!p0 $0x0  }
0x77: {  	[sflag:s0] =	ssyncadd.s32 @!p0 s1  }
0x78: {  	[bflag:$0x3] =	sbarrier.arrive $0xFFFF  }
0x79: {  	_ =	shalt  }

// kernel: kernel.9.cloned.1.call-start
scs
__scs_entry_jumppad:
0x0: {  	(pc) =	sbr.rel $0x88, $3  }
0x1: {  	(tag) =	ssettag $0x0;
	lr =	simm.s32 $0x1  }
0x2: {  	[smem:$0x3F8D] =	sst lr;
	_ =	strace $0xD0000000  }
0x3: {  	_ = 	snop  }
0x4: {  	_ = 	snop  }
0x5: {  	_ = 	snop  }
0x6: {  	_ = 	snop  }
0x7: {  	_ = 	snop  }
__scs_overlays_trampoline_lowered:
0x8: {  	[smem:$0x3F9C] =	sst s0  }
0x9: {  	[smem:$0x3F9D] =	sst s1  }
0xa: {  	[smem:$0x3F9E] =	sst s2  }
0xb: {  	[smem:$0x3F9F] =	sst s3  }
0xc: {  	[smem:$0x3FA0] =	sst s4  }
0xd: {  	[smem:$0x3FA1] =	sst s5  }
0xe: {  	[smem:$0x3FA2] =	sst s6  }
0xf: {  	[smem:$0x3FA3] =	sst s7  }
0x10: {  	[smem:$0x3FA4] =	sst s8  }
0x11: {  	[smem:$0x3FA5] =	sst s9;
	s0 =	simm.s32 @!p0 $0x0  }
0x12: {  	s1 =	sld [smem:$0x3F8B];
	s0 =	simm.s32 @p0 $0x1  }
0x13: {  	[smem:$0x3FA6] =	sst s0;
	s0 =	simm.s32 @!p1 $0x0  }
0x14: {  	s2 =	sld [smem:$0x3F8A];
	s0 =	simm.s32 @p1 $0x1  }
0x15: {  	[smem:$0x3FA7] =	sst s0;
	s0 =	simm.s32 @!p2 $0x0  }
0x16: {  	s3 =	sld [smem:$0x3FDB];
	s0 =	simm.s32 @p2 $0x1  }
0x17: {  	s4 =	simm.s32 $0x1BF5;
	[smem:$0x3FA9] =	sst s0  }
0x18: {  	s0 =	sld [smem:$0x3F8C];
	_ =	swait.ge [sflag:s4], $0x0  }
0x19: {  	s7 =	sld [smem:$0x3F8D]  }
0x1a: {  	s8 =	sadd.s32 $0xFFFFE003, lr  }
0x1b: {  	s9 =	sadd.s32 $0xFFFFFEF7, lr;
	s5 =	simm.s32 $0xFFFFFFFF;
	p2 =	slt.u32 s8, $0xFFFFF086  }
0x1c: {  	p1 =	slt.u32 s9, $0xF7A;
	s5 =	simm.s32 @!p2 $0x0  }
0x1d: {  	s5 =	simm.s32 @p1 $0x1;
	p0 =	seq.s32 s7, s2  }
0x1e: {  	s7 =	smul.u32 @!p0 $0xF7A, s2;
	p2 =	seq.s32 @!p0 s5, $0x0  }
0x1f: {  	s9 =	smul.u32 $0xF7A, s1;
	s8 =	simm.s32 @!p0 $0x1BF5;
	p2 =	por !p2, p0  }
0x20: {  	[sflag:s8] =	ssyncset.s32 @!p0 $0xFFFFF086;
	s6 =	sadd.s32 @!p0 s3, s7;
	s7 =	simm.s32 @!p0 $0x108  }
0x21: {  	s3 =	sadd.s32 s3, s9;
	s6 =	sadd.s32 @!p0 $0x88, s6;
	s7 =	simm.s32 @p2 $0x1082  }
0x22: {  	[simem:s7], [sflag:s8] =	dma.local @!p0 [hbm:s6], $0xF7A  }
0x23: {  	s9 =	sor.u32 $0xD0000000, s2;
	s6 =	simm.s32 $0x108;
	_ =	swait.ge @!p0 [sflag:s8], $0x0  }
0x24: {  	s3 =	sadd.s32 $0x88, s3;
	s6 =	simm.s32 @!p1 $0x1082;
	[sflag:s4] =	ssyncset.s32 $0xFFFFF086  }
0x25: {  	[simem:s6], [sflag:s4] =	dma.local [hbm:s3], $0xF7A  }
0x26: {  	[smem:$0x3F8D] =	sst s1;
	(tag) =	ssettag s2;
	_ =	strace s9  }
0x27: {  	s1 =	sld [smem:$0x3F9D]  }
0x28: {  	s2 =	sld [smem:$0x3F9E]  }
0x29: {  	s4 =	sld [smem:$0x3FA0]  }
0x2a: {  	p0 =	seq.s32 s5, $0x0;
	s5 =	sld [smem:$0x3FA1]  }
0x2b: {  	s6 =	sld [smem:$0x3FA2]  }
0x2c: {  	s7 =	sld [smem:$0x3FA3]  }
0x2d: {  	s3 =	simm.s32 $0x108;
	s8 =	sld [smem:$0x3FA4]  }
0x2e: {  	s3 =	simm.s32 @!p0 $0x1082;
	s9 =	sld [smem:$0x3FA5]  }
0x2f: {  	lr =	sadd.s32 s0, s3;
	s0 =	sld [smem:$0x3F9C]  }
0x30: {  	s3 =	sld [smem:$0x3F9F]  }
0x31: {  	[smem:$0x3FA8] =	sst s10  }
0x32: {  	s10 =	sld [smem:$0x3FA6];
	_ =	sdelay $0x3  }
0x33: {  	p0 =	seq.s32 s10, $0x1;
	s10 =	sld [smem:$0x3FA8];
	_ =	sdelay $0x3  }
0x34: {  	[smem:$0x3FA8] =	sst s10  }
0x35: {  	s10 =	sld [smem:$0x3FA7];
	_ =	sdelay $0x3  }
0x36: {  	p1 =	seq.s32 s10, $0x1;
	s10 =	sld [smem:$0x3FA8];
	_ =	sdelay $0x3  }
0x37: {  	[smem:$0x3FA8] =	sst s10  }
0x38: {  	s10 =	sld [smem:$0x3FA9]  }
0x39: {  	_ = 	snop;
	(pc) =	sbr.ind lr, $3  }
0x3a: {  	_ = 	snop  }
0x3b: {  	_ = 	snop  }
0x3c: {  	p2 =	seq.s32 s10, $0x1;
	s10 =	sld [smem:$0x3FA8]  }
0x3d: {  	_ =	shalt  }
0x3e: {  	_ =	shalt  }
0x3f: {  	_ =	shalt  }
0x40: {  	_ =	shalt  }
0x41: {  	_ =	shalt  }
0x42: {  	_ =	shalt  }
0x43: {  	_ =	shalt  }
0x44: {  	_ =	shalt  }
0x45: {  	_ =	shalt  }
0x46: {  	_ =	shalt  }
0x47: {  	_ =	shalt  }
0x48: {  	_ =	shalt  }
0x49: {  	_ =	shalt  }
0x4a: {  	_ =	shalt  }
0x4b: {  	_ =	shalt  }
0x4c: {  	_ =	shalt  }
0x4d: {  	_ =	shalt  }
0x4e: {  	_ =	shalt  }
0x4f: {  	_ =	shalt  }
0x50: {  	_ =	shalt  }
0x51: {  	_ =	shalt  }
0x52: {  	_ =	shalt  }
0x53: {  	_ =	shalt  }
0x54: {  	_ =	shalt  }
0x55: {  	_ =	shalt  }
0x56: {  	_ =	shalt  }
0x57: {  	_ =	shalt  }
0x58: {  	_ =	shalt  }
0x59: {  	_ =	shalt  }
0x5a: {  	_ =	shalt  }
0x5b: {  	_ =	shalt  }
0x5c: {  	_ =	shalt  }
0x5d: {  	_ =	shalt  }
0x5e: {  	_ =	shalt  }
0x5f: {  	_ =	shalt  }
0x60: {  	_ =	shalt  }
0x61: {  	_ =	shalt  }
0x62: {  	_ =	shalt  }
0x63: {  	_ =	shalt  }
0x64: {  	_ =	shalt  }
0x65: {  	_ =	shalt  }
0x66: {  	_ =	shalt  }
0x67: {  	_ =	shalt  }
0x68: {  	_ =	shalt  }
0x69: {  	_ =	shalt  }
0x6a: {  	_ =	shalt  }
0x6b: {  	_ =	shalt  }
0x6c: {  	_ =	shalt  }
0x6d: {  	_ =	shalt  }
0x6e: {  	_ =	shalt  }
0x6f: {  	_ =	shalt  }
0x70: {  	_ =	shalt  }
0x71: {  	_ =	shalt  }
0x72: {  	_ =	shalt  }
0x73: {  	_ =	shalt  }
0x74: {  	_ =	shalt  }
0x75: {  	_ =	shalt  }
0x76: {  	_ =	shalt  }
0x77: {  	_ =	shalt  }
0x78: {  	_ =	shalt  }
0x79: {  	_ =	shalt  }
0x7a: {  	_ =	shalt  }
0x7b: {  	_ =	shalt  }
0x7c: {  	_ =	shalt  }
0x7d: {  	_ =	shalt  }
0x7e: {  	_ =	shalt  }
0x7f: {  	_ =	shalt  }
0x80: {  	_ =	shalt  }
0x81: {  	_ =	shalt  }
0x82: {  	_ =	shalt  }
0x83: {  	_ =	shalt  }
0x84: {  	_ =	shalt  }
0x85: {  	_ =	shalt  }
0x86: {  	_ =	shalt  }
0x87: {  	_ =	shalt  }
.Lfunc_end0:
.L_simem_size_0:
called_computation.1_lowered:
.L_overlay_start_0:
0x88: {  	s2 =	sld [smem:$0x3FD9]  }
0x89: {  	s3 =	sld [smem:$0x3FFE];
	_ =	sdelay $0x1  }
0x8a: {  	s1 =	srdreg.scid  }
0x8b: {  	s0 =	sand.u32 $0x1, s1  }
0x8c: {  	s15 =	sshll.u32 s0, $0xA;
	s2 =	sadd.s32 s3, s2  }
0x8d: {  	s2 =	sadd.s32 s2, s15  }
0x8e: {  	[smem:$0x3FB4] =	sst s2  }
0x8f: {  	_ = 	snop  }
0x90: {  	s2 =	sld [smem:$0x3FD0];
	_ =	sdelay $0x2  }
0x91: {  	s16 =	simm.s32 $0xB;
	s4 =	simm.s32 $0x10  }
0x92: {  	[smem:s4], [sflag:s16] =	dma.local [hbm:s2], $0x1  }
0x93: {  	_ =	swait.eq [sflag:s16], $0x1  }
0x94: {  	[sflag:s16] =	ssyncset.done $0x0  }
0x95: {  	[sflag:s16] =	ssyncadd.s32 $0xFFFFFFFF  }
0x96: {  	s17 =	sld [smem:$0x14];
	(tm) =	ssettm $0x1  }
0x97: {  	s18 =	sld [smem:$0x3FFB];
	_ =	sdelay $0x3  }
0x98: {  	_ =	strace s18  }
0x99: {  	s2 =	sld [smem:$0x3FFC];
	_ =	sdelay $0x3  }
0x9a: {  	_ =	strace s2  }
0x9b: {  	s2 =	sld [smem:$0x3FFD];
	_ =	sdelay $0x3  }
0x9c: {  	_ =	strace s2  }
0x9d: {  	_ =	strace $0x8FFFFFFF  }
0x9e: {  	s19 =	sld [smem:$0x3FDB];
	_ =	sdelay $0x1  }
0x9f: {  	s20 =	simm.s32 $_scs_section_size  }
0xa0: {  	s5 =	simm.s32 $_size__tile_overlayer_lowered;
	s6 =	simm.s32 $_tile_overlayer_lowered  }
0xa1: {  	s7 =	simm.s32 $0x1BFF;
	s21 =	sshll.u32 s6, $0x1;
	s4 =	sadd.s32 s20, s19  }
0xa2: {  	s22 =	simm.s32 $0x0;
	s5 =	sshll.u32 s5, $0x1;
	s6 =	sadd.s32 s21, s4  }
0xa3: {  	[timem:s22], [sflag:s7] =	dma.local [hbm:s6], s5  }
0xa4: {  	_ =	swait.ge [sflag:s7], s5  }
0xa5: {  	s5 =	ssub.s32 $0x0, s5;
	[sflag:s7] =	ssyncset.done $0x0  }
0xa6: {  	[sflag:s7] =	ssyncadd.s32 s5;
	_ =	sdelay $0x1  }
0xa7: {  	s23 =	simm.s32 $0x1B8B  }
0xa8: {  	_ =	swait.ge [sflag:s23], $0x1  }
0xa9: {  	[sflag:s23] =	ssyncset.done $0x0  }
0xaa: {  	[sflag:s23] =	ssyncadd.s32 $0xFFFFFFFF  }
0xab: {  	s5 =	sld [smem:$0x0]  }
0xac: {  	s6 =	sand.u32 $0xFFFFFFFE, s1  }
0xad: {  	p0 =	sne.s32 s1, s6  }
0xae: {  	s6 =	sshll.u32 @p0 s6, $0xE  }
0xaf: {  	s6 =	sadd.s32 @p0 $0x11B8D, s6;
	s7 =	sshll.u32 @p0 s5, $0x11  }
0xb0: {  	s6 =	sor.u32 @p0 s7, s6  }
0xb1: {  	[sflag:s6] =	ssyncadd.remote.s32 @p0 $0x1;
	_ =	sdelay $0x1  }
0xb2: {  	s6 =	simm.s32 @p0 $0x1B8D  }
0xb3: {  	_ =	swait.eq @p0 [sflag:s6], $0x1  }
0xb4: {  	[sflag:s6] =	ssyncadd.s32 @p0 $0xFFFFFFFF  }
0xb5: {  	s7 =	sshll.u32 @!p0 s1, $0xE  }
0xb6: {  	s7 =	sor.u32 @!p0 $0x4000, s7;
	s6 =	simm.s32 @!p0 $0x1B8D  }
0xb7: {  	s5 =	sshll.u32 @!p0 s5, $0x11;
	s7 =	sadd.s32 @!p0 $0x11B8D, s7;
	_ =	swait.eq @!p0 [sflag:s6], $0x1  }
0xb8: {  	s5 =	sor.u32 @!p0 s5, s7;
	[sflag:s6] =	ssyncadd.s32 @!p0 $0xFFFFFFFF  }
0xb9: {  	s25 =	simm.s32 $0x1B8E;
	s24 =	sld [smem:$0x3FFE];
	[sflag:s5] =	ssyncadd.remote.s32 @!p0 $0x1  }
0xba: {  	s26 =	simm.s32 $execute0_lowered;
	[smem:$0x3FD2] =	sst s25  }
0xbb: {  	s6 =	sshll.u32 s26, $0x1;
	_ =	strace $0x80000049;
	[dreg:$0x1] =	wrdreg $0xFFFFFFFF  }
0xbc: {  	s28 =	simm.s32 $_size_execute0_lowered;
	s4 =	sadd.s32 s4, s6;
	[dreg:$0x0] =	wrdreg $0x0  }
0xbd: {  	s6 =	sshll.u32 s28, $0x1;
	[dreg:$0x2] =	wrdreg s4  }
0xbe: {  	[dreg:$0x3] =	wrdreg s6  }
0xbf: {  	[dreg:$0x4] =	wrdreg $0xC0  }
0xc0: {  	_ =	task [dreg:s22], $0x5FFFF  }
0xc1: {  	[dreg:$0x1] =	wrdreg $0xFFFFFFFF  }
0xc2: {  	[dreg:$0x0] =	wrdreg $0x60  }
0xc3: {  	[dreg:$0x2] =	wrdreg s17  }
0xc4: {  	[dreg:$0x3] =	wrdreg s24  }
0xc5: {  	[dreg:$0x4] =	wrdreg $0x0  }
0xc6: {  	[dreg:$0x5] =	wrdreg $0x9  }
0xc7: {  	_ =	task.clear_ibuf [dreg:s22], $0x6FFFF;
	_ =	strace $0x90000049  }
0xc8: {  	s29 =	simm.s32 $0x9;
	_ =	strace $0x8000004B  }
0xc9: {  	_ =	swait.ge [sflag:s29], $0x1  }
0xca: {  	[sflag:s29] =	ssyncadd.s32 $0xFFFFFFFF  }
0xcb: {  	_ =	strace $0x9000004B  }
0xcc: {  	_ =	sfence  }
0xcd: {  	s30 =	sld [smem:$0x0];
	_ =	sdelay $0x2  }
0xce: {  	s31 =	sshll.u32 s1, $0xD;
	s1 =	sshrl.u32 s1, $0x2  }
0xcf: {  	s4 =	sand.u32 $0x4000, s31;
	s1 =	sadd.s32 s1, s30  }
0xd0: {  	s0 =	sor.u32 s4, s0;
	s1 =	sshll.u32 s1, $0x11  }
0xd1: {  	s0 =	sor.u32 s1, s0  }
0xd2: {  	s0 =	sadd.s32 $0x8F2B, s0  }
0xd3: {  	[sflag:s0] =	ssyncadd.remote.s32 $0x1  }
0xd4: {  	_ =	sfence.sel $0xFFFF  }
0xd5: {  	[dreg:$0x0] =	wrdreg $0xFFFFFFFF;
	(pc) =	sbr.abs _section_cstart, $3  }
0xd6: {  	[dreg:$0x1] =	wrdreg $0xFFFFFFFF  }
0xd7: {  	_ =	task.clear_ibuf [dreg:s22], $0x2FFFF;
	_ =	strace $0x9FFFFFFF  }
0xd8: {  	(tm) =	ssettm $0x7FFFFFFF  }
0xd9: {  	_ =	shalt  }
tec
execute0_lowered:
.L_overlay_start_1:
0x0: {  	(tag) =	ssettag $0x1  }
0x1: {  	s9 =	rddreg [dreg:$0x0]  }
0x2: {  	s6 =	rddreg [dreg:$0x1]  }
0x3: {  	s1 =	rddreg [dreg:$0x2]  }
0x4: {  	s2 =	srdreg.scid;
	s0 =	rddreg [dreg:$0x3];
	s3 =	simm.s32 $0x0  }
0x5: {  	s17 =	simm.s32 $0x80;
	s18 =	simm.s32 $0x13C80;
	s19 =	simm.s32 $0x13D00  }
0x6: {  	s20 =	simm.s32 $0x13D80;
	s21 =	simm.s32 $0x13E00;
	s22 =	simm.s32 $0x13E80  }
0x7: {  	s23 =	simm.s32 $0x13F00;
	s24 =	simm.s32 $0x13F80;
	s7 =	sand.u32 $0x1, s2  }
0x8: {  	s25 =	simm.s32 $0x1;
	s2 =	stileid.u32;
	s5 =	smul.u32 $0x13C000, s7  }
0x9: {  	s26 =	simm.s32 $0x0;
	[smem:$0x7FF] =	sst s3;
	s8 =	smul.u32 $0x13C00, s2  }
0xa: {  	s4 =	sadd.s32 $0xBC00, s6;
	_ =	strace $0x8000004A;
	s10 =	smul.u32 $0x4F000, s2  }
0xb: {  	s11 =	ssub.s32 $0x2, s7;
	s31 =	sshll.u32 s2, $0x6;
	s13 =	smul.u32 $0x2800, s7  }
0xc: {  	s16 =	smul.u32 $0x280, s2;
	s30 =	sshrl.u32 s11, $0x1;
	s8 =	sadd.s32 s8, s5  }
0xd: {  	s5 =	sadd.s32 $0xC600, s6;
	s10 =	sshrl.u32 s10, $0x2;
	s11 =	ssub.s32 s11, s30  }
0xe: {  	s9 =	sadd.s32 s13, s9;
	s8 =	sshrl.u32 s8, $0x3;
	s10 =	sadd.s32 s10, s1  }
0xf: {  	s9 =	sadd.s32 s16, s9;
	s16 =	simm.s32 $0x13C00;
	s8 =	sadd.s32 s8, s6  }
0x10: {  	s6 =	sor.u32 $0x1C02, s31;
	s12 =	sadd.s32 $0x4F00, s10;
	s14 =	sadd.s32 $0x9E00, s10  }
0x11: {  	s15 =	sadd.s32 $0xED00, s10;
	s10 =	sshrl.u32 s10, $0x3;
	s7 =	sadd.s32 $0xCE00, s8  }
0x12: {  	s8 =	smax.u32 s11, $0x1;
	s11 =	simm.s32 $0x2;
	s12 =	sshrl.u32 s12, $0x3  }
0x13: {  	s13 =	sshrl.u32 s14, $0x3;
	s14 =	sshrl.u32 s15, $0x3;
	s15 =	simm.s32 $0x14000  }
.LBB2_1:
0x14: {  	[spmem:s10], [sflag:s6] =	dma.local [hbm:s4], $0x9E0  }
0x15: {  	_ =	swait.ge [sflag:s11], $0x9E0  }
0x16: {  	[sflag:s11] =	ssyncset.done $0x0  }
0x17: {  	[sflag:s11] =	ssyncadd.s32 $0xFFFFF620  }
0x18: {  	[spmem:s12], [sflag:s6] =	dma.local [hbm:s4], $0x9E0  }
0x19: {  	_ =	swait.ge [sflag:s11], $0x9E0  }
0x1a: {  	[sflag:s11] =	ssyncset.done $0x0  }
0x1b: {  	[sflag:s11] =	ssyncadd.s32 $0xFFFFF620  }
0x1c: {  	[spmem:s13], [sflag:s6] =	dma.local [hbm:s4], $0x9E0  }
0x1d: {  	_ =	swait.ge [sflag:s11], $0x9E0  }
0x1e: {  	[sflag:s11] =	ssyncset.done $0x0  }
0x1f: {  	[sflag:s11] =	ssyncadd.s32 $0xFFFFF620  }
0x20: {  	[spmem:s14], [sflag:s6] =	dma.local [hbm:s4], $0x9E0  }
0x21: {  	_ =	swait.ge [sflag:s11], $0x9E0  }
0x22: {  	[sflag:s11] =	ssyncset.done $0x0  }
0x23: {  	[sflag:s11] =	ssyncadd.s32 $0xFFFFF620  }
0x24: {  	[tilespmem:s15], [sflag:$0x2] =	stream.linear.gather [hbm4b:s5+s3], $0x4000, $0x38;
	[tilespmem:$0x18000] =	vst v63  }
0x25: {  	_ =	swait.ge [sflag:s11], $0x4000  }
0x26: {  	[sflag:s11] =	ssyncset.done $0x0  }
0x27: {  	[sflag:s11] =	ssyncadd.s32 $0xFFFFC000  }
0x28: {  	s28 =	sadd.s32 $0x0, s9;
	[bflag:$0x0] =	sbarrier.arrive $0xFFFF  }
0x29: {  	[tilespmem:s16], [sflag:$0x2] =	stream.linear.gather [hbm4b:s28+s3], $0x400, $0x38;
	[tilespmem:$0x18000] =	vst v63  }
0x2a: {  	_ =	swait.ge [sflag:s11], $0x400  }
0x2b: {  	[sflag:s11] =	ssyncset.done $0x0  }
0x2c: {  	[sflag:s11] =	ssyncadd.s32 $0xFFFFFC00  }
0x2d: {  	[spmem:s1] =	stream.indirect.scatter.add.f32 [tilespmem:s15], [sflag:$0x1], $0x80, s16, s17, $0xb8;
	[tilespmem:$0x18000] =	vst v63  }
0x2e: {  	_ = 	snop  }
0x2f: {  	[spmem:s1] =	stream.indirect.scatter.add.f32 [tilespmem:s15], [sflag:$0x1], $0x80, s18, s17, $0xb8;
	[tilespmem:$0x18000] =	vst v63  }
0x30: {  	_ = 	snop  }
0x31: {  	[spmem:s1] =	stream.indirect.scatter.add.f32 [tilespmem:s15], [sflag:$0x1], $0x80, s19, s17, $0xb8;
	[tilespmem:$0x18000] =	vst v63  }
0x32: {  	_ = 	snop  }
0x33: {  	[spmem:s1] =	stream.indirect.scatter.add.f32 [tilespmem:s15], [sflag:$0x1], $0x80, s20, s17, $0xb8;
	[tilespmem:$0x18000] =	vst v63  }
0x34: {  	_ = 	snop  }
0x35: {  	[spmem:s1] =	stream.indirect.scatter.add.f32 [tilespmem:s15], [sflag:$0x1], $0x80, s21, s17, $0xb8;
	[tilespmem:$0x18000] =	vst v63  }
0x36: {  	_ = 	snop  }
0x37: {  	[spmem:s1] =	stream.indirect.scatter.add.f32 [tilespmem:s15], [sflag:$0x1], $0x80, s22, s17, $0xb8;
	[tilespmem:$0x18000] =	vst v63  }
0x38: {  	_ = 	snop  }
0x39: {  	[spmem:s1] =	stream.indirect.scatter.add.f32 [tilespmem:s15], [sflag:$0x1], $0x80, s23, s17, $0xb8;
	[tilespmem:$0x18000] =	vst v63  }
0x3a: {  	_ = 	snop  }
0x3b: {  	[spmem:s1] =	stream.indirect.scatter.add.f32 [tilespmem:s15], [sflag:$0x1], $0x80, s24, s17, $0xb8;
	[tilespmem:$0x18000] =	vst v63  }
0x3c: {  	_ =	swait.ge [sflag:s25], $0x4000  }
0x3d: {  	[sflag:s25] =	ssyncset.done $0x0  }
0x3e: {  	[sflag:s25] =	ssyncadd.s32 $0xFFFFC000  }
0x3f: {  	_ =	swait.ge [sflag:s25], $0x4000  }
0x40: {  	[sflag:s25] =	ssyncset.done $0x0  }
0x41: {  	[sflag:s25] =	ssyncadd.s32 $0xFFFFC000  }
0x42: {  	_ =	swait.ge [sflag:s25], $0x4000  }
0x43: {  	[sflag:s25] =	ssyncset.done $0x0  }
0x44: {  	[sflag:s25] =	ssyncadd.s32 $0xFFFFC000  }
0x45: {  	_ =	swait.ge [sflag:s25], $0x4000  }
0x46: {  	[sflag:s25] =	ssyncset.done $0x0  }
0x47: {  	[sflag:s25] =	ssyncadd.s32 $0xFFFFC000  }
0x48: {  	_ =	swait.ge [sflag:s25], $0x4000  }
0x49: {  	[sflag:s25] =	ssyncset.done $0x0  }
0x4a: {  	[sflag:s25] =	ssyncadd.s32 $0xFFFFC000  }
0x4b: {  	_ =	swait.ge [sflag:s25], $0x4000  }
0x4c: {  	[sflag:s25] =	ssyncset.done $0x0  }
0x4d: {  	[sflag:s25] =	ssyncadd.s32 $0xFFFFC000  }
0x4e: {  	_ =	swait.ge [sflag:s25], $0x4000  }
0x4f: {  	[sflag:s25] =	ssyncset.done $0x0  }
0x50: {  	[sflag:s25] =	ssyncadd.s32 $0xFFFFC000  }
0x51: {  	_ =	swait.ge [sflag:s25], $0x4000  }
0x52: {  	s30 =	simm.s32 $0x100;
	s28 =	simm.s32 $0x80;
	[sflag:s25] =	ssyncset.done $0x0  }
.LBB2_2:
0x53: {  	s31 =	sadd.s32 s28, s9  }
0x54: {  	[sflag:s25] =	ssyncadd.s32 $0xFFFFC000;
	s28 =	smov.u32 s30;
	s29 =	sadd.s32 $0x80, s30  }
0x55: {  	[tilespmem:s16], [sflag:$0x2] =	stream.linear.gather [hbm4b:s31+s3], $0x400, $0x38;
	[tilespmem:$0x18000] =	vst v63  }
0x56: {  	p0 =	sne.s32 s30, $0x200;
	_ =	swait.ge [sflag:s11], $0x400  }
0x57: {  	[sflag:s11] =	ssyncset.done $0x0  }
0x58: {  	[sflag:s11] =	ssyncadd.s32 $0xFFFFFC00  }
0x59: {  	[spmem:s1] =	stream.indirect.scatter.add.f32 [tilespmem:s15], [sflag:$0x1], $0x80, s16, s17, $0xb8;
	[tilespmem:$0x18000] =	vst v63  }
0x5a: {  	_ = 	snop  }
0x5b: {  	[spmem:s1] =	stream.indirect.scatter.add.f32 [tilespmem:s15], [sflag:$0x1], $0x80, s18, s17, $0xb8;
	[tilespmem:$0x18000] =	vst v63  }
0x5c: {  	_ = 	snop  }
0x5d: {  	[spmem:s1] =	stream.indirect.scatter.add.f32 [tilespmem:s15], [sflag:$0x1], $0x80, s19, s17, $0xb8;
	[tilespmem:$0x18000] =	vst v63  }
0x5e: {  	_ = 	snop  }
0x5f: {  	[spmem:s1] =	stream.indirect.scatter.add.f32 [tilespmem:s15], [sflag:$0x1], $0x80, s20, s17, $0xb8;
	[tilespmem:$0x18000] =	vst v63  }
0x60: {  	_ = 	snop  }
0x61: {  	[spmem:s1] =	stream.indirect.scatter.add.f32 [tilespmem:s15], [sflag:$0x1], $0x80, s21, s17, $0xb8;
	[tilespmem:$0x18000] =	vst v63  }
0x62: {  	_ = 	snop  }
0x63: {  	[spmem:s1] =	stream.indirect.scatter.add.f32 [tilespmem:s15], [sflag:$0x1], $0x80, s22, s17, $0xb8;
	[tilespmem:$0x18000] =	vst v63  }
0x64: {  	_ = 	snop  }
0x65: {  	[spmem:s1] =	stream.indirect.scatter.add.f32 [tilespmem:s15], [sflag:$0x1], $0x80, s23, s17, $0xb8;
	[tilespmem:$0x18000] =	vst v63  }
0x66: {  	_ = 	snop  }
0x67: {  	[spmem:s1] =	stream.indirect.scatter.add.f32 [tilespmem:s15], [sflag:$0x1], $0x80, s24, s17, $0xb8;
	[tilespmem:$0x18000] =	vst v63  }
0x68: {  	_ =	swait.ge [sflag:s25], $0x4000  }
0x69: {  	[sflag:s25] =	ssyncset.done $0x0  }
0x6a: {  	[sflag:s25] =	ssyncadd.s32 $0xFFFFC000  }
0x6b: {  	_ =	swait.ge [sflag:s25], $0x4000  }
0x6c: {  	[sflag:s25] =	ssyncset.done $0x0  }
0x6d: {  	[sflag:s25] =	ssyncadd.s32 $0xFFFFC000  }
0x6e: {  	_ =	swait.ge [sflag:s25], $0x4000  }
0x6f: {  	[sflag:s25] =	ssyncset.done $0x0  }
0x70: {  	[sflag:s25] =	ssyncadd.s32 $0xFFFFC000  }
0x71: {  	_ =	swait.ge [sflag:s25], $0x4000  }
0x72: {  	[sflag:s25] =	ssyncset.done $0x0  }
0x73: {  	[sflag:s25] =	ssyncadd.s32 $0xFFFFC000  }
0x74: {  	_ =	swait.ge [sflag:s25], $0x4000  }
0x75: {  	[sflag:s25] =	ssyncset.done $0x0  }
0x76: {  	[sflag:s25] =	ssyncadd.s32 $0xFFFFC000  }
0x77: {  	_ =	swait.ge [sflag:s25], $0x4000  }
0x78: {  	[sflag:s25] =	ssyncset.done $0x0  }
0x79: {  	[sflag:s25] =	ssyncadd.s32 $0xFFFFC000  }
.Ltmp0:
0x7a: {  	_ =	swait.ge [sflag:s25], $0x4000;
	(pc) =	sbr.rel @p0 .LBB2_2-.Ltmp0, $4  }
0x7b: {  	[sflag:s25] =	ssyncset.done $0x0  }
0x7c: {  	[sflag:s25] =	ssyncadd.s32 $0xFFFFC000  }
0x7d: {  	_ =	swait.ge [sflag:s25], $0x4000  }
0x7e: {  	s30 =	smov.u32 s29;
	[sflag:s25] =	ssyncset.done $0x0  }
0x7f: {  	s28 =	sadd.s32 s28, s9;
	[sflag:s25] =	ssyncadd.s32 $0xFFFFC000  }
0x80: {  	[tilespmem:s16], [sflag:$0x2] =	stream.linear.gather [hbm4b:s28+s3], $0x400, $0x38;
	[tilespmem:$0x18000] =	vst v63  }
0x81: {  	_ =	swait.ge [sflag:s11], $0x400  }
0x82: {  	[sflag:s11] =	ssyncset.done $0x0  }
0x83: {  	[sflag:s11] =	ssyncadd.s32 $0xFFFFFC00  }
0x84: {  	[spmem:s1] =	stream.indirect.scatter.add.f32 [tilespmem:s15], [sflag:$0x1], $0x80, s16, s17, $0xb8;
	[tilespmem:$0x18000] =	vst v63  }
0x85: {  	_ = 	snop  }
0x86: {  	[spmem:s1] =	stream.indirect.scatter.add.f32 [tilespmem:s15], [sflag:$0x1], $0x80, s18, s17, $0xb8;
	[tilespmem:$0x18000] =	vst v63  }
0x87: {  	_ = 	snop  }
0x88: {  	[spmem:s1] =	stream.indirect.scatter.add.f32 [tilespmem:s15], [sflag:$0x1], $0x80, s19, s17, $0xb8;
	[tilespmem:$0x18000] =	vst v63  }
0x89: {  	_ = 	snop  }
0x8a: {  	[spmem:s1] =	stream.indirect.scatter.add.f32 [tilespmem:s15], [sflag:$0x1], $0x80, s20, s17, $0xb8;
	[tilespmem:$0x18000] =	vst v63  }
0x8b: {  	_ = 	snop  }
0x8c: {  	[spmem:s1] =	stream.indirect.scatter.add.f32 [tilespmem:s15], [sflag:$0x1], $0x80, s21, s17, $0xb8;
	[tilespmem:$0x18000] =	vst v63  }
0x8d: {  	_ = 	snop  }
0x8e: {  	[spmem:s1] =	stream.indirect.scatter.add.f32 [tilespmem:s15], [sflag:$0x1], $0x80, s22, s17, $0xb8;
	[tilespmem:$0x18000] =	vst v63  }
0x8f: {  	_ = 	snop  }
0x90: {  	[spmem:s1] =	stream.indirect.scatter.add.f32 [tilespmem:s15], [sflag:$0x1], $0x80, s23, s17, $0xb8;
	[tilespmem:$0x18000] =	vst v63  }
0x91: {  	_ = 	snop  }
0x92: {  	[spmem:s1] =	stream.indirect.scatter.add.f32 [tilespmem:s15], [sflag:$0x1], $0x80, s24, s17, $0xb8;
	[tilespmem:$0x18000] =	vst v63  }
0x93: {  	_ =	swait.ge [sflag:s25], $0x4000  }
0x94: {  	[sflag:s25] =	ssyncset.done $0x0  }
0x95: {  	[sflag:s25] =	ssyncadd.s32 $0xFFFFC000  }
0x96: {  	_ =	swait.ge [sflag:s25], $0x4000  }
0x97: {  	[sflag:s25] =	ssyncset.done $0x0  }
0x98: {  	[sflag:s25] =	ssyncadd.s32 $0xFFFFC000  }
0x99: {  	_ =	swait.ge [sflag:s25], $0x4000  }
0x9a: {  	[sflag:s25] =	ssyncset.done $0x0  }
0x9b: {  	[sflag:s25] =	ssyncadd.s32 $0xFFFFC000  }
0x9c: {  	_ =	swait.ge [sflag:s25], $0x4000  }
0x9d: {  	[sflag:s25] =	ssyncset.done $0x0  }
0x9e: {  	[sflag:s25] =	ssyncadd.s32 $0xFFFFC000  }
0x9f: {  	_ =	swait.ge [sflag:s25], $0x4000  }
0xa0: {  	[sflag:s25] =	ssyncset.done $0x0  }
0xa1: {  	[sflag:s25] =	ssyncadd.s32 $0xFFFFC000  }
0xa2: {  	_ =	swait.ge [sflag:s25], $0x4000  }
0xa3: {  	[sflag:s25] =	ssyncset.done $0x0  }
0xa4: {  	[sflag:s25] =	ssyncadd.s32 $0xFFFFC000  }
0xa5: {  	_ =	swait.ge [sflag:s25], $0x4000  }
0xa6: {  	[sflag:s25] =	ssyncset.done $0x0  }
0xa7: {  	[sflag:s25] =	ssyncadd.s32 $0xFFFFC000  }
0xa8: {  	_ =	swait.ge [sflag:s25], $0x4000  }
0xa9: {  	s26 =	sadd.s32 $0x1, s26;
	[sflag:s25] =	ssyncset.done $0x0  }
0xaa: {  	p0 =	sne.s32 s26, s8;
	[sflag:s25] =	ssyncadd.s32 $0xFFFFC000  }
.Ltmp1:
0xab: {  	[bflag:$0x0] =	sbarrier.arrive $0xFFFF;
	(pc) =	sbr.rel @p0 .LBB2_1-.Ltmp1, $4  }
0xac: {  	[hbm:s7], [sflag:s6] =	dma.local [spmem:s10], $0x2780  }
0xad: {  	_ =	swait.ge [sflag:s11], $0x2780  }
0xae: {  	[sflag:s11] =	ssyncset.done $0x0  }
0xaf: {  	[sflag:s11] =	ssyncadd.s32 $0xFFFFD880  }
0xb0: {  	_ =	sfence.sel $0x180000  }
0xb1: {  	[bflag:$0x0] =	sbarrier.arrive $0xFFFF  }
0xb2: {  	p0 =	sne.s32 s2, $0x0;
	_ =	strace $0x9000004A  }
0xb3: {  	s0 =	sadd.s32 @!p0 $0x100000, s0;
	[bflag:$0x2] =	sbarrier.arrive $0xFFFF  }
0xb4: {  	[sflag:s0] =	ssyncadd.tile.s32 @!p0 $0x1;
	_ =	shalt  }
.Lfunc_end2:
_tile_overlayer_lowered:
.L_overlay_start_2:
0xb5: {  	(tag) =	ssettag $0x2  }
0xb6: {  	s0 =	rddreg [dreg:$0x0];
	s2 =	stileid.u32  }
0xb7: {  	s1 =	rddreg [dreg:$0x1];
	p0 =	sne.s32 s2, $0x0  }
0xb8: {  	s3 =	rddreg [dreg:$0x2];
	[bflag:$0x3] =	sbarrier.arrive $0xFFFF;
	s2 =	simm.s32 @!p0 $0x1C02  }
0xb9: {  	[timem:s3], [sflag:s2] =	dma.local @!p0 [hbm:s0], s1  }
0xba: {  	s0 =	simm.s32 @!p0 $0x2  }
0xbb: {  	_ =	swait.ge @!p0 [sflag:s0], s1  }
0xbc: {  	s1 =	ssub.s32 @!p0 $0x0, s1;
	[sflag:s0] =	ssyncset.done @!p0 $0x0  }
0xbd: {  	[sflag:s0] =	ssyncadd.s32 @!p0 s1  }
0xbe: {  	[bflag:$0x3] =	sbarrier.arrive $0xFFFF  }
0xbf: {  	_ =	shalt  }

</sc_bundles>
